<compile_context>
chip_gen: v7x
topology: tpu7x:2x2x1
jax: 0.10.2.dev20260603
libtpu: 0.0.44.dev20260713+nightly
codegen_flags: <defaults>
</compile_context>

<pallas_src>
import functools

import jax
import jax.numpy as jnp
from jax import lax
from jax.experimental import pallas as pl
from jax.experimental.pallas import tpu as pltpu
from jax.experimental.pallas import tpu_sc as plsc

NUM_NODES = 100000
D = 128
G = 512
CHUNK = 80
NW = 32
ROWS_PER_W = 3120
GROUP = 208
SCAT = 104
NGROUP = ROWS_PER_W // GROUP
NSCAT = GROUP // SCAT
TAIL = (NUM_NODES - NW * ROWS_PER_W) // CHUNK


NBUF = 4


@functools.partial(
    pl.kernel,
    mesh=plsc.VectorSubcoreMesh(core_axis_name="c", subcore_axis_name="s"),
    out_type=jax.ShapeDtypeStruct((2, G, D), jnp.float32),
    scratch_types=(
        [pltpu.VMEM((NGROUP * NSCAT, SCAT), jnp.int32),
         pltpu.VMEM((1, CHUNK), jnp.int32)]
        + [pltpu.VMEM((GROUP, D), jnp.float32)] * NBUF
        + [pltpu.VMEM_SHARED((G, D), jnp.float32)]
        + [pltpu.SemaphoreType.DMA] * (2 * NBUF)
    ),
)
def _sc_pool(x_hbm, batch3d_hbm, tail3d_hbm, zeros_hbm, partial_hbm,
             idx_v, tidx_v, *rest):
    rows = rest[:NBUF]
    acc_sh = rest[NBUF]
    gsem = rest[NBUF + 1:NBUF + 1 + NBUF]
    ssem = rest[NBUF + 1 + NBUF:]
    cid = lax.axis_index("c")
    sid = lax.axis_index("s")
    w = cid * 16 + sid

    def gather(g, b):
        base = w * ROWS_PER_W + g * GROUP
        pltpu.async_copy(x_hbm.at[pl.ds(base, GROUP)], rows[b], gsem[b])

    def drain_g(b):
        pltpu.make_async_copy(x_hbm.at[pl.ds(0, GROUP)], rows[b], gsem[b]).wait()

    def drain_s(b):
        pltpu.make_async_copy(x_hbm.at[pl.ds(0, SCAT)],
                              rows[b].at[pl.ds(0, SCAT)], ssem[b]).wait()

    gather(0, 0)
    gather(1, 1)
    gather(2, 2)

    s32 = sid * 32
    pltpu.sync_copy(zeros_hbm.at[pl.ds(s32, 32)], rows[3].at[pl.ds(0, 32)])
    pltpu.sync_copy(rows[3].at[pl.ds(0, 32)], acc_sh.at[pl.ds(s32, 32)])

    pltpu.sync_copy(batch3d_hbm.at[w], idx_v)

    @pl.when(w < TAIL)
    def _():
        pltpu.sync_copy(tail3d_hbm.at[w], tidx_v)

    plsc.subcore_barrier()

    for g in range(NGROUP):
        b = g % NBUF
        drain_g(b)
        for c in range(NSCAT):
            pltpu.async_copy(rows[b].at[pl.ds(c * SCAT, SCAT)],
                             acc_sh.at[idx_v.at[g * NSCAT + c]],
                             ssem[b], add=True)
        gg = g + 3
        if gg < NGROUP:
            b2 = gg % NBUF
            if gg >= NBUF:
                for c in range(NSCAT):
                    drain_s(b2)
            gather(gg, b2)
    for g in range(NGROUP - NBUF, NGROUP):
        for c in range(NSCAT):
            drain_s(g % NBUF)

    @pl.when(w < TAIL)
    def _():
        base = NW * ROWS_PER_W + w * CHUNK
        pltpu.sync_copy(x_hbm.at[pl.ds(base, CHUNK)], rows[0].at[pl.ds(0, CHUNK)])
        pltpu.sync_copy(rows[0].at[pl.ds(0, CHUNK)], acc_sh.at[tidx_v.at[0]],
                        add=True)

    plsc.subcore_barrier()

    pltpu.sync_copy(acc_sh.at[pl.ds(s32, 32)], rows[0].at[pl.ds(0, 32)])
    pltpu.sync_copy(rows[0].at[pl.ds(0, 32)], partial_hbm.at[cid].at[pl.ds(s32, 32)])


def _combine_body(p_ref, o_ref):
    o_ref[...] = p_ref[0] + p_ref[1]


def kernel(x, batch):
    main = NW * ROWS_PER_W
    batch3d = batch[:main].reshape(NW, NGROUP * NSCAT, SCAT)
    tail3d = batch[main:].reshape(TAIL, 1, CHUNK)
    zeros = jnp.zeros((G, D), jnp.float32)
    partial = _sc_pool(x, batch3d, tail3d, zeros)
    return pl.pallas_call(
        _combine_body,
        out_shape=jax.ShapeDtypeStruct((G, D), jnp.float32),
    )(partial)

# --- scband reference (transcript-rebuilt; emitter-appended) ---
"""Pipeline reference for scband-add-pooling-46651934769556 (READ-ONLY COPY).

The authoritative reference and input builder live on the scoring server;
editing this copy changes nothing except your own understanding.
"""

import jax, jax.numpy as jnp
import numpy as np

NUM_NODES = 100000
D_FEAT = 128
NUM_GRAPHS = 512

def setup_inputs(seed: int = 0) -> dict:
    key = jax.random.key(seed)
    k1, k2 = jax.random.split(key)
    x = jax.random.normal(k1, (NUM_NODES, D_FEAT), dtype=jnp.float32)
    batch = jnp.sort(jax.random.randint(k2, (NUM_NODES,), 0, NUM_GRAPHS, dtype=jnp.int32))
    return {"x": x, "batch": batch}

def reference(x, batch):
    # scatter_sum(x, batch, dim=0): sum node features per graph id.
    pooled = jax.ops.segment_sum(x, batch, num_segments=NUM_GRAPHS)
    # nn.Dropout is identity in eval mode.
    return pooled

if __name__ == "__main__":
    import jax
    _d = setup_inputs()
    print(jax.jit(kernel)(*tuple(_d.values())))

</pallas_src>

<mosaic_0001>
#map = affine_map<(d0, d1) -> (0, 0)>
#map1 = affine_map<(d0, d1) -> (0, 0, 0)>
module attributes {stable_mosaic.version = 14 : i64} {
  func.func @_sc_pool(%arg0: i32, %arg1: i32, %arg2: memref<100000x128xf32, #tpu.memory_space<hbm>>, %arg3: memref<32x30x104xi32, #tpu.memory_space<hbm>>, %arg4: memref<2x1x80xi32, #tpu.memory_space<hbm>>, %arg5: memref<512x128xf32, #tpu.memory_space<hbm>>, %arg6: memref<2x512x128xf32, #tpu.memory_space<hbm>>, %arg7: memref<30x104xi32, #tpu.memory_space<vmem>>, %arg8: memref<1x80xi32, #tpu.memory_space<vmem>>, %arg9: memref<208x128xf32, #tpu.memory_space<vmem>>, %arg10: memref<208x128xf32, #tpu.memory_space<vmem>>, %arg11: memref<208x128xf32, #tpu.memory_space<vmem>>, %arg12: memref<208x128xf32, #tpu.memory_space<vmem>>, %arg13: memref<512x128xf32, #tpu.memory_space<vmem_shared>>, %arg14: memref<!tpu.dma_semaphore, #tpu.memory_space<semaphore_mem>>, %arg15: memref<!tpu.dma_semaphore, #tpu.memory_space<semaphore_mem>>, %arg16: memref<!tpu.dma_semaphore, #tpu.memory_space<semaphore_mem>>, %arg17: memref<!tpu.dma_semaphore, #tpu.memory_space<semaphore_mem>>, %arg18: memref<!tpu.dma_semaphore, #tpu.memory_space<semaphore_mem>>, %arg19: memref<!tpu.dma_semaphore, #tpu.memory_space<semaphore_mem>>, %arg20: memref<!tpu.dma_semaphore, #tpu.memory_space<semaphore_mem>>, %arg21: memref<!tpu.dma_semaphore, #tpu.memory_space<semaphore_mem>>) attributes {dimension_semantics = [#tpu.dimension_semantics<core_parallel>, #tpu.dimension_semantics<subcore_parallel>], iteration_bounds = array<i64: 2, 16>, scalar_prefetch = 0 : i64, scratch_operands = 15 : i64, tpu.core_type = #tpu.core_type<sc_vector_subcore>, window_params = [{transform_indices = #map}, {transform_indices = #map1}, {transform_indices = #map1}, {transform_indices = #map}, {transform_indices = #map1}]} {
    %mul3A = arith.constant 16 : i32
    %mul3A_0 = arith.muli %arg0, %mul3A : i32
    %add3A = arith.addi %mul3A_0, %arg1 : i32
    %mul3A_1 = arith.constant 3120 : i32
    %mul3A_2 = arith.muli %add3A, %mul3A_1 : i32
    %add3A_3 = arith.constant 0 : i32
    %add3A_4 = arith.addi %mul3A_2, %add3A_3 : i32
    %dma_start3A = arith.constant 0 : i32
    %dma_start3A_5 = tpu.memref_slice %arg2[%add3A_4, %dma_start3A] : memref<100000x128xf32, #tpu.memory_space<hbm>> -> memref<208x128xf32, #tpu.memory_space<hbm>>
    %dma_start3A_6 = arith.constant 0 : i32
    %dma_start3A_7 = tpu.memref_slice %arg2[%add3A_4, %dma_start3A_6] : memref<100000x128xf32, #tpu.memory_space<hbm>> -> memref<208x128xf32, #tpu.memory_space<hbm>>
    tpu.enqueue_dma source(%dma_start3A_7 : memref<208x128xf32, #tpu.memory_space<hbm>>) target(%arg9 : memref<208x128xf32, #tpu.memory_space<vmem>>) target_semaphore(%arg14 : memref<!tpu.dma_semaphore, #tpu.memory_space<semaphore_mem>>)
    %mul3A_8 = arith.constant 3120 : i32
    %mul3A_9 = arith.muli %add3A, %mul3A_8 : i32
    %add3A_10 = arith.constant 208 : i32
    %add3A_11 = arith.addi %mul3A_9, %add3A_10 : i32
    %dma_start3A_12 = arith.constant 0 : i32
    %dma_start3A_13 = tpu.memref_slice %arg2[%add3A_11, %dma_start3A_12] : memref<100000x128xf32, #tpu.memory_space<hbm>> -> memref<208x128xf32, #tpu.memory_space<hbm>>
    %dma_start3A_14 = arith.constant 0 : i32
    %dma_start3A_15 = tpu.memref_slice %arg2[%add3A_11, %dma_start3A_14] : memref<100000x128xf32, #tpu.memory_space<hbm>> -> memref<208x128xf32, #tpu.memory_space<hbm>>
    tpu.enqueue_dma source(%dma_start3A_15 : memref<208x128xf32, #tpu.memory_space<hbm>>) target(%arg10 : memref<208x128xf32, #tpu.memory_space<vmem>>) target_semaphore(%arg15 : memref<!tpu.dma_semaphore, #tpu.memory_space<semaphore_mem>>)
    %mul3A_16 = arith.constant 3120 : i32
    %mul3A_17 = arith.muli %add3A, %mul3A_16 : i32
    %add3A_18 = arith.constant 416 : i32
    %add3A_19 = arith.addi %mul3A_17, %add3A_18 : i32
    %dma_start3A_20 = arith.constant 0 : i32
    %dma_start3A_21 = tpu.memref_slice %arg2[%add3A_19, %dma_start3A_20] : memref<100000x128xf32, #tpu.memory_space<hbm>> -> memref<208x128xf32, #tpu.memory_space<hbm>>
    %dma_start3A_22 = arith.constant 0 : i32
    %dma_start3A_23 = tpu.memref_slice %arg2[%add3A_19, %dma_start3A_22] : memref<100000x128xf32, #tpu.memory_space<hbm>> -> memref<208x128xf32, #tpu.memory_space<hbm>>
    tpu.enqueue_dma source(%dma_start3A_23 : memref<208x128xf32, #tpu.memory_space<hbm>>) target(%arg11 : memref<208x128xf32, #tpu.memory_space<vmem>>) target_semaphore(%arg16 : memref<!tpu.dma_semaphore, #tpu.memory_space<semaphore_mem>>)
    %mul3A_24 = arith.constant 32 : i32
    %mul3A_25 = arith.muli %arg1, %mul3A_24 : i32
    "tpu.region"() ({
      %run_scoped3A = tpu.sem_alloc : memref<!tpu.dma_semaphore, #tpu.memory_space<semaphore_mem>>
      %dma_start3A_879 = arith.constant 0 : i32
      %dma_start3A_880 = arith.constant 0 : i32
      %dma_start3A_881 = tpu.memref_slice %arg12[%dma_start3A_879, %dma_start3A_880] : memref<208x128xf32, #tpu.memory_space<vmem>> -> memref<32x128xf32, #tpu.memory_space<vmem>>
      %dma_start3A_882 = arith.constant 0 : i32
      %dma_start3A_883 = tpu.memref_slice %arg5[%mul3A_25, %dma_start3A_882] : memref<512x128xf32, #tpu.memory_space<hbm>> -> memref<32x128xf32, #tpu.memory_space<hbm>>
      %dma_start3A_884 = arith.constant 0 : i32
      %dma_start3A_885 = arith.constant 0 : i32
      %dma_start3A_886 = tpu.memref_slice %arg12[%dma_start3A_884, %dma_start3A_885] : memref<208x128xf32, #tpu.memory_space<vmem>> -> memref<32x128xf32, #tpu.memory_space<vmem>>
      %dma_start3A_887 = arith.constant 0 : i32
      %dma_start3A_888 = tpu.memref_slice %arg5[%mul3A_25, %dma_start3A_887] : memref<512x128xf32, #tpu.memory_space<hbm>> -> memref<32x128xf32, #tpu.memory_space<hbm>>
      tpu.enqueue_dma source(%dma_start3A_888 : memref<32x128xf32, #tpu.memory_space<hbm>>) target(%dma_start3A_886 : memref<32x128xf32, #tpu.memory_space<vmem>>) target_semaphore(%run_scoped3A : memref<!tpu.dma_semaphore, #tpu.memory_space<semaphore_mem>>)
      %dma_wait3A_889 = arith.constant 0 : i32
      %dma_wait3A_890 = arith.constant 0 : i32
      %dma_wait3A_891 = tpu.memref_slice %arg12[%dma_wait3A_889, %dma_wait3A_890] : memref<208x128xf32, #tpu.memory_space<vmem>> -> memref<32x128xf32, #tpu.memory_space<vmem>>
      %dma_wait3A_892 = arith.constant 0 : i32
      %dma_wait3A_893 = tpu.memref_slice %arg5[%mul3A_25, %dma_wait3A_892] : memref<512x128xf32, #tpu.memory_space<hbm>> -> memref<32x128xf32, #tpu.memory_space<hbm>>
      %dma_wait3A_894 = arith.constant 0 : i32
      %dma_wait3A_895 = arith.constant 0 : i32
      %dma_wait3A_896 = tpu.memref_slice %arg12[%dma_wait3A_894, %dma_wait3A_895] : memref<208x128xf32, #tpu.memory_space<vmem>> -> memref<32x128xf32, #tpu.memory_space<vmem>>
      %dma_wait3A_897 = arith.constant 0 : i32
      %dma_wait3A_898 = tpu.memref_slice %arg5[%mul3A_25, %dma_wait3A_897] : memref<512x128xf32, #tpu.memory_space<hbm>> -> memref<32x128xf32, #tpu.memory_space<hbm>>
      tpu.wait_dma2 semaphore(%run_scoped3A : memref<!tpu.dma_semaphore, #tpu.memory_space<semaphore_mem>>) src(%dma_wait3A_898 : memref<32x128xf32, #tpu.memory_space<hbm>>) dst(%dma_wait3A_896 : memref<32x128xf32, #tpu.memory_space<vmem>>)
      tpu.yield
    }) : () -> ()
    "tpu.region"() ({
      %run_scoped3A = tpu.sem_alloc : memref<!tpu.dma_semaphore, #tpu.memory_space<semaphore_mem>>
      %dma_start3A_879 = arith.constant 0 : i32
      %dma_start3A_880 = arith.constant 0 : i32
      %dma_start3A_881 = tpu.memref_slice %arg12[%dma_start3A_879, %dma_start3A_880] : memref<208x128xf32, #tpu.memory_space<vmem>> -> memref<32x128xf32, #tpu.memory_space<vmem>>
      %dma_start3A_882 = arith.constant 0 : i32
      %dma_start3A_883 = tpu.memref_slice %arg13[%mul3A_25, %dma_start3A_882] : memref<512x128xf32, #tpu.memory_space<vmem_shared>> -> memref<32x128xf32, #tpu.memory_space<vmem_shared>>
      %dma_start3A_884 = arith.constant 0 : i32
      %dma_start3A_885 = tpu.memref_slice %arg13[%mul3A_25, %dma_start3A_884] : memref<512x128xf32, #tpu.memory_space<vmem_shared>> -> memref<32x128xf32, #tpu.memory_space<vmem_shared>>
      %dma_start3A_886 = arith.constant 0 : i32
      %dma_start3A_887 = arith.constant 0 : i32
      %dma_start3A_888 = tpu.memref_slice %arg12[%dma_start3A_886, %dma_start3A_887] : memref<208x128xf32, #tpu.memory_space<vmem>> -> memref<32x128xf32, #tpu.memory_space<vmem>>
      tpu.enqueue_dma source(%dma_start3A_888 : memref<32x128xf32, #tpu.memory_space<vmem>>) target(%dma_start3A_885 : memref<32x128xf32, #tpu.memory_space<vmem_shared>>) target_semaphore(%run_scoped3A : memref<!tpu.dma_semaphore, #tpu.memory_space<semaphore_mem>>)
      %dma_wait3A_889 = arith.constant 0 : i32
      %dma_wait3A_890 = arith.constant 0 : i32
      %dma_wait3A_891 = tpu.memref_slice %arg12[%dma_wait3A_889, %dma_wait3A_890] : memref<208x128xf32, #tpu.memory_space<vmem>> -> memref<32x128xf32, #tpu.memory_space<vmem>>
      %dma_wait3A_892 = arith.constant 0 : i32
      %dma_wait3A_893 = tpu.memref_slice %arg13[%mul3A_25, %dma_wait3A_892] : memref<512x128xf32, #tpu.memory_space<vmem_shared>> -> memref<32x128xf32, #tpu.memory_space<vmem_shared>>
      %dma_wait3A_894 = arith.constant 0 : i32
      %dma_wait3A_895 = tpu.memref_slice %arg13[%mul3A_25, %dma_wait3A_894] : memref<512x128xf32, #tpu.memory_space<vmem_shared>> -> memref<32x128xf32, #tpu.memory_space<vmem_shared>>
      %dma_wait3A_896 = arith.constant 0 : i32
      %dma_wait3A_897 = arith.constant 0 : i32
      %dma_wait3A_898 = tpu.memref_slice %arg12[%dma_wait3A_896, %dma_wait3A_897] : memref<208x128xf32, #tpu.memory_space<vmem>> -> memref<32x128xf32, #tpu.memory_space<vmem>>
      tpu.wait_dma2 semaphore(%run_scoped3A : memref<!tpu.dma_semaphore, #tpu.memory_space<semaphore_mem>>) src(%dma_wait3A_898 : memref<32x128xf32, #tpu.memory_space<vmem>>) dst(%dma_wait3A_895 : memref<32x128xf32, #tpu.memory_space<vmem_shared>>)
      tpu.yield
    }) : () -> ()
    "tpu.region"() ({
      %run_scoped3A = tpu.sem_alloc : memref<!tpu.dma_semaphore, #tpu.memory_space<semaphore_mem>>
      %dma_start3A_879 = arith.constant 0 : i32
      %dma_start3A_880 = arith.constant 0 : i32
      %dma_start3A_881 = tpu.memref_slice %arg3[%add3A, %dma_start3A_879, %dma_start3A_880] : memref<32x30x104xi32, #tpu.memory_space<hbm>> -> memref<1x30x104xi32, #tpu.memory_space<hbm>>
      %dma_start3A_882 = tpu.memref_squeeze %dma_start3A_881 : memref<1x30x104xi32, #tpu.memory_space<hbm>> -> memref<30x104xi32, #tpu.memory_space<hbm>>
      %dma_start3A_883 = arith.constant 0 : i32
      %dma_start3A_884 = arith.constant 0 : i32
      %dma_start3A_885 = tpu.memref_slice %arg3[%add3A, %dma_start3A_883, %dma_start3A_884] : memref<32x30x104xi32, #tpu.memory_space<hbm>> -> memref<1x30x104xi32, #tpu.memory_space<hbm>>
      %dma_start3A_886 = tpu.memref_squeeze %dma_start3A_885 : memref<1x30x104xi32, #tpu.memory_space<hbm>> -> memref<30x104xi32, #tpu.memory_space<hbm>>
      tpu.enqueue_dma source(%dma_start3A_886 : memref<30x104xi32, #tpu.memory_space<hbm>>) target(%arg7 : memref<30x104xi32, #tpu.memory_space<vmem>>) target_semaphore(%run_scoped3A : memref<!tpu.dma_semaphore, #tpu.memory_space<semaphore_mem>>)
      %dma_wait3A_887 = arith.constant 0 : i32
      %dma_wait3A_888 = arith.constant 0 : i32
      %dma_wait3A_889 = tpu.memref_slice %arg3[%add3A, %dma_wait3A_887, %dma_wait3A_888] : memref<32x30x104xi32, #tpu.memory_space<hbm>> -> memref<1x30x104xi32, #tpu.memory_space<hbm>>
      %dma_wait3A_890 = tpu.memref_squeeze %dma_wait3A_889 : memref<1x30x104xi32, #tpu.memory_space<hbm>> -> memref<30x104xi32, #tpu.memory_space<hbm>>
      %dma_wait3A_891 = arith.constant 0 : i32
      %dma_wait3A_892 = arith.constant 0 : i32
      %dma_wait3A_893 = tpu.memref_slice %arg3[%add3A, %dma_wait3A_891, %dma_wait3A_892] : memref<32x30x104xi32, #tpu.memory_space<hbm>> -> memref<1x30x104xi32, #tpu.memory_space<hbm>>
      %dma_wait3A_894 = tpu.memref_squeeze %dma_wait3A_893 : memref<1x30x104xi32, #tpu.memory_space<hbm>> -> memref<30x104xi32, #tpu.memory_space<hbm>>
      tpu.wait_dma2 semaphore(%run_scoped3A : memref<!tpu.dma_semaphore, #tpu.memory_space<semaphore_mem>>) src(%dma_wait3A_894 : memref<30x104xi32, #tpu.memory_space<hbm>>) dst(%arg7 : memref<30x104xi32, #tpu.memory_space<vmem>>)
      tpu.yield
    }) : () -> ()
    %lt3A = arith.constant 2 : i32
    %lt3A_26 = arith.cmpi slt, %add3A, %lt3A : i32
    %convert_element_type3A = arith.extui %lt3A_26 : i1 to i32
    %cond3A = arith.constant 0 : i32
    %cond3A_27 = arith.cmpi ne, %convert_element_type3A, %cond3A : i32
    scf.if %cond3A_27 {
      "tpu.region"() ({
        %run_scoped3A = tpu.sem_alloc : memref<!tpu.dma_semaphore, #tpu.memory_space<semaphore_mem>>
        %dma_start3A_879 = arith.constant 0 : i32
        %dma_start3A_880 = arith.constant 0 : i32
        %dma_start3A_881 = tpu.memref_slice %arg4[%add3A, %dma_start3A_879, %dma_start3A_880] : memref<2x1x80xi32, #tpu.memory_space<hbm>> -> memref<1x1x80xi32, #tpu.memory_space<hbm>>
        %dma_start3A_882 = tpu.memref_squeeze %dma_start3A_881 : memref<1x1x80xi32, #tpu.memory_space<hbm>> -> memref<1x80xi32, #tpu.memory_space<hbm>>
        %dma_start3A_883 = arith.constant 0 : i32
        %dma_start3A_884 = arith.constant 0 : i32
        %dma_start3A_885 = tpu.memref_slice %arg4[%add3A, %dma_start3A_883, %dma_start3A_884] : memref<2x1x80xi32, #tpu.memory_space<hbm>> -> memref<1x1x80xi32, #tpu.memory_space<hbm>>
        %dma_start3A_886 = tpu.memref_squeeze %dma_start3A_885 : memref<1x1x80xi32, #tpu.memory_space<hbm>> -> memref<1x80xi32, #tpu.memory_space<hbm>>
        tpu.enqueue_dma source(%dma_start3A_886 : memref<1x80xi32, #tpu.memory_space<hbm>>) target(%arg8 : memref<1x80xi32, #tpu.memory_space<vmem>>) target_semaphore(%run_scoped3A : memref<!tpu.dma_semaphore, #tpu.memory_space<semaphore_mem>>)
        %dma_wait3A_887 = arith.constant 0 : i32
        %dma_wait3A_888 = arith.constant 0 : i32
        %dma_wait3A_889 = tpu.memref_slice %arg4[%add3A, %dma_wait3A_887, %dma_wait3A_888] : memref<2x1x80xi32, #tpu.memory_space<hbm>> -> memref<1x1x80xi32, #tpu.memory_space<hbm>>
        %dma_wait3A_890 = tpu.memref_squeeze %dma_wait3A_889 : memref<1x1x80xi32, #tpu.memory_space<hbm>> -> memref<1x80xi32, #tpu.memory_space<hbm>>
        %dma_wait3A_891 = arith.constant 0 : i32
        %dma_wait3A_892 = arith.constant 0 : i32
        %dma_wait3A_893 = tpu.memref_slice %arg4[%add3A, %dma_wait3A_891, %dma_wait3A_892] : memref<2x1x80xi32, #tpu.memory_space<hbm>> -> memref<1x1x80xi32, #tpu.memory_space<hbm>>
        %dma_wait3A_894 = tpu.memref_squeeze %dma_wait3A_893 : memref<1x1x80xi32, #tpu.memory_space<hbm>> -> memref<1x80xi32, #tpu.memory_space<hbm>>
        tpu.wait_dma2 semaphore(%run_scoped3A : memref<!tpu.dma_semaphore, #tpu.memory_space<semaphore_mem>>) src(%dma_wait3A_894 : memref<1x80xi32, #tpu.memory_space<hbm>>) dst(%arg8 : memref<1x80xi32, #tpu.memory_space<vmem>>)
        tpu.yield
      }) : () -> ()
    } else {
    }
    %barrier3A = arith.constant 0 : index
    tpu.barrier barrier_id(%barrier3A)
    %dma_wait3A = arith.constant 0 : i32
    %dma_wait3A_28 = arith.constant 0 : i32
    %dma_wait3A_29 = tpu.memref_slice %arg2[%dma_wait3A, %dma_wait3A_28] : memref<100000x128xf32, #tpu.memory_space<hbm>> -> memref<208x128xf32, #tpu.memory_space<hbm>>
    %dma_wait3A_30 = arith.constant 0 : i32
    %dma_wait3A_31 = arith.constant 0 : i32
    %dma_wait3A_32 = tpu.memref_slice %arg2[%dma_wait3A_30, %dma_wait3A_31] : memref<100000x128xf32, #tpu.memory_space<hbm>> -> memref<208x128xf32, #tpu.memory_space<hbm>>
    tpu.wait_dma2 semaphore(%arg14 : memref<!tpu.dma_semaphore, #tpu.memory_space<semaphore_mem>>) src(%dma_wait3A_32 : memref<208x128xf32, #tpu.memory_space<hbm>>) dst(%arg9 : memref<208x128xf32, #tpu.memory_space<vmem>>)
    %dma_start3A_33 = arith.constant 0 : i32
    %dma_start3A_34 = arith.constant 0 : i32
    %dma_start3A_35 = arith.constant 0 : i32
    %dma_start3A_36 = tpu.memref_slice %arg9[%dma_start3A_34, %dma_start3A_35] : memref<208x128xf32, #tpu.memory_space<vmem>> -> memref<104x128xf32, #tpu.memory_space<vmem>>
    %dma_start3A_37 = arith.constant 0 : i32
    %dma_start3A_38 = tpu.memref_slice %arg7[%dma_start3A_33, %dma_start3A_37] : memref<30x104xi32, #tpu.memory_space<vmem>> -> memref<1x104xi32, #tpu.memory_space<vmem>>
    %dma_start3A_39 = tpu.memref_squeeze %dma_start3A_38 : memref<1x104xi32, #tpu.memory_space<vmem>> -> memref<104xi32, #tpu.memory_space<vmem>>
    %dma_start3A_40 = arith.constant 0 : i32
    %dma_start3A_41 = arith.constant 0 : i32
    %dma_start3A_42 = tpu.memref_slice %arg13[%dma_start3A_40, %dma_start3A_41] : memref<512x128xf32, #tpu.memory_space<vmem_shared>> -> memref<512x128xf32, #tpu.memory_space<vmem_shared>>
    tpu.enqueue_indirect_dma source(%dma_start3A_36 : memref<104x128xf32, #tpu.memory_space<vmem>>) target(%dma_start3A_42 : memref<512x128xf32, #tpu.memory_space<vmem_shared>>) offsets(%dma_start3A_39 : memref<104xi32, #tpu.memory_space<vmem>>) semaphore(%arg18 : memref<!tpu.dma_semaphore, #tpu.memory_space<semaphore_mem>>) {add = true}
    %dma_start3A_43 = arith.constant 1 : i32
    %dma_start3A_44 = arith.constant 104 : i32
    %dma_start3A_45 = arith.constant 0 : i32
    %dma_start3A_46 = tpu.memref_slice %arg9[%dma_start3A_44, %dma_start3A_45] : memref<208x128xf32, #tpu.memory_space<vmem>> -> memref<104x128xf32, #tpu.memory_space<vmem>>
    %dma_start3A_47 = arith.constant 0 : i32
    %dma_start3A_48 = tpu.memref_slice %arg7[%dma_start3A_43, %dma_start3A_47] : memref<30x104xi32, #tpu.memory_space<vmem>> -> memref<1x104xi32, #tpu.memory_space<vmem>>
    %dma_start3A_49 = tpu.memref_squeeze %dma_start3A_48 : memref<1x104xi32, #tpu.memory_space<vmem>> -> memref<104xi32, #tpu.memory_space<vmem>>
    %dma_start3A_50 = arith.constant 0 : i32
    %dma_start3A_51 = arith.constant 0 : i32
    %dma_start3A_52 = tpu.memref_slice %arg13[%dma_start3A_50, %dma_start3A_51] : memref<512x128xf32, #tpu.memory_space<vmem_shared>> -> memref<512x128xf32, #tpu.memory_space<vmem_shared>>
    tpu.enqueue_indirect_dma source(%dma_start3A_46 : memref<104x128xf32, #tpu.memory_space<vmem>>) target(%dma_start3A_52 : memref<512x128xf32, #tpu.memory_space<vmem_shared>>) offsets(%dma_start3A_49 : memref<104xi32, #tpu.memory_space<vmem>>) semaphore(%arg18 : memref<!tpu.dma_semaphore, #tpu.memory_space<semaphore_mem>>) {add = true}
    %mul3A_53 = arith.constant 3120 : i32
    %mul3A_54 = arith.muli %add3A, %mul3A_53 : i32
    %add3A_55 = arith.constant 624 : i32
    %add3A_56 = arith.addi %mul3A_54, %add3A_55 : i32
    %dma_start3A_57 = arith.constant 0 : i32
    %dma_start3A_58 = tpu.memref_slice %arg2[%add3A_56, %dma_start3A_57] : memref<100000x128xf32, #tpu.memory_space<hbm>> -> memref<208x128xf32, #tpu.memory_space<hbm>>
    %dma_start3A_59 = arith.constant 0 : i32
    %dma_start3A_60 = tpu.memref_slice %arg2[%add3A_56, %dma_start3A_59] : memref<100000x128xf32, #tpu.memory_space<hbm>> -> memref<208x128xf32, #tpu.memory_space<hbm>>
    tpu.enqueue_dma source(%dma_start3A_60 : memref<208x128xf32, #tpu.memory_space<hbm>>) target(%arg12 : memref<208x128xf32, #tpu.memory_space<vmem>>) target_semaphore(%arg17 : memref<!tpu.dma_semaphore, #tpu.memory_space<semaphore_mem>>)
    %dma_wait3A_61 = arith.constant 0 : i32
    %dma_wait3A_62 = arith.constant 0 : i32
    %dma_wait3A_63 = tpu.memref_slice %arg2[%dma_wait3A_61, %dma_wait3A_62] : memref<100000x128xf32, #tpu.memory_space<hbm>> -> memref<208x128xf32, #tpu.memory_space<hbm>>
    %dma_wait3A_64 = arith.constant 0 : i32
    %dma_wait3A_65 = arith.constant 0 : i32
    %dma_wait3A_66 = tpu.memref_slice %arg2[%dma_wait3A_64, %dma_wait3A_65] : memref<100000x128xf32, #tpu.memory_space<hbm>> -> memref<208x128xf32, #tpu.memory_space<hbm>>
    tpu.wait_dma2 semaphore(%arg15 : memref<!tpu.dma_semaphore, #tpu.memory_space<semaphore_mem>>) src(%dma_wait3A_66 : memref<208x128xf32, #tpu.memory_space<hbm>>) dst(%arg10 : memref<208x128xf32, #tpu.memory_space<vmem>>)
    %dma_start3A_67 = arith.constant 2 : i32
    %dma_start3A_68 = arith.constant 0 : i32
    %dma_start3A_69 = arith.constant 0 : i32
    %dma_start3A_70 = tpu.memref_slice %arg10[%dma_start3A_68, %dma_start3A_69] : memref<208x128xf32, #tpu.memory_space<vmem>> -> memref<104x128xf32, #tpu.memory_space<vmem>>
    %dma_start3A_71 = arith.constant 0 : i32
    %dma_start3A_72 = tpu.memref_slice %arg7[%dma_start3A_67, %dma_start3A_71] : memref<30x104xi32, #tpu.memory_space<vmem>> -> memref<1x104xi32, #tpu.memory_space<vmem>>
    %dma_start3A_73 = tpu.memref_squeeze %dma_start3A_72 : memref<1x104xi32, #tpu.memory_space<vmem>> -> memref<104xi32, #tpu.memory_space<vmem>>
    %dma_start3A_74 = arith.constant 0 : i32
    %dma_start3A_75 = arith.constant 0 : i32
    %dma_start3A_76 = tpu.memref_slice %arg13[%dma_start3A_74, %dma_start3A_75] : memref<512x128xf32, #tpu.memory_space<vmem_shared>> -> memref<512x128xf32, #tpu.memory_space<vmem_shared>>
    tpu.enqueue_indirect_dma source(%dma_start3A_70 : memref<104x128xf32, #tpu.memory_space<vmem>>) target(%dma_start3A_76 : memref<512x128xf32, #tpu.memory_space<vmem_shared>>) offsets(%dma_start3A_73 : memref<104xi32, #tpu.memory_space<vmem>>) semaphore(%arg19 : memref<!tpu.dma_semaphore, #tpu.memory_space<semaphore_mem>>) {add = true}
    %dma_start3A_77 = arith.constant 3 : i32
    %dma_start3A_78 = arith.constant 104 : i32
    %dma_start3A_79 = arith.constant 0 : i32
    %dma_start3A_80 = tpu.memref_slice %arg10[%dma_start3A_78, %dma_start3A_79] : memref<208x128xf32, #tpu.memory_space<vmem>> -> memref<104x128xf32, #tpu.memory_space<vmem>>
    %dma_start3A_81 = arith.constant 0 : i32
    %dma_start3A_82 = tpu.memref_slice %arg7[%dma_start3A_77, %dma_start3A_81] : memref<30x104xi32, #tpu.memory_space<vmem>> -> memref<1x104xi32, #tpu.memory_space<vmem>>
    %dma_start3A_83 = tpu.memref_squeeze %dma_start3A_82 : memref<1x104xi32, #tpu.memory_space<vmem>> -> memref<104xi32, #tpu.memory_space<vmem>>
    %dma_start3A_84 = arith.constant 0 : i32
    %dma_start3A_85 = arith.constant 0 : i32
    %dma_start3A_86 = tpu.memref_slice %arg13[%dma_start3A_84, %dma_start3A_85] : memref<512x128xf32, #tpu.memory_space<vmem_shared>> -> memref<512x128xf32, #tpu.memory_space<vmem_shared>>
    tpu.enqueue_indirect_dma source(%dma_start3A_80 : memref<104x128xf32, #tpu.memory_space<vmem>>) target(%dma_start3A_86 : memref<512x128xf32, #tpu.memory_space<vmem_shared>>) offsets(%dma_start3A_83 : memref<104xi32, #tpu.memory_space<vmem>>) semaphore(%arg19 : memref<!tpu.dma_semaphore, #tpu.memory_space<semaphore_mem>>) {add = true}
    %dma_wait3A_87 = arith.constant 0 : i32
    %dma_wait3A_88 = arith.constant 0 : i32
    %dma_wait3A_89 = tpu.memref_slice %arg9[%dma_wait3A_87, %dma_wait3A_88] : memref<208x128xf32, #tpu.memory_space<vmem>> -> memref<104x128xf32, #tpu.memory_space<vmem>>
    %dma_wait3A_90 = arith.constant 0 : i32
    %dma_wait3A_91 = arith.constant 0 : i32
    %dma_wait3A_92 = tpu.memref_slice %arg2[%dma_wait3A_90, %dma_wait3A_91] : memref<100000x128xf32, #tpu.memory_space<hbm>> -> memref<104x128xf32, #tpu.memory_space<hbm>>
    %dma_wait3A_93 = arith.constant 0 : i32
    %dma_wait3A_94 = arith.constant 0 : i32
    %dma_wait3A_95 = tpu.memref_slice %arg9[%dma_wait3A_93, %dma_wait3A_94] : memref<208x128xf32, #tpu.memory_space<vmem>> -> memref<104x128xf32, #tpu.memory_space<vmem>>
    %dma_wait3A_96 = arith.constant 0 : i32
    %dma_wait3A_97 = arith.constant 0 : i32
    %dma_wait3A_98 = tpu.memref_slice %arg2[%dma_wait3A_96, %dma_wait3A_97] : memref<100000x128xf32, #tpu.memory_space<hbm>> -> memref<104x128xf32, #tpu.memory_space<hbm>>
    tpu.wait_dma2 semaphore(%arg18 : memref<!tpu.dma_semaphore, #tpu.memory_space<semaphore_mem>>) src(%dma_wait3A_98 : memref<104x128xf32, #tpu.memory_space<hbm>>) dst(%dma_wait3A_95 : memref<104x128xf32, #tpu.memory_space<vmem>>)
    %dma_wait3A_99 = arith.constant 0 : i32
    %dma_wait3A_100 = arith.constant 0 : i32
    %dma_wait3A_101 = tpu.memref_slice %arg9[%dma_wait3A_99, %dma_wait3A_100] : memref<208x128xf32, #tpu.memory_space<vmem>> -> memref<104x128xf32, #tpu.memory_space<vmem>>
    %dma_wait3A_102 = arith.constant 0 : i32
    %dma_wait3A_103 = arith.constant 0 : i32
    %dma_wait3A_104 = tpu.memref_slice %arg2[%dma_wait3A_102, %dma_wait3A_103] : memref<100000x128xf32, #tpu.memory_space<hbm>> -> memref<104x128xf32, #tpu.memory_space<hbm>>
    %dma_wait3A_105 = arith.constant 0 : i32
    %dma_wait3A_106 = arith.constant 0 : i32
    %dma_wait3A_107 = tpu.memref_slice %arg9[%dma_wait3A_105, %dma_wait3A_106] : memref<208x128xf32, #tpu.memory_space<vmem>> -> memref<104x128xf32, #tpu.memory_space<vmem>>
    %dma_wait3A_108 = arith.constant 0 : i32
    %dma_wait3A_109 = arith.constant 0 : i32
    %dma_wait3A_110 = tpu.memref_slice %arg2[%dma_wait3A_108, %dma_wait3A_109] : memref<100000x128xf32, #tpu.memory_space<hbm>> -> memref<104x128xf32, #tpu.memory_space<hbm>>
    tpu.wait_dma2 semaphore(%arg18 : memref<!tpu.dma_semaphore, #tpu.memory_space<semaphore_mem>>) src(%dma_wait3A_110 : memref<104x128xf32, #tpu.memory_space<hbm>>) dst(%dma_wait3A_107 : memref<104x128xf32, #tpu.memory_space<vmem>>)
    %mul3A_111 = arith.constant 3120 : i32
    %mul3A_112 = arith.muli %add3A, %mul3A_111 : i32
    %add3A_113 = arith.constant 832 : i32
    %add3A_114 = arith.addi %mul3A_112, %add3A_113 : i32
    %dma_start3A_115 = arith.constant 0 : i32
    %dma_start3A_116 = tpu.memref_slice %arg2[%add3A_114, %dma_start3A_115] : memref<100000x128xf32, #tpu.memory_space<hbm>> -> memref<208x128xf32, #tpu.memory_space<hbm>>
    %dma_start3A_117 = arith.constant 0 : i32
    %dma_start3A_118 = tpu.memref_slice %arg2[%add3A_114, %dma_start3A_117] : memref<100000x128xf32, #tpu.memory_space<hbm>> -> memref<208x128xf32, #tpu.memory_space<hbm>>
    tpu.enqueue_dma source(%dma_start3A_118 : memref<208x128xf32, #tpu.memory_space<hbm>>) target(%arg9 : memref<208x128xf32, #tpu.memory_space<vmem>>) target_semaphore(%arg14 : memref<!tpu.dma_semaphore, #tpu.memory_space<semaphore_mem>>)
    %dma_wait3A_119 = arith.constant 0 : i32
    %dma_wait3A_120 = arith.constant 0 : i32
    %dma_wait3A_121 = tpu.memref_slice %arg2[%dma_wait3A_119, %dma_wait3A_120] : memref<100000x128xf32, #tpu.memory_space<hbm>> -> memref<208x128xf32, #tpu.memory_space<hbm>>
    %dma_wait3A_122 = arith.constant 0 : i32
    %dma_wait3A_123 = arith.constant 0 : i32
    %dma_wait3A_124 = tpu.memref_slice %arg2[%dma_wait3A_122, %dma_wait3A_123] : memref<100000x128xf32, #tpu.memory_space<hbm>> -> memref<208x128xf32, #tpu.memory_space<hbm>>
    tpu.wait_dma2 semaphore(%arg16 : memref<!tpu.dma_semaphore, #tpu.memory_space<semaphore_mem>>) src(%dma_wait3A_124 : memref<208x128xf32, #tpu.memory_space<hbm>>) dst(%arg11 : memref<208x128xf32, #tpu.memory_space<vmem>>)
    %dma_start3A_125 = arith.constant 4 : i32
    %dma_start3A_126 = arith.constant 0 : i32
    %dma_start3A_127 = arith.constant 0 : i32
    %dma_start3A_128 = tpu.memref_slice %arg11[%dma_start3A_126, %dma_start3A_127] : memref<208x128xf32, #tpu.memory_space<vmem>> -> memref<104x128xf32, #tpu.memory_space<vmem>>
    %dma_start3A_129 = arith.constant 0 : i32
    %dma_start3A_130 = tpu.memref_slice %arg7[%dma_start3A_125, %dma_start3A_129] : memref<30x104xi32, #tpu.memory_space<vmem>> -> memref<1x104xi32, #tpu.memory_space<vmem>>
    %dma_start3A_131 = tpu.memref_squeeze %dma_start3A_130 : memref<1x104xi32, #tpu.memory_space<vmem>> -> memref<104xi32, #tpu.memory_space<vmem>>
    %dma_start3A_132 = arith.constant 0 : i32
    %dma_start3A_133 = arith.constant 0 : i32
    %dma_start3A_134 = tpu.memref_slice %arg13[%dma_start3A_132, %dma_start3A_133] : memref<512x128xf32, #tpu.memory_space<vmem_shared>> -> memref<512x128xf32, #tpu.memory_space<vmem_shared>>
    tpu.enqueue_indirect_dma source(%dma_start3A_128 : memref<104x128xf32, #tpu.memory_space<vmem>>) target(%dma_start3A_134 : memref<512x128xf32, #tpu.memory_space<vmem_shared>>) offsets(%dma_start3A_131 : memref<104xi32, #tpu.memory_space<vmem>>) semaphore(%arg20 : memref<!tpu.dma_semaphore, #tpu.memory_space<semaphore_mem>>) {add = true}
    %dma_start3A_135 = arith.constant 5 : i32
    %dma_start3A_136 = arith.constant 104 : i32
    %dma_start3A_137 = arith.constant 0 : i32
    %dma_start3A_138 = tpu.memref_slice %arg11[%dma_start3A_136, %dma_start3A_137] : memref<208x128xf32, #tpu.memory_space<vmem>> -> memref<104x128xf32, #tpu.memory_space<vmem>>
    %dma_start3A_139 = arith.constant 0 : i32
    %dma_start3A_140 = tpu.memref_slice %arg7[%dma_start3A_135, %dma_start3A_139] : memref<30x104xi32, #tpu.memory_space<vmem>> -> memref<1x104xi32, #tpu.memory_space<vmem>>
    %dma_start3A_141 = tpu.memref_squeeze %dma_start3A_140 : memref<1x104xi32, #tpu.memory_space<vmem>> -> memref<104xi32, #tpu.memory_space<vmem>>
    %dma_start3A_142 = arith.constant 0 : i32
    %dma_start3A_143 = arith.constant 0 : i32
    %dma_start3A_144 = tpu.memref_slice %arg13[%dma_start3A_142, %dma_start3A_143] : memref<512x128xf32, #tpu.memory_space<vmem_shared>> -> memref<512x128xf32, #tpu.memory_space<vmem_shared>>
    tpu.enqueue_indirect_dma source(%dma_start3A_138 : memref<104x128xf32, #tpu.memory_space<vmem>>) target(%dma_start3A_144 : memref<512x128xf32, #tpu.memory_space<vmem_shared>>) offsets(%dma_start3A_141 : memref<104xi32, #tpu.memory_space<vmem>>) semaphore(%arg20 : memref<!tpu.dma_semaphore, #tpu.memory_space<semaphore_mem>>) {add = true}
    %dma_wait3A_145 = arith.constant 0 : i32
    %dma_wait3A_146 = arith.constant 0 : i32
    %dma_wait3A_147 = tpu.memref_slice %arg10[%dma_wait3A_145, %dma_wait3A_146] : memref<208x128xf32, #tpu.memory_space<vmem>> -> memref<104x128xf32, #tpu.memory_space<vmem>>
    %dma_wait3A_148 = arith.constant 0 : i32
    %dma_wait3A_149 = arith.constant 0 : i32
    %dma_wait3A_150 = tpu.memref_slice %arg2[%dma_wait3A_148, %dma_wait3A_149] : memref<100000x128xf32, #tpu.memory_space<hbm>> -> memref<104x128xf32, #tpu.memory_space<hbm>>
    %dma_wait3A_151 = arith.constant 0 : i32
    %dma_wait3A_152 = arith.constant 0 : i32
    %dma_wait3A_153 = tpu.memref_slice %arg10[%dma_wait3A_151, %dma_wait3A_152] : memref<208x128xf32, #tpu.memory_space<vmem>> -> memref<104x128xf32, #tpu.memory_space<vmem>>
    %dma_wait3A_154 = arith.constant 0 : i32
    %dma_wait3A_155 = arith.constant 0 : i32
    %dma_wait3A_156 = tpu.memref_slice %arg2[%dma_wait3A_154, %dma_wait3A_155] : memref<100000x128xf32, #tpu.memory_space<hbm>> -> memref<104x128xf32, #tpu.memory_space<hbm>>
    tpu.wait_dma2 semaphore(%arg19 : memref<!tpu.dma_semaphore, #tpu.memory_space<semaphore_mem>>) src(%dma_wait3A_156 : memref<104x128xf32, #tpu.memory_space<hbm>>) dst(%dma_wait3A_153 : memref<104x128xf32, #tpu.memory_space<vmem>>)
    %dma_wait3A_157 = arith.constant 0 : i32
    %dma_wait3A_158 = arith.constant 0 : i32
    %dma_wait3A_159 = tpu.memref_slice %arg10[%dma_wait3A_157, %dma_wait3A_158] : memref<208x128xf32, #tpu.memory_space<vmem>> -> memref<104x128xf32, #tpu.memory_space<vmem>>
    %dma_wait3A_160 = arith.constant 0 : i32
    %dma_wait3A_161 = arith.constant 0 : i32
    %dma_wait3A_162 = tpu.memref_slice %arg2[%dma_wait3A_160, %dma_wait3A_161] : memref<100000x128xf32, #tpu.memory_space<hbm>> -> memref<104x128xf32, #tpu.memory_space<hbm>>
    %dma_wait3A_163 = arith.constant 0 : i32
    %dma_wait3A_164 = arith.constant 0 : i32
    %dma_wait3A_165 = tpu.memref_slice %arg10[%dma_wait3A_163, %dma_wait3A_164] : memref<208x128xf32, #tpu.memory_space<vmem>> -> memref<104x128xf32, #tpu.memory_space<vmem>>
    %dma_wait3A_166 = arith.constant 0 : i32
    %dma_wait3A_167 = arith.constant 0 : i32
    %dma_wait3A_168 = tpu.memref_slice %arg2[%dma_wait3A_166, %dma_wait3A_167] : memref<100000x128xf32, #tpu.memory_space<hbm>> -> memref<104x128xf32, #tpu.memory_space<hbm>>
    tpu.wait_dma2 semaphore(%arg19 : memref<!tpu.dma_semaphore, #tpu.memory_space<semaphore_mem>>) src(%dma_wait3A_168 : memref<104x128xf32, #tpu.memory_space<hbm>>) dst(%dma_wait3A_165 : memref<104x128xf32, #tpu.memory_space<vmem>>)
    %mul3A_169 = arith.constant 3120 : i32
    %mul3A_170 = arith.muli %add3A, %mul3A_169 : i32
    %add3A_171 = arith.constant 1040 : i32
    %add3A_172 = arith.addi %mul3A_170, %add3A_171 : i32
    %dma_start3A_173 = arith.constant 0 : i32
    %dma_start3A_174 = tpu.memref_slice %arg2[%add3A_172, %dma_start3A_173] : memref<100000x128xf32, #tpu.memory_space<hbm>> -> memref<208x128xf32, #tpu.memory_space<hbm>>
    %dma_start3A_175 = arith.constant 0 : i32
    %dma_start3A_176 = tpu.memref_slice %arg2[%add3A_172, %dma_start3A_175] : memref<100000x128xf32, #tpu.memory_space<hbm>> -> memref<208x128xf32, #tpu.memory_space<hbm>>
    tpu.enqueue_dma source(%dma_start3A_176 : memref<208x128xf32, #tpu.memory_space<hbm>>) target(%arg10 : memref<208x128xf32, #tpu.memory_space<vmem>>) target_semaphore(%arg15 : memref<!tpu.dma_semaphore, #tpu.memory_space<semaphore_mem>>)
    %dma_wait3A_177 = arith.constant 0 : i32
    %dma_wait3A_178 = arith.constant 0 : i32
    %dma_wait3A_179 = tpu.memref_slice %arg2[%dma_wait3A_177, %dma_wait3A_178] : memref<100000x128xf32, #tpu.memory_space<hbm>> -> memref<208x128xf32, #tpu.memory_space<hbm>>
    %dma_wait3A_180 = arith.constant 0 : i32
    %dma_wait3A_181 = arith.constant 0 : i32
    %dma_wait3A_182 = tpu.memref_slice %arg2[%dma_wait3A_180, %dma_wait3A_181] : memref<100000x128xf32, #tpu.memory_space<hbm>> -> memref<208x128xf32, #tpu.memory_space<hbm>>
    tpu.wait_dma2 semaphore(%arg17 : memref<!tpu.dma_semaphore, #tpu.memory_space<semaphore_mem>>) src(%dma_wait3A_182 : memref<208x128xf32, #tpu.memory_space<hbm>>) dst(%arg12 : memref<208x128xf32, #tpu.memory_space<vmem>>)
    %dma_start3A_183 = arith.constant 6 : i32
    %dma_start3A_184 = arith.constant 0 : i32
    %dma_start3A_185 = arith.constant 0 : i32
    %dma_start3A_186 = tpu.memref_slice %arg12[%dma_start3A_184, %dma_start3A_185] : memref<208x128xf32, #tpu.memory_space<vmem>> -> memref<104x128xf32, #tpu.memory_space<vmem>>
    %dma_start3A_187 = arith.constant 0 : i32
    %dma_start3A_188 = tpu.memref_slice %arg7[%dma_start3A_183, %dma_start3A_187] : memref<30x104xi32, #tpu.memory_space<vmem>> -> memref<1x104xi32, #tpu.memory_space<vmem>>
    %dma_start3A_189 = tpu.memref_squeeze %dma_start3A_188 : memref<1x104xi32, #tpu.memory_space<vmem>> -> memref<104xi32, #tpu.memory_space<vmem>>
    %dma_start3A_190 = arith.constant 0 : i32
    %dma_start3A_191 = arith.constant 0 : i32
    %dma_start3A_192 = tpu.memref_slice %arg13[%dma_start3A_190, %dma_start3A_191] : memref<512x128xf32, #tpu.memory_space<vmem_shared>> -> memref<512x128xf32, #tpu.memory_space<vmem_shared>>
    tpu.enqueue_indirect_dma source(%dma_start3A_186 : memref<104x128xf32, #tpu.memory_space<vmem>>) target(%dma_start3A_192 : memref<512x128xf32, #tpu.memory_space<vmem_shared>>) offsets(%dma_start3A_189 : memref<104xi32, #tpu.memory_space<vmem>>) semaphore(%arg21 : memref<!tpu.dma_semaphore, #tpu.memory_space<semaphore_mem>>) {add = true}
    %dma_start3A_193 = arith.constant 7 : i32
    %dma_start3A_194 = arith.constant 104 : i32
    %dma_start3A_195 = arith.constant 0 : i32
    %dma_start3A_196 = tpu.memref_slice %arg12[%dma_start3A_194, %dma_start3A_195] : memref<208x128xf32, #tpu.memory_space<vmem>> -> memref<104x128xf32, #tpu.memory_space<vmem>>
    %dma_start3A_197 = arith.constant 0 : i32
    %dma_start3A_198 = tpu.memref_slice %arg7[%dma_start3A_193, %dma_start3A_197] : memref<30x104xi32, #tpu.memory_space<vmem>> -> memref<1x104xi32, #tpu.memory_space<vmem>>
    %dma_start3A_199 = tpu.memref_squeeze %dma_start3A_198 : memref<1x104xi32, #tpu.memory_space<vmem>> -> memref<104xi32, #tpu.memory_space<vmem>>
    %dma_start3A_200 = arith.constant 0 : i32
    %dma_start3A_201 = arith.constant 0 : i32
    %dma_start3A_202 = tpu.memref_slice %arg13[%dma_start3A_200, %dma_start3A_201] : memref<512x128xf32, #tpu.memory_space<vmem_shared>> -> memref<512x128xf32, #tpu.memory_space<vmem_shared>>
    tpu.enqueue_indirect_dma source(%dma_start3A_196 : memref<104x128xf32, #tpu.memory_space<vmem>>) target(%dma_start3A_202 : memref<512x128xf32, #tpu.memory_space<vmem_shared>>) offsets(%dma_start3A_199 : memref<104xi32, #tpu.memory_space<vmem>>) semaphore(%arg21 : memref<!tpu.dma_semaphore, #tpu.memory_space<semaphore_mem>>) {add = true}
    %dma_wait3A_203 = arith.constant 0 : i32
    %dma_wait3A_204 = arith.constant 0 : i32
    %dma_wait3A_205 = tpu.memref_slice %arg11[%dma_wait3A_203, %dma_wait3A_204] : memref<208x128xf32, #tpu.memory_space<vmem>> -> memref<104x128xf32, #tpu.memory_space<vmem>>
    %dma_wait3A_206 = arith.constant 0 : i32
    %dma_wait3A_207 = arith.constant 0 : i32
    %dma_wait3A_208 = tpu.memref_slice %arg2[%dma_wait3A_206, %dma_wait3A_207] : memref<100000x128xf32, #tpu.memory_space<hbm>> -> memref<104x128xf32, #tpu.memory_space<hbm>>
    %dma_wait3A_209 = arith.constant 0 : i32
    %dma_wait3A_210 = arith.constant 0 : i32
    %dma_wait3A_211 = tpu.memref_slice %arg11[%dma_wait3A_209, %dma_wait3A_210] : memref<208x128xf32, #tpu.memory_space<vmem>> -> memref<104x128xf32, #tpu.memory_space<vmem>>
    %dma_wait3A_212 = arith.constant 0 : i32
    %dma_wait3A_213 = arith.constant 0 : i32
    %dma_wait3A_214 = tpu.memref_slice %arg2[%dma_wait3A_212, %dma_wait3A_213] : memref<100000x128xf32, #tpu.memory_space<hbm>> -> memref<104x128xf32, #tpu.memory_space<hbm>>
    tpu.wait_dma2 semaphore(%arg20 : memref<!tpu.dma_semaphore, #tpu.memory_space<semaphore_mem>>) src(%dma_wait3A_214 : memref<104x128xf32, #tpu.memory_space<hbm>>) dst(%dma_wait3A_211 : memref<104x128xf32, #tpu.memory_space<vmem>>)
    %dma_wait3A_215 = arith.constant 0 : i32
    %dma_wait3A_216 = arith.constant 0 : i32
    %dma_wait3A_217 = tpu.memref_slice %arg11[%dma_wait3A_215, %dma_wait3A_216] : memref<208x128xf32, #tpu.memory_space<vmem>> -> memref<104x128xf32, #tpu.memory_space<vmem>>
    %dma_wait3A_218 = arith.constant 0 : i32
    %dma_wait3A_219 = arith.constant 0 : i32
    %dma_wait3A_220 = tpu.memref_slice %arg2[%dma_wait3A_218, %dma_wait3A_219] : memref<100000x128xf32, #tpu.memory_space<hbm>> -> memref<104x128xf32, #tpu.memory_space<hbm>>
    %dma_wait3A_221 = arith.constant 0 : i32
    %dma_wait3A_222 = arith.constant 0 : i32
    %dma_wait3A_223 = tpu.memref_slice %arg11[%dma_wait3A_221, %dma_wait3A_222] : memref<208x128xf32, #tpu.memory_space<vmem>> -> memref<104x128xf32, #tpu.memory_space<vmem>>
    %dma_wait3A_224 = arith.constant 0 : i32
    %dma_wait3A_225 = arith.constant 0 : i32
    %dma_wait3A_226 = tpu.memref_slice %arg2[%dma_wait3A_224, %dma_wait3A_225] : memref<100000x128xf32, #tpu.memory_space<hbm>> -> memref<104x128xf32, #tpu.memory_space<hbm>>
    tpu.wait_dma2 semaphore(%arg20 : memref<!tpu.dma_semaphore, #tpu.memory_space<semaphore_mem>>) src(%dma_wait3A_226 : memref<104x128xf32, #tpu.memory_space<hbm>>) dst(%dma_wait3A_223 : memref<104x128xf32, #tpu.memory_space<vmem>>)
    %mul3A_227 = arith.constant 3120 : i32
    %mul3A_228 = arith.muli %add3A, %mul3A_227 : i32
    %add3A_229 = arith.constant 1248 : i32
    %add3A_230 = arith.addi %mul3A_228, %add3A_229 : i32
    %dma_start3A_231 = arith.constant 0 : i32
    %dma_start3A_232 = tpu.memref_slice %arg2[%add3A_230, %dma_start3A_231] : memref<100000x128xf32, #tpu.memory_space<hbm>> -> memref<208x128xf32, #tpu.memory_space<hbm>>
    %dma_start3A_233 = arith.constant 0 : i32
    %dma_start3A_234 = tpu.memref_slice %arg2[%add3A_230, %dma_start3A_233] : memref<100000x128xf32, #tpu.memory_space<hbm>> -> memref<208x128xf32, #tpu.memory_space<hbm>>
    tpu.enqueue_dma source(%dma_start3A_234 : memref<208x128xf32, #tpu.memory_space<hbm>>) target(%arg11 : memref<208x128xf32, #tpu.memory_space<vmem>>) target_semaphore(%arg16 : memref<!tpu.dma_semaphore, #tpu.memory_space<semaphore_mem>>)
    %dma_wait3A_235 = arith.constant 0 : i32
    %dma_wait3A_236 = arith.constant 0 : i32
    %dma_wait3A_237 = tpu.memref_slice %arg2[%dma_wait3A_235, %dma_wait3A_236] : memref<100000x128xf32, #tpu.memory_space<hbm>> -> memref<208x128xf32, #tpu.memory_space<hbm>>
    %dma_wait3A_238 = arith.constant 0 : i32
    %dma_wait3A_239 = arith.constant 0 : i32
    %dma_wait3A_240 = tpu.memref_slice %arg2[%dma_wait3A_238, %dma_wait3A_239] : memref<100000x128xf32, #tpu.memory_space<hbm>> -> memref<208x128xf32, #tpu.memory_space<hbm>>
    tpu.wait_dma2 semaphore(%arg14 : memref<!tpu.dma_semaphore, #tpu.memory_space<semaphore_mem>>) src(%dma_wait3A_240 : memref<208x128xf32, #tpu.memory_space<hbm>>) dst(%arg9 : memref<208x128xf32, #tpu.memory_space<vmem>>)
    %dma_start3A_241 = arith.constant 8 : i32
    %dma_start3A_242 = arith.constant 0 : i32
    %dma_start3A_243 = arith.constant 0 : i32
    %dma_start3A_244 = tpu.memref_slice %arg9[%dma_start3A_242, %dma_start3A_243] : memref<208x128xf32, #tpu.memory_space<vmem>> -> memref<104x128xf32, #tpu.memory_space<vmem>>
    %dma_start3A_245 = arith.constant 0 : i32
    %dma_start3A_246 = tpu.memref_slice %arg7[%dma_start3A_241, %dma_start3A_245] : memref<30x104xi32, #tpu.memory_space<vmem>> -> memref<1x104xi32, #tpu.memory_space<vmem>>
    %dma_start3A_247 = tpu.memref_squeeze %dma_start3A_246 : memref<1x104xi32, #tpu.memory_space<vmem>> -> memref<104xi32, #tpu.memory_space<vmem>>
    %dma_start3A_248 = arith.constant 0 : i32
    %dma_start3A_249 = arith.constant 0 : i32
    %dma_start3A_250 = tpu.memref_slice %arg13[%dma_start3A_248, %dma_start3A_249] : memref<512x128xf32, #tpu.memory_space<vmem_shared>> -> memref<512x128xf32, #tpu.memory_space<vmem_shared>>
    tpu.enqueue_indirect_dma source(%dma_start3A_244 : memref<104x128xf32, #tpu.memory_space<vmem>>) target(%dma_start3A_250 : memref<512x128xf32, #tpu.memory_space<vmem_shared>>) offsets(%dma_start3A_247 : memref<104xi32, #tpu.memory_space<vmem>>) semaphore(%arg18 : memref<!tpu.dma_semaphore, #tpu.memory_space<semaphore_mem>>) {add = true}
    %dma_start3A_251 = arith.constant 9 : i32
    %dma_start3A_252 = arith.constant 104 : i32
    %dma_start3A_253 = arith.constant 0 : i32
    %dma_start3A_254 = tpu.memref_slice %arg9[%dma_start3A_252, %dma_start3A_253] : memref<208x128xf32, #tpu.memory_space<vmem>> -> memref<104x128xf32, #tpu.memory_space<vmem>>
    %dma_start3A_255 = arith.constant 0 : i32
    %dma_start3A_256 = tpu.memref_slice %arg7[%dma_start3A_251, %dma_start3A_255] : memref<30x104xi32, #tpu.memory_space<vmem>> -> memref<1x104xi32, #tpu.memory_space<vmem>>
    %dma_start3A_257 = tpu.memref_squeeze %dma_start3A_256 : memref<1x104xi32, #tpu.memory_space<vmem>> -> memref<104xi32, #tpu.memory_space<vmem>>
    %dma_start3A_258 = arith.constant 0 : i32
    %dma_start3A_259 = arith.constant 0 : i32
    %dma_start3A_260 = tpu.memref_slice %arg13[%dma_start3A_258, %dma_start3A_259] : memref<512x128xf32, #tpu.memory_space<vmem_shared>> -> memref<512x128xf32, #tpu.memory_space<vmem_shared>>
    tpu.enqueue_indirect_dma source(%dma_start3A_254 : memref<104x128xf32, #tpu.memory_space<vmem>>) target(%dma_start3A_260 : memref<512x128xf32, #tpu.memory_space<vmem_shared>>) offsets(%dma_start3A_257 : memref<104xi32, #tpu.memory_space<vmem>>) semaphore(%arg18 : memref<!tpu.dma_semaphore, #tpu.memory_space<semaphore_mem>>) {add = true}
    %dma_wait3A_261 = arith.constant 0 : i32
    %dma_wait3A_262 = arith.constant 0 : i32
    %dma_wait3A_263 = tpu.memref_slice %arg12[%dma_wait3A_261, %dma_wait3A_262] : memref<208x128xf32, #tpu.memory_space<vmem>> -> memref<104x128xf32, #tpu.memory_space<vmem>>
    %dma_wait3A_264 = arith.constant 0 : i32
    %dma_wait3A_265 = arith.constant 0 : i32
    %dma_wait3A_266 = tpu.memref_slice %arg2[%dma_wait3A_264, %dma_wait3A_265] : memref<100000x128xf32, #tpu.memory_space<hbm>> -> memref<104x128xf32, #tpu.memory_space<hbm>>
    %dma_wait3A_267 = arith.constant 0 : i32
    %dma_wait3A_268 = arith.constant 0 : i32
    %dma_wait3A_269 = tpu.memref_slice %arg12[%dma_wait3A_267, %dma_wait3A_268] : memref<208x128xf32, #tpu.memory_space<vmem>> -> memref<104x128xf32, #tpu.memory_space<vmem>>
    %dma_wait3A_270 = arith.constant 0 : i32
    %dma_wait3A_271 = arith.constant 0 : i32
    %dma_wait3A_272 = tpu.memref_slice %arg2[%dma_wait3A_270, %dma_wait3A_271] : memref<100000x128xf32, #tpu.memory_space<hbm>> -> memref<104x128xf32, #tpu.memory_space<hbm>>
    tpu.wait_dma2 semaphore(%arg21 : memref<!tpu.dma_semaphore, #tpu.memory_space<semaphore_mem>>) src(%dma_wait3A_272 : memref<104x128xf32, #tpu.memory_space<hbm>>) dst(%dma_wait3A_269 : memref<104x128xf32, #tpu.memory_space<vmem>>)
    %dma_wait3A_273 = arith.constant 0 : i32
    %dma_wait3A_274 = arith.constant 0 : i32
    %dma_wait3A_275 = tpu.memref_slice %arg12[%dma_wait3A_273, %dma_wait3A_274] : memref<208x128xf32, #tpu.memory_space<vmem>> -> memref<104x128xf32, #tpu.memory_space<vmem>>
    %dma_wait3A_276 = arith.constant 0 : i32
    %dma_wait3A_277 = arith.constant 0 : i32
    %dma_wait3A_278 = tpu.memref_slice %arg2[%dma_wait3A_276, %dma_wait3A_277] : memref<100000x128xf32, #tpu.memory_space<hbm>> -> memref<104x128xf32, #tpu.memory_space<hbm>>
    %dma_wait3A_279 = arith.constant 0 : i32
    %dma_wait3A_280 = arith.constant 0 : i32
    %dma_wait3A_281 = tpu.memref_slice %arg12[%dma_wait3A_279, %dma_wait3A_280] : memref<208x128xf32, #tpu.memory_space<vmem>> -> memref<104x128xf32, #tpu.memory_space<vmem>>
    %dma_wait3A_282 = arith.constant 0 : i32
    %dma_wait3A_283 = arith.constant 0 : i32
    %dma_wait3A_284 = tpu.memref_slice %arg2[%dma_wait3A_282, %dma_wait3A_283] : memref<100000x128xf32, #tpu.memory_space<hbm>> -> memref<104x128xf32, #tpu.memory_space<hbm>>
    tpu.wait_dma2 semaphore(%arg21 : memref<!tpu.dma_semaphore, #tpu.memory_space<semaphore_mem>>) src(%dma_wait3A_284 : memref<104x128xf32, #tpu.memory_space<hbm>>) dst(%dma_wait3A_281 : memref<104x128xf32, #tpu.memory_space<vmem>>)
    %mul3A_285 = arith.constant 3120 : i32
    %mul3A_286 = arith.muli %add3A, %mul3A_285 : i32
    %add3A_287 = arith.constant 1456 : i32
    %add3A_288 = arith.addi %mul3A_286, %add3A_287 : i32
    %dma_start3A_289 = arith.constant 0 : i32
    %dma_start3A_290 = tpu.memref_slice %arg2[%add3A_288, %dma_start3A_289] : memref<100000x128xf32, #tpu.memory_space<hbm>> -> memref<208x128xf32, #tpu.memory_space<hbm>>
    %dma_start3A_291 = arith.constant 0 : i32
    %dma_start3A_292 = tpu.memref_slice %arg2[%add3A_288, %dma_start3A_291] : memref<100000x128xf32, #tpu.memory_space<hbm>> -> memref<208x128xf32, #tpu.memory_space<hbm>>
    tpu.enqueue_dma source(%dma_start3A_292 : memref<208x128xf32, #tpu.memory_space<hbm>>) target(%arg12 : memref<208x128xf32, #tpu.memory_space<vmem>>) target_semaphore(%arg17 : memref<!tpu.dma_semaphore, #tpu.memory_space<semaphore_mem>>)
    %dma_wait3A_293 = arith.constant 0 : i32
    %dma_wait3A_294 = arith.constant 0 : i32
    %dma_wait3A_295 = tpu.memref_slice %arg2[%dma_wait3A_293, %dma_wait3A_294] : memref<100000x128xf32, #tpu.memory_space<hbm>> -> memref<208x128xf32, #tpu.memory_space<hbm>>
    %dma_wait3A_296 = arith.constant 0 : i32
    %dma_wait3A_297 = arith.constant 0 : i32
    %dma_wait3A_298 = tpu.memref_slice %arg2[%dma_wait3A_296, %dma_wait3A_297] : memref<100000x128xf32, #tpu.memory_space<hbm>> -> memref<208x128xf32, #tpu.memory_space<hbm>>
    tpu.wait_dma2 semaphore(%arg15 : memref<!tpu.dma_semaphore, #tpu.memory_space<semaphore_mem>>) src(%dma_wait3A_298 : memref<208x128xf32, #tpu.memory_space<hbm>>) dst(%arg10 : memref<208x128xf32, #tpu.memory_space<vmem>>)
    %dma_start3A_299 = arith.constant 10 : i32
    %dma_start3A_300 = arith.constant 0 : i32
    %dma_start3A_301 = arith.constant 0 : i32
    %dma_start3A_302 = tpu.memref_slice %arg10[%dma_start3A_300, %dma_start3A_301] : memref<208x128xf32, #tpu.memory_space<vmem>> -> memref<104x128xf32, #tpu.memory_space<vmem>>
    %dma_start3A_303 = arith.constant 0 : i32
    %dma_start3A_304 = tpu.memref_slice %arg7[%dma_start3A_299, %dma_start3A_303] : memref<30x104xi32, #tpu.memory_space<vmem>> -> memref<1x104xi32, #tpu.memory_space<vmem>>
    %dma_start3A_305 = tpu.memref_squeeze %dma_start3A_304 : memref<1x104xi32, #tpu.memory_space<vmem>> -> memref<104xi32, #tpu.memory_space<vmem>>
    %dma_start3A_306 = arith.constant 0 : i32
    %dma_start3A_307 = arith.constant 0 : i32
    %dma_start3A_308 = tpu.memref_slice %arg13[%dma_start3A_306, %dma_start3A_307] : memref<512x128xf32, #tpu.memory_space<vmem_shared>> -> memref<512x128xf32, #tpu.memory_space<vmem_shared>>
    tpu.enqueue_indirect_dma source(%dma_start3A_302 : memref<104x128xf32, #tpu.memory_space<vmem>>) target(%dma_start3A_308 : memref<512x128xf32, #tpu.memory_space<vmem_shared>>) offsets(%dma_start3A_305 : memref<104xi32, #tpu.memory_space<vmem>>) semaphore(%arg19 : memref<!tpu.dma_semaphore, #tpu.memory_space<semaphore_mem>>) {add = true}
    %dma_start3A_309 = arith.constant 11 : i32
    %dma_start3A_310 = arith.constant 104 : i32
    %dma_start3A_311 = arith.constant 0 : i32
    %dma_start3A_312 = tpu.memref_slice %arg10[%dma_start3A_310, %dma_start3A_311] : memref<208x128xf32, #tpu.memory_space<vmem>> -> memref<104x128xf32, #tpu.memory_space<vmem>>
    %dma_start3A_313 = arith.constant 0 : i32
    %dma_start3A_314 = tpu.memref_slice %arg7[%dma_start3A_309, %dma_start3A_313] : memref<30x104xi32, #tpu.memory_space<vmem>> -> memref<1x104xi32, #tpu.memory_space<vmem>>
    %dma_start3A_315 = tpu.memref_squeeze %dma_start3A_314 : memref<1x104xi32, #tpu.memory_space<vmem>> -> memref<104xi32, #tpu.memory_space<vmem>>
    %dma_start3A_316 = arith.constant 0 : i32
    %dma_start3A_317 = arith.constant 0 : i32
    %dma_start3A_318 = tpu.memref_slice %arg13[%dma_start3A_316, %dma_start3A_317] : memref<512x128xf32, #tpu.memory_space<vmem_shared>> -> memref<512x128xf32, #tpu.memory_space<vmem_shared>>
    tpu.enqueue_indirect_dma source(%dma_start3A_312 : memref<104x128xf32, #tpu.memory_space<vmem>>) target(%dma_start3A_318 : memref<512x128xf32, #tpu.memory_space<vmem_shared>>) offsets(%dma_start3A_315 : memref<104xi32, #tpu.memory_space<vmem>>) semaphore(%arg19 : memref<!tpu.dma_semaphore, #tpu.memory_space<semaphore_mem>>) {add = true}
    %dma_wait3A_319 = arith.constant 0 : i32
    %dma_wait3A_320 = arith.constant 0 : i32
    %dma_wait3A_321 = tpu.memref_slice %arg9[%dma_wait3A_319, %dma_wait3A_320] : memref<208x128xf32, #tpu.memory_space<vmem>> -> memref<104x128xf32, #tpu.memory_space<vmem>>
    %dma_wait3A_322 = arith.constant 0 : i32
    %dma_wait3A_323 = arith.constant 0 : i32
    %dma_wait3A_324 = tpu.memref_slice %arg2[%dma_wait3A_322, %dma_wait3A_323] : memref<100000x128xf32, #tpu.memory_space<hbm>> -> memref<104x128xf32, #tpu.memory_space<hbm>>
    %dma_wait3A_325 = arith.constant 0 : i32
    %dma_wait3A_326 = arith.constant 0 : i32
    %dma_wait3A_327 = tpu.memref_slice %arg9[%dma_wait3A_325, %dma_wait3A_326] : memref<208x128xf32, #tpu.memory_space<vmem>> -> memref<104x128xf32, #tpu.memory_space<vmem>>
    %dma_wait3A_328 = arith.constant 0 : i32
    %dma_wait3A_329 = arith.constant 0 : i32
    %dma_wait3A_330 = tpu.memref_slice %arg2[%dma_wait3A_328, %dma_wait3A_329] : memref<100000x128xf32, #tpu.memory_space<hbm>> -> memref<104x128xf32, #tpu.memory_space<hbm>>
    tpu.wait_dma2 semaphore(%arg18 : memref<!tpu.dma_semaphore, #tpu.memory_space<semaphore_mem>>) src(%dma_wait3A_330 : memref<104x128xf32, #tpu.memory_space<hbm>>) dst(%dma_wait3A_327 : memref<104x128xf32, #tpu.memory_space<vmem>>)
    %dma_wait3A_331 = arith.constant 0 : i32
    %dma_wait3A_332 = arith.constant 0 : i32
    %dma_wait3A_333 = tpu.memref_slice %arg9[%dma_wait3A_331, %dma_wait3A_332] : memref<208x128xf32, #tpu.memory_space<vmem>> -> memref<104x128xf32, #tpu.memory_space<vmem>>
    %dma_wait3A_334 = arith.constant 0 : i32
    %dma_wait3A_335 = arith.constant 0 : i32
    %dma_wait3A_336 = tpu.memref_slice %arg2[%dma_wait3A_334, %dma_wait3A_335] : memref<100000x128xf32, #tpu.memory_space<hbm>> -> memref<104x128xf32, #tpu.memory_space<hbm>>
    %dma_wait3A_337 = arith.constant 0 : i32
    %dma_wait3A_338 = arith.constant 0 : i32
    %dma_wait3A_339 = tpu.memref_slice %arg9[%dma_wait3A_337, %dma_wait3A_338] : memref<208x128xf32, #tpu.memory_space<vmem>> -> memref<104x128xf32, #tpu.memory_space<vmem>>
    %dma_wait3A_340 = arith.constant 0 : i32
    %dma_wait3A_341 = arith.constant 0 : i32
    %dma_wait3A_342 = tpu.memref_slice %arg2[%dma_wait3A_340, %dma_wait3A_341] : memref<100000x128xf32, #tpu.memory_space<hbm>> -> memref<104x128xf32, #tpu.memory_space<hbm>>
    tpu.wait_dma2 semaphore(%arg18 : memref<!tpu.dma_semaphore, #tpu.memory_space<semaphore_mem>>) src(%dma_wait3A_342 : memref<104x128xf32, #tpu.memory_space<hbm>>) dst(%dma_wait3A_339 : memref<104x128xf32, #tpu.memory_space<vmem>>)
    %mul3A_343 = arith.constant 3120 : i32
    %mul3A_344 = arith.muli %add3A, %mul3A_343 : i32
    %add3A_345 = arith.constant 1664 : i32
    %add3A_346 = arith.addi %mul3A_344, %add3A_345 : i32
    %dma_start3A_347 = arith.constant 0 : i32
    %dma_start3A_348 = tpu.memref_slice %arg2[%add3A_346, %dma_start3A_347] : memref<100000x128xf32, #tpu.memory_space<hbm>> -> memref<208x128xf32, #tpu.memory_space<hbm>>
    %dma_start3A_349 = arith.constant 0 : i32
    %dma_start3A_350 = tpu.memref_slice %arg2[%add3A_346, %dma_start3A_349] : memref<100000x128xf32, #tpu.memory_space<hbm>> -> memref<208x128xf32, #tpu.memory_space<hbm>>
    tpu.enqueue_dma source(%dma_start3A_350 : memref<208x128xf32, #tpu.memory_space<hbm>>) target(%arg9 : memref<208x128xf32, #tpu.memory_space<vmem>>) target_semaphore(%arg14 : memref<!tpu.dma_semaphore, #tpu.memory_space<semaphore_mem>>)
    %dma_wait3A_351 = arith.constant 0 : i32
    %dma_wait3A_352 = arith.constant 0 : i32
    %dma_wait3A_353 = tpu.memref_slice %arg2[%dma_wait3A_351, %dma_wait3A_352] : memref<100000x128xf32, #tpu.memory_space<hbm>> -> memref<208x128xf32, #tpu.memory_space<hbm>>
    %dma_wait3A_354 = arith.constant 0 : i32
    %dma_wait3A_355 = arith.constant 0 : i32
    %dma_wait3A_356 = tpu.memref_slice %arg2[%dma_wait3A_354, %dma_wait3A_355] : memref<100000x128xf32, #tpu.memory_space<hbm>> -> memref<208x128xf32, #tpu.memory_space<hbm>>
    tpu.wait_dma2 semaphore(%arg16 : memref<!tpu.dma_semaphore, #tpu.memory_space<semaphore_mem>>) src(%dma_wait3A_356 : memref<208x128xf32, #tpu.memory_space<hbm>>) dst(%arg11 : memref<208x128xf32, #tpu.memory_space<vmem>>)
    %dma_start3A_357 = arith.constant 12 : i32
    %dma_start3A_358 = arith.constant 0 : i32
    %dma_start3A_359 = arith.constant 0 : i32
    %dma_start3A_360 = tpu.memref_slice %arg11[%dma_start3A_358, %dma_start3A_359] : memref<208x128xf32, #tpu.memory_space<vmem>> -> memref<104x128xf32, #tpu.memory_space<vmem>>
    %dma_start3A_361 = arith.constant 0 : i32
    %dma_start3A_362 = tpu.memref_slice %arg7[%dma_start3A_357, %dma_start3A_361] : memref<30x104xi32, #tpu.memory_space<vmem>> -> memref<1x104xi32, #tpu.memory_space<vmem>>
    %dma_start3A_363 = tpu.memref_squeeze %dma_start3A_362 : memref<1x104xi32, #tpu.memory_space<vmem>> -> memref<104xi32, #tpu.memory_space<vmem>>
    %dma_start3A_364 = arith.constant 0 : i32
    %dma_start3A_365 = arith.constant 0 : i32
    %dma_start3A_366 = tpu.memref_slice %arg13[%dma_start3A_364, %dma_start3A_365] : memref<512x128xf32, #tpu.memory_space<vmem_shared>> -> memref<512x128xf32, #tpu.memory_space<vmem_shared>>
    tpu.enqueue_indirect_dma source(%dma_start3A_360 : memref<104x128xf32, #tpu.memory_space<vmem>>) target(%dma_start3A_366 : memref<512x128xf32, #tpu.memory_space<vmem_shared>>) offsets(%dma_start3A_363 : memref<104xi32, #tpu.memory_space<vmem>>) semaphore(%arg20 : memref<!tpu.dma_semaphore, #tpu.memory_space<semaphore_mem>>) {add = true}
    %dma_start3A_367 = arith.constant 13 : i32
    %dma_start3A_368 = arith.constant 104 : i32
    %dma_start3A_369 = arith.constant 0 : i32
    %dma_start3A_370 = tpu.memref_slice %arg11[%dma_start3A_368, %dma_start3A_369] : memref<208x128xf32, #tpu.memory_space<vmem>> -> memref<104x128xf32, #tpu.memory_space<vmem>>
    %dma_start3A_371 = arith.constant 0 : i32
    %dma_start3A_372 = tpu.memref_slice %arg7[%dma_start3A_367, %dma_start3A_371] : memref<30x104xi32, #tpu.memory_space<vmem>> -> memref<1x104xi32, #tpu.memory_space<vmem>>
    %dma_start3A_373 = tpu.memref_squeeze %dma_start3A_372 : memref<1x104xi32, #tpu.memory_space<vmem>> -> memref<104xi32, #tpu.memory_space<vmem>>
    %dma_start3A_374 = arith.constant 0 : i32
    %dma_start3A_375 = arith.constant 0 : i32
    %dma_start3A_376 = tpu.memref_slice %arg13[%dma_start3A_374, %dma_start3A_375] : memref<512x128xf32, #tpu.memory_space<vmem_shared>> -> memref<512x128xf32, #tpu.memory_space<vmem_shared>>
    tpu.enqueue_indirect_dma source(%dma_start3A_370 : memref<104x128xf32, #tpu.memory_space<vmem>>) target(%dma_start3A_376 : memref<512x128xf32, #tpu.memory_space<vmem_shared>>) offsets(%dma_start3A_373 : memref<104xi32, #tpu.memory_space<vmem>>) semaphore(%arg20 : memref<!tpu.dma_semaphore, #tpu.memory_space<semaphore_mem>>) {add = true}
    %dma_wait3A_377 = arith.constant 0 : i32
    %dma_wait3A_378 = arith.constant 0 : i32
    %dma_wait3A_379 = tpu.memref_slice %arg10[%dma_wait3A_377, %dma_wait3A_378] : memref<208x128xf32, #tpu.memory_space<vmem>> -> memref<104x128xf32, #tpu.memory_space<vmem>>
    %dma_wait3A_380 = arith.constant 0 : i32
    %dma_wait3A_381 = arith.constant 0 : i32
    %dma_wait3A_382 = tpu.memref_slice %arg2[%dma_wait3A_380, %dma_wait3A_381] : memref<100000x128xf32, #tpu.memory_space<hbm>> -> memref<104x128xf32, #tpu.memory_space<hbm>>
    %dma_wait3A_383 = arith.constant 0 : i32
    %dma_wait3A_384 = arith.constant 0 : i32
    %dma_wait3A_385 = tpu.memref_slice %arg10[%dma_wait3A_383, %dma_wait3A_384] : memref<208x128xf32, #tpu.memory_space<vmem>> -> memref<104x128xf32, #tpu.memory_space<vmem>>
    %dma_wait3A_386 = arith.constant 0 : i32
    %dma_wait3A_387 = arith.constant 0 : i32
    %dma_wait3A_388 = tpu.memref_slice %arg2[%dma_wait3A_386, %dma_wait3A_387] : memref<100000x128xf32, #tpu.memory_space<hbm>> -> memref<104x128xf32, #tpu.memory_space<hbm>>
    tpu.wait_dma2 semaphore(%arg19 : memref<!tpu.dma_semaphore, #tpu.memory_space<semaphore_mem>>) src(%dma_wait3A_388 : memref<104x128xf32, #tpu.memory_space<hbm>>) dst(%dma_wait3A_385 : memref<104x128xf32, #tpu.memory_space<vmem>>)
    %dma_wait3A_389 = arith.constant 0 : i32
    %dma_wait3A_390 = arith.constant 0 : i32
    %dma_wait3A_391 = tpu.memref_slice %arg10[%dma_wait3A_389, %dma_wait3A_390] : memref<208x128xf32, #tpu.memory_space<vmem>> -> memref<104x128xf32, #tpu.memory_space<vmem>>
    %dma_wait3A_392 = arith.constant 0 : i32
    %dma_wait3A_393 = arith.constant 0 : i32
    %dma_wait3A_394 = tpu.memref_slice %arg2[%dma_wait3A_392, %dma_wait3A_393] : memref<100000x128xf32, #tpu.memory_space<hbm>> -> memref<104x128xf32, #tpu.memory_space<hbm>>
    %dma_wait3A_395 = arith.constant 0 : i32
    %dma_wait3A_396 = arith.constant 0 : i32
    %dma_wait3A_397 = tpu.memref_slice %arg10[%dma_wait3A_395, %dma_wait3A_396] : memref<208x128xf32, #tpu.memory_space<vmem>> -> memref<104x128xf32, #tpu.memory_space<vmem>>
    %dma_wait3A_398 = arith.constant 0 : i32
    %dma_wait3A_399 = arith.constant 0 : i32
    %dma_wait3A_400 = tpu.memref_slice %arg2[%dma_wait3A_398, %dma_wait3A_399] : memref<100000x128xf32, #tpu.memory_space<hbm>> -> memref<104x128xf32, #tpu.memory_space<hbm>>
    tpu.wait_dma2 semaphore(%arg19 : memref<!tpu.dma_semaphore, #tpu.memory_space<semaphore_mem>>) src(%dma_wait3A_400 : memref<104x128xf32, #tpu.memory_space<hbm>>) dst(%dma_wait3A_397 : memref<104x128xf32, #tpu.memory_space<vmem>>)
    %mul3A_401 = arith.constant 3120 : i32
    %mul3A_402 = arith.muli %add3A, %mul3A_401 : i32
    %add3A_403 = arith.constant 1872 : i32
    %add3A_404 = arith.addi %mul3A_402, %add3A_403 : i32
    %dma_start3A_405 = arith.constant 0 : i32
    %dma_start3A_406 = tpu.memref_slice %arg2[%add3A_404, %dma_start3A_405] : memref<100000x128xf32, #tpu.memory_space<hbm>> -> memref<208x128xf32, #tpu.memory_space<hbm>>
    %dma_start3A_407 = arith.constant 0 : i32
    %dma_start3A_408 = tpu.memref_slice %arg2[%add3A_404, %dma_start3A_407] : memref<100000x128xf32, #tpu.memory_space<hbm>> -> memref<208x128xf32, #tpu.memory_space<hbm>>
    tpu.enqueue_dma source(%dma_start3A_408 : memref<208x128xf32, #tpu.memory_space<hbm>>) target(%arg10 : memref<208x128xf32, #tpu.memory_space<vmem>>) target_semaphore(%arg15 : memref<!tpu.dma_semaphore, #tpu.memory_space<semaphore_mem>>)
    %dma_wait3A_409 = arith.constant 0 : i32
    %dma_wait3A_410 = arith.constant 0 : i32
    %dma_wait3A_411 = tpu.memref_slice %arg2[%dma_wait3A_409, %dma_wait3A_410] : memref<100000x128xf32, #tpu.memory_space<hbm>> -> memref<208x128xf32, #tpu.memory_space<hbm>>
    %dma_wait3A_412 = arith.constant 0 : i32
    %dma_wait3A_413 = arith.constant 0 : i32
    %dma_wait3A_414 = tpu.memref_slice %arg2[%dma_wait3A_412, %dma_wait3A_413] : memref<100000x128xf32, #tpu.memory_space<hbm>> -> memref<208x128xf32, #tpu.memory_space<hbm>>
    tpu.wait_dma2 semaphore(%arg17 : memref<!tpu.dma_semaphore, #tpu.memory_space<semaphore_mem>>) src(%dma_wait3A_414 : memref<208x128xf32, #tpu.memory_space<hbm>>) dst(%arg12 : memref<208x128xf32, #tpu.memory_space<vmem>>)
    %dma_start3A_415 = arith.constant 14 : i32
    %dma_start3A_416 = arith.constant 0 : i32
    %dma_start3A_417 = arith.constant 0 : i32
    %dma_start3A_418 = tpu.memref_slice %arg12[%dma_start3A_416, %dma_start3A_417] : memref<208x128xf32, #tpu.memory_space<vmem>> -> memref<104x128xf32, #tpu.memory_space<vmem>>
    %dma_start3A_419 = arith.constant 0 : i32
    %dma_start3A_420 = tpu.memref_slice %arg7[%dma_start3A_415, %dma_start3A_419] : memref<30x104xi32, #tpu.memory_space<vmem>> -> memref<1x104xi32, #tpu.memory_space<vmem>>
    %dma_start3A_421 = tpu.memref_squeeze %dma_start3A_420 : memref<1x104xi32, #tpu.memory_space<vmem>> -> memref<104xi32, #tpu.memory_space<vmem>>
    %dma_start3A_422 = arith.constant 0 : i32
    %dma_start3A_423 = arith.constant 0 : i32
    %dma_start3A_424 = tpu.memref_slice %arg13[%dma_start3A_422, %dma_start3A_423] : memref<512x128xf32, #tpu.memory_space<vmem_shared>> -> memref<512x128xf32, #tpu.memory_space<vmem_shared>>
    tpu.enqueue_indirect_dma source(%dma_start3A_418 : memref<104x128xf32, #tpu.memory_space<vmem>>) target(%dma_start3A_424 : memref<512x128xf32, #tpu.memory_space<vmem_shared>>) offsets(%dma_start3A_421 : memref<104xi32, #tpu.memory_space<vmem>>) semaphore(%arg21 : memref<!tpu.dma_semaphore, #tpu.memory_space<semaphore_mem>>) {add = true}
    %dma_start3A_425 = arith.constant 15 : i32
    %dma_start3A_426 = arith.constant 104 : i32
    %dma_start3A_427 = arith.constant 0 : i32
    %dma_start3A_428 = tpu.memref_slice %arg12[%dma_start3A_426, %dma_start3A_427] : memref<208x128xf32, #tpu.memory_space<vmem>> -> memref<104x128xf32, #tpu.memory_space<vmem>>
    %dma_start3A_429 = arith.constant 0 : i32
    %dma_start3A_430 = tpu.memref_slice %arg7[%dma_start3A_425, %dma_start3A_429] : memref<30x104xi32, #tpu.memory_space<vmem>> -> memref<1x104xi32, #tpu.memory_space<vmem>>
    %dma_start3A_431 = tpu.memref_squeeze %dma_start3A_430 : memref<1x104xi32, #tpu.memory_space<vmem>> -> memref<104xi32, #tpu.memory_space<vmem>>
    %dma_start3A_432 = arith.constant 0 : i32
    %dma_start3A_433 = arith.constant 0 : i32
    %dma_start3A_434 = tpu.memref_slice %arg13[%dma_start3A_432, %dma_start3A_433] : memref<512x128xf32, #tpu.memory_space<vmem_shared>> -> memref<512x128xf32, #tpu.memory_space<vmem_shared>>
    tpu.enqueue_indirect_dma source(%dma_start3A_428 : memref<104x128xf32, #tpu.memory_space<vmem>>) target(%dma_start3A_434 : memref<512x128xf32, #tpu.memory_space<vmem_shared>>) offsets(%dma_start3A_431 : memref<104xi32, #tpu.memory_space<vmem>>) semaphore(%arg21 : memref<!tpu.dma_semaphore, #tpu.memory_space<semaphore_mem>>) {add = true}
    %dma_wait3A_435 = arith.constant 0 : i32
    %dma_wait3A_436 = arith.constant 0 : i32
    %dma_wait3A_437 = tpu.memref_slice %arg11[%dma_wait3A_435, %dma_wait3A_436] : memref<208x128xf32, #tpu.memory_space<vmem>> -> memref<104x128xf32, #tpu.memory_space<vmem>>
    %dma_wait3A_438 = arith.constant 0 : i32
    %dma_wait3A_439 = arith.constant 0 : i32
    %dma_wait3A_440 = tpu.memref_slice %arg2[%dma_wait3A_438, %dma_wait3A_439] : memref<100000x128xf32, #tpu.memory_space<hbm>> -> memref<104x128xf32, #tpu.memory_space<hbm>>
    %dma_wait3A_441 = arith.constant 0 : i32
    %dma_wait3A_442 = arith.constant 0 : i32
    %dma_wait3A_443 = tpu.memref_slice %arg11[%dma_wait3A_441, %dma_wait3A_442] : memref<208x128xf32, #tpu.memory_space<vmem>> -> memref<104x128xf32, #tpu.memory_space<vmem>>
    %dma_wait3A_444 = arith.constant 0 : i32
    %dma_wait3A_445 = arith.constant 0 : i32
    %dma_wait3A_446 = tpu.memref_slice %arg2[%dma_wait3A_444, %dma_wait3A_445] : memref<100000x128xf32, #tpu.memory_space<hbm>> -> memref<104x128xf32, #tpu.memory_space<hbm>>
    tpu.wait_dma2 semaphore(%arg20 : memref<!tpu.dma_semaphore, #tpu.memory_space<semaphore_mem>>) src(%dma_wait3A_446 : memref<104x128xf32, #tpu.memory_space<hbm>>) dst(%dma_wait3A_443 : memref<104x128xf32, #tpu.memory_space<vmem>>)
    %dma_wait3A_447 = arith.constant 0 : i32
    %dma_wait3A_448 = arith.constant 0 : i32
    %dma_wait3A_449 = tpu.memref_slice %arg11[%dma_wait3A_447, %dma_wait3A_448] : memref<208x128xf32, #tpu.memory_space<vmem>> -> memref<104x128xf32, #tpu.memory_space<vmem>>
    %dma_wait3A_450 = arith.constant 0 : i32
    %dma_wait3A_451 = arith.constant 0 : i32
    %dma_wait3A_452 = tpu.memref_slice %arg2[%dma_wait3A_450, %dma_wait3A_451] : memref<100000x128xf32, #tpu.memory_space<hbm>> -> memref<104x128xf32, #tpu.memory_space<hbm>>
    %dma_wait3A_453 = arith.constant 0 : i32
    %dma_wait3A_454 = arith.constant 0 : i32
    %dma_wait3A_455 = tpu.memref_slice %arg11[%dma_wait3A_453, %dma_wait3A_454] : memref<208x128xf32, #tpu.memory_space<vmem>> -> memref<104x128xf32, #tpu.memory_space<vmem>>
    %dma_wait3A_456 = arith.constant 0 : i32
    %dma_wait3A_457 = arith.constant 0 : i32
    %dma_wait3A_458 = tpu.memref_slice %arg2[%dma_wait3A_456, %dma_wait3A_457] : memref<100000x128xf32, #tpu.memory_space<hbm>> -> memref<104x128xf32, #tpu.memory_space<hbm>>
    tpu.wait_dma2 semaphore(%arg20 : memref<!tpu.dma_semaphore, #tpu.memory_space<semaphore_mem>>) src(%dma_wait3A_458 : memref<104x128xf32, #tpu.memory_space<hbm>>) dst(%dma_wait3A_455 : memref<104x128xf32, #tpu.memory_space<vmem>>)
    %mul3A_459 = arith.constant 3120 : i32
    %mul3A_460 = arith.muli %add3A, %mul3A_459 : i32
    %add3A_461 = arith.constant 2080 : i32
    %add3A_462 = arith.addi %mul3A_460, %add3A_461 : i32
    %dma_start3A_463 = arith.constant 0 : i32
    %dma_start3A_464 = tpu.memref_slice %arg2[%add3A_462, %dma_start3A_463] : memref<100000x128xf32, #tpu.memory_space<hbm>> -> memref<208x128xf32, #tpu.memory_space<hbm>>
    %dma_start3A_465 = arith.constant 0 : i32
    %dma_start3A_466 = tpu.memref_slice %arg2[%add3A_462, %dma_start3A_465] : memref<100000x128xf32, #tpu.memory_space<hbm>> -> memref<208x128xf32, #tpu.memory_space<hbm>>
    tpu.enqueue_dma source(%dma_start3A_466 : memref<208x128xf32, #tpu.memory_space<hbm>>) target(%arg11 : memref<208x128xf32, #tpu.memory_space<vmem>>) target_semaphore(%arg16 : memref<!tpu.dma_semaphore, #tpu.memory_space<semaphore_mem>>)
    %dma_wait3A_467 = arith.constant 0 : i32
    %dma_wait3A_468 = arith.constant 0 : i32
    %dma_wait3A_469 = tpu.memref_slice %arg2[%dma_wait3A_467, %dma_wait3A_468] : memref<100000x128xf32, #tpu.memory_space<hbm>> -> memref<208x128xf32, #tpu.memory_space<hbm>>
    %dma_wait3A_470 = arith.constant 0 : i32
    %dma_wait3A_471 = arith.constant 0 : i32
    %dma_wait3A_472 = tpu.memref_slice %arg2[%dma_wait3A_470, %dma_wait3A_471] : memref<100000x128xf32, #tpu.memory_space<hbm>> -> memref<208x128xf32, #tpu.memory_space<hbm>>
    tpu.wait_dma2 semaphore(%arg14 : memref<!tpu.dma_semaphore, #tpu.memory_space<semaphore_mem>>) src(%dma_wait3A_472 : memref<208x128xf32, #tpu.memory_space<hbm>>) dst(%arg9 : memref<208x128xf32, #tpu.memory_space<vmem>>)
    %dma_start3A_473 = arith.constant 16 : i32
    %dma_start3A_474 = arith.constant 0 : i32
    %dma_start3A_475 = arith.constant 0 : i32
    %dma_start3A_476 = tpu.memref_slice %arg9[%dma_start3A_474, %dma_start3A_475] : memref<208x128xf32, #tpu.memory_space<vmem>> -> memref<104x128xf32, #tpu.memory_space<vmem>>
    %dma_start3A_477 = arith.constant 0 : i32
    %dma_start3A_478 = tpu.memref_slice %arg7[%dma_start3A_473, %dma_start3A_477] : memref<30x104xi32, #tpu.memory_space<vmem>> -> memref<1x104xi32, #tpu.memory_space<vmem>>
    %dma_start3A_479 = tpu.memref_squeeze %dma_start3A_478 : memref<1x104xi32, #tpu.memory_space<vmem>> -> memref<104xi32, #tpu.memory_space<vmem>>
    %dma_start3A_480 = arith.constant 0 : i32
    %dma_start3A_481 = arith.constant 0 : i32
    %dma_start3A_482 = tpu.memref_slice %arg13[%dma_start3A_480, %dma_start3A_481] : memref<512x128xf32, #tpu.memory_space<vmem_shared>> -> memref<512x128xf32, #tpu.memory_space<vmem_shared>>
    tpu.enqueue_indirect_dma source(%dma_start3A_476 : memref<104x128xf32, #tpu.memory_space<vmem>>) target(%dma_start3A_482 : memref<512x128xf32, #tpu.memory_space<vmem_shared>>) offsets(%dma_start3A_479 : memref<104xi32, #tpu.memory_space<vmem>>) semaphore(%arg18 : memref<!tpu.dma_semaphore, #tpu.memory_space<semaphore_mem>>) {add = true}
    %dma_start3A_483 = arith.constant 17 : i32
    %dma_start3A_484 = arith.constant 104 : i32
    %dma_start3A_485 = arith.constant 0 : i32
    %dma_start3A_486 = tpu.memref_slice %arg9[%dma_start3A_484, %dma_start3A_485] : memref<208x128xf32, #tpu.memory_space<vmem>> -> memref<104x128xf32, #tpu.memory_space<vmem>>
    %dma_start3A_487 = arith.constant 0 : i32
    %dma_start3A_488 = tpu.memref_slice %arg7[%dma_start3A_483, %dma_start3A_487] : memref<30x104xi32, #tpu.memory_space<vmem>> -> memref<1x104xi32, #tpu.memory_space<vmem>>
    %dma_start3A_489 = tpu.memref_squeeze %dma_start3A_488 : memref<1x104xi32, #tpu.memory_space<vmem>> -> memref<104xi32, #tpu.memory_space<vmem>>
    %dma_start3A_490 = arith.constant 0 : i32
    %dma_start3A_491 = arith.constant 0 : i32
    %dma_start3A_492 = tpu.memref_slice %arg13[%dma_start3A_490, %dma_start3A_491] : memref<512x128xf32, #tpu.memory_space<vmem_shared>> -> memref<512x128xf32, #tpu.memory_space<vmem_shared>>
    tpu.enqueue_indirect_dma source(%dma_start3A_486 : memref<104x128xf32, #tpu.memory_space<vmem>>) target(%dma_start3A_492 : memref<512x128xf32, #tpu.memory_space<vmem_shared>>) offsets(%dma_start3A_489 : memref<104xi32, #tpu.memory_space<vmem>>) semaphore(%arg18 : memref<!tpu.dma_semaphore, #tpu.memory_space<semaphore_mem>>) {add = true}
    %dma_wait3A_493 = arith.constant 0 : i32
    %dma_wait3A_494 = arith.constant 0 : i32
    %dma_wait3A_495 = tpu.memref_slice %arg12[%dma_wait3A_493, %dma_wait3A_494] : memref<208x128xf32, #tpu.memory_space<vmem>> -> memref<104x128xf32, #tpu.memory_space<vmem>>
    %dma_wait3A_496 = arith.constant 0 : i32
    %dma_wait3A_497 = arith.constant 0 : i32
    %dma_wait3A_498 = tpu.memref_slice %arg2[%dma_wait3A_496, %dma_wait3A_497] : memref<100000x128xf32, #tpu.memory_space<hbm>> -> memref<104x128xf32, #tpu.memory_space<hbm>>
    %dma_wait3A_499 = arith.constant 0 : i32
    %dma_wait3A_500 = arith.constant 0 : i32
    %dma_wait3A_501 = tpu.memref_slice %arg12[%dma_wait3A_499, %dma_wait3A_500] : memref<208x128xf32, #tpu.memory_space<vmem>> -> memref<104x128xf32, #tpu.memory_space<vmem>>
    %dma_wait3A_502 = arith.constant 0 : i32
    %dma_wait3A_503 = arith.constant 0 : i32
    %dma_wait3A_504 = tpu.memref_slice %arg2[%dma_wait3A_502, %dma_wait3A_503] : memref<100000x128xf32, #tpu.memory_space<hbm>> -> memref<104x128xf32, #tpu.memory_space<hbm>>
    tpu.wait_dma2 semaphore(%arg21 : memref<!tpu.dma_semaphore, #tpu.memory_space<semaphore_mem>>) src(%dma_wait3A_504 : memref<104x128xf32, #tpu.memory_space<hbm>>) dst(%dma_wait3A_501 : memref<104x128xf32, #tpu.memory_space<vmem>>)
    %dma_wait3A_505 = arith.constant 0 : i32
    %dma_wait3A_506 = arith.constant 0 : i32
    %dma_wait3A_507 = tpu.memref_slice %arg12[%dma_wait3A_505, %dma_wait3A_506] : memref<208x128xf32, #tpu.memory_space<vmem>> -> memref<104x128xf32, #tpu.memory_space<vmem>>
    %dma_wait3A_508 = arith.constant 0 : i32
    %dma_wait3A_509 = arith.constant 0 : i32
    %dma_wait3A_510 = tpu.memref_slice %arg2[%dma_wait3A_508, %dma_wait3A_509] : memref<100000x128xf32, #tpu.memory_space<hbm>> -> memref<104x128xf32, #tpu.memory_space<hbm>>
    %dma_wait3A_511 = arith.constant 0 : i32
    %dma_wait3A_512 = arith.constant 0 : i32
    %dma_wait3A_513 = tpu.memref_slice %arg12[%dma_wait3A_511, %dma_wait3A_512] : memref<208x128xf32, #tpu.memory_space<vmem>> -> memref<104x128xf32, #tpu.memory_space<vmem>>
    %dma_wait3A_514 = arith.constant 0 : i32
    %dma_wait3A_515 = arith.constant 0 : i32
    %dma_wait3A_516 = tpu.memref_slice %arg2[%dma_wait3A_514, %dma_wait3A_515] : memref<100000x128xf32, #tpu.memory_space<hbm>> -> memref<104x128xf32, #tpu.memory_space<hbm>>
    tpu.wait_dma2 semaphore(%arg21 : memref<!tpu.dma_semaphore, #tpu.memory_space<semaphore_mem>>) src(%dma_wait3A_516 : memref<104x128xf32, #tpu.memory_space<hbm>>) dst(%dma_wait3A_513 : memref<104x128xf32, #tpu.memory_space<vmem>>)
    %mul3A_517 = arith.constant 3120 : i32
    %mul3A_518 = arith.muli %add3A, %mul3A_517 : i32
    %add3A_519 = arith.constant 2288 : i32
    %add3A_520 = arith.addi %mul3A_518, %add3A_519 : i32
    %dma_start3A_521 = arith.constant 0 : i32
    %dma_start3A_522 = tpu.memref_slice %arg2[%add3A_520, %dma_start3A_521] : memref<100000x128xf32, #tpu.memory_space<hbm>> -> memref<208x128xf32, #tpu.memory_space<hbm>>
    %dma_start3A_523 = arith.constant 0 : i32
    %dma_start3A_524 = tpu.memref_slice %arg2[%add3A_520, %dma_start3A_523] : memref<100000x128xf32, #tpu.memory_space<hbm>> -> memref<208x128xf32, #tpu.memory_space<hbm>>
    tpu.enqueue_dma source(%dma_start3A_524 : memref<208x128xf32, #tpu.memory_space<hbm>>) target(%arg12 : memref<208x128xf32, #tpu.memory_space<vmem>>) target_semaphore(%arg17 : memref<!tpu.dma_semaphore, #tpu.memory_space<semaphore_mem>>)
    %dma_wait3A_525 = arith.constant 0 : i32
    %dma_wait3A_526 = arith.constant 0 : i32
    %dma_wait3A_527 = tpu.memref_slice %arg2[%dma_wait3A_525, %dma_wait3A_526] : memref<100000x128xf32, #tpu.memory_space<hbm>> -> memref<208x128xf32, #tpu.memory_space<hbm>>
    %dma_wait3A_528 = arith.constant 0 : i32
    %dma_wait3A_529 = arith.constant 0 : i32
    %dma_wait3A_530 = tpu.memref_slice %arg2[%dma_wait3A_528, %dma_wait3A_529] : memref<100000x128xf32, #tpu.memory_space<hbm>> -> memref<208x128xf32, #tpu.memory_space<hbm>>
    tpu.wait_dma2 semaphore(%arg15 : memref<!tpu.dma_semaphore, #tpu.memory_space<semaphore_mem>>) src(%dma_wait3A_530 : memref<208x128xf32, #tpu.memory_space<hbm>>) dst(%arg10 : memref<208x128xf32, #tpu.memory_space<vmem>>)
    %dma_start3A_531 = arith.constant 18 : i32
    %dma_start3A_532 = arith.constant 0 : i32
    %dma_start3A_533 = arith.constant 0 : i32
    %dma_start3A_534 = tpu.memref_slice %arg10[%dma_start3A_532, %dma_start3A_533] : memref<208x128xf32, #tpu.memory_space<vmem>> -> memref<104x128xf32, #tpu.memory_space<vmem>>
    %dma_start3A_535 = arith.constant 0 : i32
    %dma_start3A_536 = tpu.memref_slice %arg7[%dma_start3A_531, %dma_start3A_535] : memref<30x104xi32, #tpu.memory_space<vmem>> -> memref<1x104xi32, #tpu.memory_space<vmem>>
    %dma_start3A_537 = tpu.memref_squeeze %dma_start3A_536 : memref<1x104xi32, #tpu.memory_space<vmem>> -> memref<104xi32, #tpu.memory_space<vmem>>
    %dma_start3A_538 = arith.constant 0 : i32
    %dma_start3A_539 = arith.constant 0 : i32
    %dma_start3A_540 = tpu.memref_slice %arg13[%dma_start3A_538, %dma_start3A_539] : memref<512x128xf32, #tpu.memory_space<vmem_shared>> -> memref<512x128xf32, #tpu.memory_space<vmem_shared>>
    tpu.enqueue_indirect_dma source(%dma_start3A_534 : memref<104x128xf32, #tpu.memory_space<vmem>>) target(%dma_start3A_540 : memref<512x128xf32, #tpu.memory_space<vmem_shared>>) offsets(%dma_start3A_537 : memref<104xi32, #tpu.memory_space<vmem>>) semaphore(%arg19 : memref<!tpu.dma_semaphore, #tpu.memory_space<semaphore_mem>>) {add = true}
    %dma_start3A_541 = arith.constant 19 : i32
    %dma_start3A_542 = arith.constant 104 : i32
    %dma_start3A_543 = arith.constant 0 : i32
    %dma_start3A_544 = tpu.memref_slice %arg10[%dma_start3A_542, %dma_start3A_543] : memref<208x128xf32, #tpu.memory_space<vmem>> -> memref<104x128xf32, #tpu.memory_space<vmem>>
    %dma_start3A_545 = arith.constant 0 : i32
    %dma_start3A_546 = tpu.memref_slice %arg7[%dma_start3A_541, %dma_start3A_545] : memref<30x104xi32, #tpu.memory_space<vmem>> -> memref<1x104xi32, #tpu.memory_space<vmem>>
    %dma_start3A_547 = tpu.memref_squeeze %dma_start3A_546 : memref<1x104xi32, #tpu.memory_space<vmem>> -> memref<104xi32, #tpu.memory_space<vmem>>
    %dma_start3A_548 = arith.constant 0 : i32
    %dma_start3A_549 = arith.constant 0 : i32
    %dma_start3A_550 = tpu.memref_slice %arg13[%dma_start3A_548, %dma_start3A_549] : memref<512x128xf32, #tpu.memory_space<vmem_shared>> -> memref<512x128xf32, #tpu.memory_space<vmem_shared>>
    tpu.enqueue_indirect_dma source(%dma_start3A_544 : memref<104x128xf32, #tpu.memory_space<vmem>>) target(%dma_start3A_550 : memref<512x128xf32, #tpu.memory_space<vmem_shared>>) offsets(%dma_start3A_547 : memref<104xi32, #tpu.memory_space<vmem>>) semaphore(%arg19 : memref<!tpu.dma_semaphore, #tpu.memory_space<semaphore_mem>>) {add = true}
    %dma_wait3A_551 = arith.constant 0 : i32
    %dma_wait3A_552 = arith.constant 0 : i32
    %dma_wait3A_553 = tpu.memref_slice %arg9[%dma_wait3A_551, %dma_wait3A_552] : memref<208x128xf32, #tpu.memory_space<vmem>> -> memref<104x128xf32, #tpu.memory_space<vmem>>
    %dma_wait3A_554 = arith.constant 0 : i32
    %dma_wait3A_555 = arith.constant 0 : i32
    %dma_wait3A_556 = tpu.memref_slice %arg2[%dma_wait3A_554, %dma_wait3A_555] : memref<100000x128xf32, #tpu.memory_space<hbm>> -> memref<104x128xf32, #tpu.memory_space<hbm>>
    %dma_wait3A_557 = arith.constant 0 : i32
    %dma_wait3A_558 = arith.constant 0 : i32
    %dma_wait3A_559 = tpu.memref_slice %arg9[%dma_wait3A_557, %dma_wait3A_558] : memref<208x128xf32, #tpu.memory_space<vmem>> -> memref<104x128xf32, #tpu.memory_space<vmem>>
    %dma_wait3A_560 = arith.constant 0 : i32
    %dma_wait3A_561 = arith.constant 0 : i32
    %dma_wait3A_562 = tpu.memref_slice %arg2[%dma_wait3A_560, %dma_wait3A_561] : memref<100000x128xf32, #tpu.memory_space<hbm>> -> memref<104x128xf32, #tpu.memory_space<hbm>>
    tpu.wait_dma2 semaphore(%arg18 : memref<!tpu.dma_semaphore, #tpu.memory_space<semaphore_mem>>) src(%dma_wait3A_562 : memref<104x128xf32, #tpu.memory_space<hbm>>) dst(%dma_wait3A_559 : memref<104x128xf32, #tpu.memory_space<vmem>>)
    %dma_wait3A_563 = arith.constant 0 : i32
    %dma_wait3A_564 = arith.constant 0 : i32
    %dma_wait3A_565 = tpu.memref_slice %arg9[%dma_wait3A_563, %dma_wait3A_564] : memref<208x128xf32, #tpu.memory_space<vmem>> -> memref<104x128xf32, #tpu.memory_space<vmem>>
    %dma_wait3A_566 = arith.constant 0 : i32
    %dma_wait3A_567 = arith.constant 0 : i32
    %dma_wait3A_568 = tpu.memref_slice %arg2[%dma_wait3A_566, %dma_wait3A_567] : memref<100000x128xf32, #tpu.memory_space<hbm>> -> memref<104x128xf32, #tpu.memory_space<hbm>>
    %dma_wait3A_569 = arith.constant 0 : i32
    %dma_wait3A_570 = arith.constant 0 : i32
    %dma_wait3A_571 = tpu.memref_slice %arg9[%dma_wait3A_569, %dma_wait3A_570] : memref<208x128xf32, #tpu.memory_space<vmem>> -> memref<104x128xf32, #tpu.memory_space<vmem>>
    %dma_wait3A_572 = arith.constant 0 : i32
    %dma_wait3A_573 = arith.constant 0 : i32
    %dma_wait3A_574 = tpu.memref_slice %arg2[%dma_wait3A_572, %dma_wait3A_573] : memref<100000x128xf32, #tpu.memory_space<hbm>> -> memref<104x128xf32, #tpu.memory_space<hbm>>
    tpu.wait_dma2 semaphore(%arg18 : memref<!tpu.dma_semaphore, #tpu.memory_space<semaphore_mem>>) src(%dma_wait3A_574 : memref<104x128xf32, #tpu.memory_space<hbm>>) dst(%dma_wait3A_571 : memref<104x128xf32, #tpu.memory_space<vmem>>)
    %mul3A_575 = arith.constant 3120 : i32
    %mul3A_576 = arith.muli %add3A, %mul3A_575 : i32
    %add3A_577 = arith.constant 2496 : i32
    %add3A_578 = arith.addi %mul3A_576, %add3A_577 : i32
    %dma_start3A_579 = arith.constant 0 : i32
    %dma_start3A_580 = tpu.memref_slice %arg2[%add3A_578, %dma_start3A_579] : memref<100000x128xf32, #tpu.memory_space<hbm>> -> memref<208x128xf32, #tpu.memory_space<hbm>>
    %dma_start3A_581 = arith.constant 0 : i32
    %dma_start3A_582 = tpu.memref_slice %arg2[%add3A_578, %dma_start3A_581] : memref<100000x128xf32, #tpu.memory_space<hbm>> -> memref<208x128xf32, #tpu.memory_space<hbm>>
    tpu.enqueue_dma source(%dma_start3A_582 : memref<208x128xf32, #tpu.memory_space<hbm>>) target(%arg9 : memref<208x128xf32, #tpu.memory_space<vmem>>) target_semaphore(%arg14 : memref<!tpu.dma_semaphore, #tpu.memory_space<semaphore_mem>>)
    %dma_wait3A_583 = arith.constant 0 : i32
    %dma_wait3A_584 = arith.constant 0 : i32
    %dma_wait3A_585 = tpu.memref_slice %arg2[%dma_wait3A_583, %dma_wait3A_584] : memref<100000x128xf32, #tpu.memory_space<hbm>> -> memref<208x128xf32, #tpu.memory_space<hbm>>
    %dma_wait3A_586 = arith.constant 0 : i32
    %dma_wait3A_587 = arith.constant 0 : i32
    %dma_wait3A_588 = tpu.memref_slice %arg2[%dma_wait3A_586, %dma_wait3A_587] : memref<100000x128xf32, #tpu.memory_space<hbm>> -> memref<208x128xf32, #tpu.memory_space<hbm>>
    tpu.wait_dma2 semaphore(%arg16 : memref<!tpu.dma_semaphore, #tpu.memory_space<semaphore_mem>>) src(%dma_wait3A_588 : memref<208x128xf32, #tpu.memory_space<hbm>>) dst(%arg11 : memref<208x128xf32, #tpu.memory_space<vmem>>)
    %dma_start3A_589 = arith.constant 20 : i32
    %dma_start3A_590 = arith.constant 0 : i32
    %dma_start3A_591 = arith.constant 0 : i32
    %dma_start3A_592 = tpu.memref_slice %arg11[%dma_start3A_590, %dma_start3A_591] : memref<208x128xf32, #tpu.memory_space<vmem>> -> memref<104x128xf32, #tpu.memory_space<vmem>>
    %dma_start3A_593 = arith.constant 0 : i32
    %dma_start3A_594 = tpu.memref_slice %arg7[%dma_start3A_589, %dma_start3A_593] : memref<30x104xi32, #tpu.memory_space<vmem>> -> memref<1x104xi32, #tpu.memory_space<vmem>>
    %dma_start3A_595 = tpu.memref_squeeze %dma_start3A_594 : memref<1x104xi32, #tpu.memory_space<vmem>> -> memref<104xi32, #tpu.memory_space<vmem>>
    %dma_start3A_596 = arith.constant 0 : i32
    %dma_start3A_597 = arith.constant 0 : i32
    %dma_start3A_598 = tpu.memref_slice %arg13[%dma_start3A_596, %dma_start3A_597] : memref<512x128xf32, #tpu.memory_space<vmem_shared>> -> memref<512x128xf32, #tpu.memory_space<vmem_shared>>
    tpu.enqueue_indirect_dma source(%dma_start3A_592 : memref<104x128xf32, #tpu.memory_space<vmem>>) target(%dma_start3A_598 : memref<512x128xf32, #tpu.memory_space<vmem_shared>>) offsets(%dma_start3A_595 : memref<104xi32, #tpu.memory_space<vmem>>) semaphore(%arg20 : memref<!tpu.dma_semaphore, #tpu.memory_space<semaphore_mem>>) {add = true}
    %dma_start3A_599 = arith.constant 21 : i32
    %dma_start3A_600 = arith.constant 104 : i32
    %dma_start3A_601 = arith.constant 0 : i32
    %dma_start3A_602 = tpu.memref_slice %arg11[%dma_start3A_600, %dma_start3A_601] : memref<208x128xf32, #tpu.memory_space<vmem>> -> memref<104x128xf32, #tpu.memory_space<vmem>>
    %dma_start3A_603 = arith.constant 0 : i32
    %dma_start3A_604 = tpu.memref_slice %arg7[%dma_start3A_599, %dma_start3A_603] : memref<30x104xi32, #tpu.memory_space<vmem>> -> memref<1x104xi32, #tpu.memory_space<vmem>>
    %dma_start3A_605 = tpu.memref_squeeze %dma_start3A_604 : memref<1x104xi32, #tpu.memory_space<vmem>> -> memref<104xi32, #tpu.memory_space<vmem>>
    %dma_start3A_606 = arith.constant 0 : i32
    %dma_start3A_607 = arith.constant 0 : i32
    %dma_start3A_608 = tpu.memref_slice %arg13[%dma_start3A_606, %dma_start3A_607] : memref<512x128xf32, #tpu.memory_space<vmem_shared>> -> memref<512x128xf32, #tpu.memory_space<vmem_shared>>
    tpu.enqueue_indirect_dma source(%dma_start3A_602 : memref<104x128xf32, #tpu.memory_space<vmem>>) target(%dma_start3A_608 : memref<512x128xf32, #tpu.memory_space<vmem_shared>>) offsets(%dma_start3A_605 : memref<104xi32, #tpu.memory_space<vmem>>) semaphore(%arg20 : memref<!tpu.dma_semaphore, #tpu.memory_space<semaphore_mem>>) {add = true}
    %dma_wait3A_609 = arith.constant 0 : i32
    %dma_wait3A_610 = arith.constant 0 : i32
    %dma_wait3A_611 = tpu.memref_slice %arg10[%dma_wait3A_609, %dma_wait3A_610] : memref<208x128xf32, #tpu.memory_space<vmem>> -> memref<104x128xf32, #tpu.memory_space<vmem>>
    %dma_wait3A_612 = arith.constant 0 : i32
    %dma_wait3A_613 = arith.constant 0 : i32
    %dma_wait3A_614 = tpu.memref_slice %arg2[%dma_wait3A_612, %dma_wait3A_613] : memref<100000x128xf32, #tpu.memory_space<hbm>> -> memref<104x128xf32, #tpu.memory_space<hbm>>
    %dma_wait3A_615 = arith.constant 0 : i32
    %dma_wait3A_616 = arith.constant 0 : i32
    %dma_wait3A_617 = tpu.memref_slice %arg10[%dma_wait3A_615, %dma_wait3A_616] : memref<208x128xf32, #tpu.memory_space<vmem>> -> memref<104x128xf32, #tpu.memory_space<vmem>>
    %dma_wait3A_618 = arith.constant 0 : i32
    %dma_wait3A_619 = arith.constant 0 : i32
    %dma_wait3A_620 = tpu.memref_slice %arg2[%dma_wait3A_618, %dma_wait3A_619] : memref<100000x128xf32, #tpu.memory_space<hbm>> -> memref<104x128xf32, #tpu.memory_space<hbm>>
    tpu.wait_dma2 semaphore(%arg19 : memref<!tpu.dma_semaphore, #tpu.memory_space<semaphore_mem>>) src(%dma_wait3A_620 : memref<104x128xf32, #tpu.memory_space<hbm>>) dst(%dma_wait3A_617 : memref<104x128xf32, #tpu.memory_space<vmem>>)
    %dma_wait3A_621 = arith.constant 0 : i32
    %dma_wait3A_622 = arith.constant 0 : i32
    %dma_wait3A_623 = tpu.memref_slice %arg10[%dma_wait3A_621, %dma_wait3A_622] : memref<208x128xf32, #tpu.memory_space<vmem>> -> memref<104x128xf32, #tpu.memory_space<vmem>>
    %dma_wait3A_624 = arith.constant 0 : i32
    %dma_wait3A_625 = arith.constant 0 : i32
    %dma_wait3A_626 = tpu.memref_slice %arg2[%dma_wait3A_624, %dma_wait3A_625] : memref<100000x128xf32, #tpu.memory_space<hbm>> -> memref<104x128xf32, #tpu.memory_space<hbm>>
    %dma_wait3A_627 = arith.constant 0 : i32
    %dma_wait3A_628 = arith.constant 0 : i32
    %dma_wait3A_629 = tpu.memref_slice %arg10[%dma_wait3A_627, %dma_wait3A_628] : memref<208x128xf32, #tpu.memory_space<vmem>> -> memref<104x128xf32, #tpu.memory_space<vmem>>
    %dma_wait3A_630 = arith.constant 0 : i32
    %dma_wait3A_631 = arith.constant 0 : i32
    %dma_wait3A_632 = tpu.memref_slice %arg2[%dma_wait3A_630, %dma_wait3A_631] : memref<100000x128xf32, #tpu.memory_space<hbm>> -> memref<104x128xf32, #tpu.memory_space<hbm>>
    tpu.wait_dma2 semaphore(%arg19 : memref<!tpu.dma_semaphore, #tpu.memory_space<semaphore_mem>>) src(%dma_wait3A_632 : memref<104x128xf32, #tpu.memory_space<hbm>>) dst(%dma_wait3A_629 : memref<104x128xf32, #tpu.memory_space<vmem>>)
    %mul3A_633 = arith.constant 3120 : i32
    %mul3A_634 = arith.muli %add3A, %mul3A_633 : i32
    %add3A_635 = arith.constant 2704 : i32
    %add3A_636 = arith.addi %mul3A_634, %add3A_635 : i32
    %dma_start3A_637 = arith.constant 0 : i32
    %dma_start3A_638 = tpu.memref_slice %arg2[%add3A_636, %dma_start3A_637] : memref<100000x128xf32, #tpu.memory_space<hbm>> -> memref<208x128xf32, #tpu.memory_space<hbm>>
    %dma_start3A_639 = arith.constant 0 : i32
    %dma_start3A_640 = tpu.memref_slice %arg2[%add3A_636, %dma_start3A_639] : memref<100000x128xf32, #tpu.memory_space<hbm>> -> memref<208x128xf32, #tpu.memory_space<hbm>>
    tpu.enqueue_dma source(%dma_start3A_640 : memref<208x128xf32, #tpu.memory_space<hbm>>) target(%arg10 : memref<208x128xf32, #tpu.memory_space<vmem>>) target_semaphore(%arg15 : memref<!tpu.dma_semaphore, #tpu.memory_space<semaphore_mem>>)
    %dma_wait3A_641 = arith.constant 0 : i32
    %dma_wait3A_642 = arith.constant 0 : i32
    %dma_wait3A_643 = tpu.memref_slice %arg2[%dma_wait3A_641, %dma_wait3A_642] : memref<100000x128xf32, #tpu.memory_space<hbm>> -> memref<208x128xf32, #tpu.memory_space<hbm>>
    %dma_wait3A_644 = arith.constant 0 : i32
    %dma_wait3A_645 = arith.constant 0 : i32
    %dma_wait3A_646 = tpu.memref_slice %arg2[%dma_wait3A_644, %dma_wait3A_645] : memref<100000x128xf32, #tpu.memory_space<hbm>> -> memref<208x128xf32, #tpu.memory_space<hbm>>
    tpu.wait_dma2 semaphore(%arg17 : memref<!tpu.dma_semaphore, #tpu.memory_space<semaphore_mem>>) src(%dma_wait3A_646 : memref<208x128xf32, #tpu.memory_space<hbm>>) dst(%arg12 : memref<208x128xf32, #tpu.memory_space<vmem>>)
    %dma_start3A_647 = arith.constant 22 : i32
    %dma_start3A_648 = arith.constant 0 : i32
    %dma_start3A_649 = arith.constant 0 : i32
    %dma_start3A_650 = tpu.memref_slice %arg12[%dma_start3A_648, %dma_start3A_649] : memref<208x128xf32, #tpu.memory_space<vmem>> -> memref<104x128xf32, #tpu.memory_space<vmem>>
    %dma_start3A_651 = arith.constant 0 : i32
    %dma_start3A_652 = tpu.memref_slice %arg7[%dma_start3A_647, %dma_start3A_651] : memref<30x104xi32, #tpu.memory_space<vmem>> -> memref<1x104xi32, #tpu.memory_space<vmem>>
    %dma_start3A_653 = tpu.memref_squeeze %dma_start3A_652 : memref<1x104xi32, #tpu.memory_space<vmem>> -> memref<104xi32, #tpu.memory_space<vmem>>
    %dma_start3A_654 = arith.constant 0 : i32
    %dma_start3A_655 = arith.constant 0 : i32
    %dma_start3A_656 = tpu.memref_slice %arg13[%dma_start3A_654, %dma_start3A_655] : memref<512x128xf32, #tpu.memory_space<vmem_shared>> -> memref<512x128xf32, #tpu.memory_space<vmem_shared>>
    tpu.enqueue_indirect_dma source(%dma_start3A_650 : memref<104x128xf32, #tpu.memory_space<vmem>>) target(%dma_start3A_656 : memref<512x128xf32, #tpu.memory_space<vmem_shared>>) offsets(%dma_start3A_653 : memref<104xi32, #tpu.memory_space<vmem>>) semaphore(%arg21 : memref<!tpu.dma_semaphore, #tpu.memory_space<semaphore_mem>>) {add = true}
    %dma_start3A_657 = arith.constant 23 : i32
    %dma_start3A_658 = arith.constant 104 : i32
    %dma_start3A_659 = arith.constant 0 : i32
    %dma_start3A_660 = tpu.memref_slice %arg12[%dma_start3A_658, %dma_start3A_659] : memref<208x128xf32, #tpu.memory_space<vmem>> -> memref<104x128xf32, #tpu.memory_space<vmem>>
    %dma_start3A_661 = arith.constant 0 : i32
    %dma_start3A_662 = tpu.memref_slice %arg7[%dma_start3A_657, %dma_start3A_661] : memref<30x104xi32, #tpu.memory_space<vmem>> -> memref<1x104xi32, #tpu.memory_space<vmem>>
    %dma_start3A_663 = tpu.memref_squeeze %dma_start3A_662 : memref<1x104xi32, #tpu.memory_space<vmem>> -> memref<104xi32, #tpu.memory_space<vmem>>
    %dma_start3A_664 = arith.constant 0 : i32
    %dma_start3A_665 = arith.constant 0 : i32
    %dma_start3A_666 = tpu.memref_slice %arg13[%dma_start3A_664, %dma_start3A_665] : memref<512x128xf32, #tpu.memory_space<vmem_shared>> -> memref<512x128xf32, #tpu.memory_space<vmem_shared>>
    tpu.enqueue_indirect_dma source(%dma_start3A_660 : memref<104x128xf32, #tpu.memory_space<vmem>>) target(%dma_start3A_666 : memref<512x128xf32, #tpu.memory_space<vmem_shared>>) offsets(%dma_start3A_663 : memref<104xi32, #tpu.memory_space<vmem>>) semaphore(%arg21 : memref<!tpu.dma_semaphore, #tpu.memory_space<semaphore_mem>>) {add = true}
    %dma_wait3A_667 = arith.constant 0 : i32
    %dma_wait3A_668 = arith.constant 0 : i32
    %dma_wait3A_669 = tpu.memref_slice %arg11[%dma_wait3A_667, %dma_wait3A_668] : memref<208x128xf32, #tpu.memory_space<vmem>> -> memref<104x128xf32, #tpu.memory_space<vmem>>
    %dma_wait3A_670 = arith.constant 0 : i32
    %dma_wait3A_671 = arith.constant 0 : i32
    %dma_wait3A_672 = tpu.memref_slice %arg2[%dma_wait3A_670, %dma_wait3A_671] : memref<100000x128xf32, #tpu.memory_space<hbm>> -> memref<104x128xf32, #tpu.memory_space<hbm>>
    %dma_wait3A_673 = arith.constant 0 : i32
    %dma_wait3A_674 = arith.constant 0 : i32
    %dma_wait3A_675 = tpu.memref_slice %arg11[%dma_wait3A_673, %dma_wait3A_674] : memref<208x128xf32, #tpu.memory_space<vmem>> -> memref<104x128xf32, #tpu.memory_space<vmem>>
    %dma_wait3A_676 = arith.constant 0 : i32
    %dma_wait3A_677 = arith.constant 0 : i32
    %dma_wait3A_678 = tpu.memref_slice %arg2[%dma_wait3A_676, %dma_wait3A_677] : memref<100000x128xf32, #tpu.memory_space<hbm>> -> memref<104x128xf32, #tpu.memory_space<hbm>>
    tpu.wait_dma2 semaphore(%arg20 : memref<!tpu.dma_semaphore, #tpu.memory_space<semaphore_mem>>) src(%dma_wait3A_678 : memref<104x128xf32, #tpu.memory_space<hbm>>) dst(%dma_wait3A_675 : memref<104x128xf32, #tpu.memory_space<vmem>>)
    %dma_wait3A_679 = arith.constant 0 : i32
    %dma_wait3A_680 = arith.constant 0 : i32
    %dma_wait3A_681 = tpu.memref_slice %arg11[%dma_wait3A_679, %dma_wait3A_680] : memref<208x128xf32, #tpu.memory_space<vmem>> -> memref<104x128xf32, #tpu.memory_space<vmem>>
    %dma_wait3A_682 = arith.constant 0 : i32
    %dma_wait3A_683 = arith.constant 0 : i32
    %dma_wait3A_684 = tpu.memref_slice %arg2[%dma_wait3A_682, %dma_wait3A_683] : memref<100000x128xf32, #tpu.memory_space<hbm>> -> memref<104x128xf32, #tpu.memory_space<hbm>>
    %dma_wait3A_685 = arith.constant 0 : i32
    %dma_wait3A_686 = arith.constant 0 : i32
    %dma_wait3A_687 = tpu.memref_slice %arg11[%dma_wait3A_685, %dma_wait3A_686] : memref<208x128xf32, #tpu.memory_space<vmem>> -> memref<104x128xf32, #tpu.memory_space<vmem>>
    %dma_wait3A_688 = arith.constant 0 : i32
    %dma_wait3A_689 = arith.constant 0 : i32
    %dma_wait3A_690 = tpu.memref_slice %arg2[%dma_wait3A_688, %dma_wait3A_689] : memref<100000x128xf32, #tpu.memory_space<hbm>> -> memref<104x128xf32, #tpu.memory_space<hbm>>
    tpu.wait_dma2 semaphore(%arg20 : memref<!tpu.dma_semaphore, #tpu.memory_space<semaphore_mem>>) src(%dma_wait3A_690 : memref<104x128xf32, #tpu.memory_space<hbm>>) dst(%dma_wait3A_687 : memref<104x128xf32, #tpu.memory_space<vmem>>)
    %mul3A_691 = arith.constant 3120 : i32
    %mul3A_692 = arith.muli %add3A, %mul3A_691 : i32
    %add3A_693 = arith.constant 2912 : i32
    %add3A_694 = arith.addi %mul3A_692, %add3A_693 : i32
    %dma_start3A_695 = arith.constant 0 : i32
    %dma_start3A_696 = tpu.memref_slice %arg2[%add3A_694, %dma_start3A_695] : memref<100000x128xf32, #tpu.memory_space<hbm>> -> memref<208x128xf32, #tpu.memory_space<hbm>>
    %dma_start3A_697 = arith.constant 0 : i32
    %dma_start3A_698 = tpu.memref_slice %arg2[%add3A_694, %dma_start3A_697] : memref<100000x128xf32, #tpu.memory_space<hbm>> -> memref<208x128xf32, #tpu.memory_space<hbm>>
    tpu.enqueue_dma source(%dma_start3A_698 : memref<208x128xf32, #tpu.memory_space<hbm>>) target(%arg11 : memref<208x128xf32, #tpu.memory_space<vmem>>) target_semaphore(%arg16 : memref<!tpu.dma_semaphore, #tpu.memory_space<semaphore_mem>>)
    %dma_wait3A_699 = arith.constant 0 : i32
    %dma_wait3A_700 = arith.constant 0 : i32
    %dma_wait3A_701 = tpu.memref_slice %arg2[%dma_wait3A_699, %dma_wait3A_700] : memref<100000x128xf32, #tpu.memory_space<hbm>> -> memref<208x128xf32, #tpu.memory_space<hbm>>
    %dma_wait3A_702 = arith.constant 0 : i32
    %dma_wait3A_703 = arith.constant 0 : i32
    %dma_wait3A_704 = tpu.memref_slice %arg2[%dma_wait3A_702, %dma_wait3A_703] : memref<100000x128xf32, #tpu.memory_space<hbm>> -> memref<208x128xf32, #tpu.memory_space<hbm>>
    tpu.wait_dma2 semaphore(%arg14 : memref<!tpu.dma_semaphore, #tpu.memory_space<semaphore_mem>>) src(%dma_wait3A_704 : memref<208x128xf32, #tpu.memory_space<hbm>>) dst(%arg9 : memref<208x128xf32, #tpu.memory_space<vmem>>)
    %dma_start3A_705 = arith.constant 24 : i32
    %dma_start3A_706 = arith.constant 0 : i32
    %dma_start3A_707 = arith.constant 0 : i32
    %dma_start3A_708 = tpu.memref_slice %arg9[%dma_start3A_706, %dma_start3A_707] : memref<208x128xf32, #tpu.memory_space<vmem>> -> memref<104x128xf32, #tpu.memory_space<vmem>>
    %dma_start3A_709 = arith.constant 0 : i32
    %dma_start3A_710 = tpu.memref_slice %arg7[%dma_start3A_705, %dma_start3A_709] : memref<30x104xi32, #tpu.memory_space<vmem>> -> memref<1x104xi32, #tpu.memory_space<vmem>>
    %dma_start3A_711 = tpu.memref_squeeze %dma_start3A_710 : memref<1x104xi32, #tpu.memory_space<vmem>> -> memref<104xi32, #tpu.memory_space<vmem>>
    %dma_start3A_712 = arith.constant 0 : i32
    %dma_start3A_713 = arith.constant 0 : i32
    %dma_start3A_714 = tpu.memref_slice %arg13[%dma_start3A_712, %dma_start3A_713] : memref<512x128xf32, #tpu.memory_space<vmem_shared>> -> memref<512x128xf32, #tpu.memory_space<vmem_shared>>
    tpu.enqueue_indirect_dma source(%dma_start3A_708 : memref<104x128xf32, #tpu.memory_space<vmem>>) target(%dma_start3A_714 : memref<512x128xf32, #tpu.memory_space<vmem_shared>>) offsets(%dma_start3A_711 : memref<104xi32, #tpu.memory_space<vmem>>) semaphore(%arg18 : memref<!tpu.dma_semaphore, #tpu.memory_space<semaphore_mem>>) {add = true}
    %dma_start3A_715 = arith.constant 25 : i32
    %dma_start3A_716 = arith.constant 104 : i32
    %dma_start3A_717 = arith.constant 0 : i32
    %dma_start3A_718 = tpu.memref_slice %arg9[%dma_start3A_716, %dma_start3A_717] : memref<208x128xf32, #tpu.memory_space<vmem>> -> memref<104x128xf32, #tpu.memory_space<vmem>>
    %dma_start3A_719 = arith.constant 0 : i32
    %dma_start3A_720 = tpu.memref_slice %arg7[%dma_start3A_715, %dma_start3A_719] : memref<30x104xi32, #tpu.memory_space<vmem>> -> memref<1x104xi32, #tpu.memory_space<vmem>>
    %dma_start3A_721 = tpu.memref_squeeze %dma_start3A_720 : memref<1x104xi32, #tpu.memory_space<vmem>> -> memref<104xi32, #tpu.memory_space<vmem>>
    %dma_start3A_722 = arith.constant 0 : i32
    %dma_start3A_723 = arith.constant 0 : i32
    %dma_start3A_724 = tpu.memref_slice %arg13[%dma_start3A_722, %dma_start3A_723] : memref<512x128xf32, #tpu.memory_space<vmem_shared>> -> memref<512x128xf32, #tpu.memory_space<vmem_shared>>
    tpu.enqueue_indirect_dma source(%dma_start3A_718 : memref<104x128xf32, #tpu.memory_space<vmem>>) target(%dma_start3A_724 : memref<512x128xf32, #tpu.memory_space<vmem_shared>>) offsets(%dma_start3A_721 : memref<104xi32, #tpu.memory_space<vmem>>) semaphore(%arg18 : memref<!tpu.dma_semaphore, #tpu.memory_space<semaphore_mem>>) {add = true}
    %dma_wait3A_725 = arith.constant 0 : i32
    %dma_wait3A_726 = arith.constant 0 : i32
    %dma_wait3A_727 = tpu.memref_slice %arg2[%dma_wait3A_725, %dma_wait3A_726] : memref<100000x128xf32, #tpu.memory_space<hbm>> -> memref<208x128xf32, #tpu.memory_space<hbm>>
    %dma_wait3A_728 = arith.constant 0 : i32
    %dma_wait3A_729 = arith.constant 0 : i32
    %dma_wait3A_730 = tpu.memref_slice %arg2[%dma_wait3A_728, %dma_wait3A_729] : memref<100000x128xf32, #tpu.memory_space<hbm>> -> memref<208x128xf32, #tpu.memory_space<hbm>>
    tpu.wait_dma2 semaphore(%arg15 : memref<!tpu.dma_semaphore, #tpu.memory_space<semaphore_mem>>) src(%dma_wait3A_730 : memref<208x128xf32, #tpu.memory_space<hbm>>) dst(%arg10 : memref<208x128xf32, #tpu.memory_space<vmem>>)
    %dma_start3A_731 = arith.constant 26 : i32
    %dma_start3A_732 = arith.constant 0 : i32
    %dma_start3A_733 = arith.constant 0 : i32
    %dma_start3A_734 = tpu.memref_slice %arg10[%dma_start3A_732, %dma_start3A_733] : memref<208x128xf32, #tpu.memory_space<vmem>> -> memref<104x128xf32, #tpu.memory_space<vmem>>
    %dma_start3A_735 = arith.constant 0 : i32
    %dma_start3A_736 = tpu.memref_slice %arg7[%dma_start3A_731, %dma_start3A_735] : memref<30x104xi32, #tpu.memory_space<vmem>> -> memref<1x104xi32, #tpu.memory_space<vmem>>
    %dma_start3A_737 = tpu.memref_squeeze %dma_start3A_736 : memref<1x104xi32, #tpu.memory_space<vmem>> -> memref<104xi32, #tpu.memory_space<vmem>>
    %dma_start3A_738 = arith.constant 0 : i32
    %dma_start3A_739 = arith.constant 0 : i32
    %dma_start3A_740 = tpu.memref_slice %arg13[%dma_start3A_738, %dma_start3A_739] : memref<512x128xf32, #tpu.memory_space<vmem_shared>> -> memref<512x128xf32, #tpu.memory_space<vmem_shared>>
    tpu.enqueue_indirect_dma source(%dma_start3A_734 : memref<104x128xf32, #tpu.memory_space<vmem>>) target(%dma_start3A_740 : memref<512x128xf32, #tpu.memory_space<vmem_shared>>) offsets(%dma_start3A_737 : memref<104xi32, #tpu.memory_space<vmem>>) semaphore(%arg19 : memref<!tpu.dma_semaphore, #tpu.memory_space<semaphore_mem>>) {add = true}
    %dma_start3A_741 = arith.constant 27 : i32
    %dma_start3A_742 = arith.constant 104 : i32
    %dma_start3A_743 = arith.constant 0 : i32
    %dma_start3A_744 = tpu.memref_slice %arg10[%dma_start3A_742, %dma_start3A_743] : memref<208x128xf32, #tpu.memory_space<vmem>> -> memref<104x128xf32, #tpu.memory_space<vmem>>
    %dma_start3A_745 = arith.constant 0 : i32
    %dma_start3A_746 = tpu.memref_slice %arg7[%dma_start3A_741, %dma_start3A_745] : memref<30x104xi32, #tpu.memory_space<vmem>> -> memref<1x104xi32, #tpu.memory_space<vmem>>
    %dma_start3A_747 = tpu.memref_squeeze %dma_start3A_746 : memref<1x104xi32, #tpu.memory_space<vmem>> -> memref<104xi32, #tpu.memory_space<vmem>>
    %dma_start3A_748 = arith.constant 0 : i32
    %dma_start3A_749 = arith.constant 0 : i32
    %dma_start3A_750 = tpu.memref_slice %arg13[%dma_start3A_748, %dma_start3A_749] : memref<512x128xf32, #tpu.memory_space<vmem_shared>> -> memref<512x128xf32, #tpu.memory_space<vmem_shared>>
    tpu.enqueue_indirect_dma source(%dma_start3A_744 : memref<104x128xf32, #tpu.memory_space<vmem>>) target(%dma_start3A_750 : memref<512x128xf32, #tpu.memory_space<vmem_shared>>) offsets(%dma_start3A_747 : memref<104xi32, #tpu.memory_space<vmem>>) semaphore(%arg19 : memref<!tpu.dma_semaphore, #tpu.memory_space<semaphore_mem>>) {add = true}
    %dma_wait3A_751 = arith.constant 0 : i32
    %dma_wait3A_752 = arith.constant 0 : i32
    %dma_wait3A_753 = tpu.memref_slice %arg2[%dma_wait3A_751, %dma_wait3A_752] : memref<100000x128xf32, #tpu.memory_space<hbm>> -> memref<208x128xf32, #tpu.memory_space<hbm>>
    %dma_wait3A_754 = arith.constant 0 : i32
    %dma_wait3A_755 = arith.constant 0 : i32
    %dma_wait3A_756 = tpu.memref_slice %arg2[%dma_wait3A_754, %dma_wait3A_755] : memref<100000x128xf32, #tpu.memory_space<hbm>> -> memref<208x128xf32, #tpu.memory_space<hbm>>
    tpu.wait_dma2 semaphore(%arg16 : memref<!tpu.dma_semaphore, #tpu.memory_space<semaphore_mem>>) src(%dma_wait3A_756 : memref<208x128xf32, #tpu.memory_space<hbm>>) dst(%arg11 : memref<208x128xf32, #tpu.memory_space<vmem>>)
    %dma_start3A_757 = arith.constant 28 : i32
    %dma_start3A_758 = arith.constant 0 : i32
    %dma_start3A_759 = arith.constant 0 : i32
    %dma_start3A_760 = tpu.memref_slice %arg11[%dma_start3A_758, %dma_start3A_759] : memref<208x128xf32, #tpu.memory_space<vmem>> -> memref<104x128xf32, #tpu.memory_space<vmem>>
    %dma_start3A_761 = arith.constant 0 : i32
    %dma_start3A_762 = tpu.memref_slice %arg7[%dma_start3A_757, %dma_start3A_761] : memref<30x104xi32, #tpu.memory_space<vmem>> -> memref<1x104xi32, #tpu.memory_space<vmem>>
    %dma_start3A_763 = tpu.memref_squeeze %dma_start3A_762 : memref<1x104xi32, #tpu.memory_space<vmem>> -> memref<104xi32, #tpu.memory_space<vmem>>
    %dma_start3A_764 = arith.constant 0 : i32
    %dma_start3A_765 = arith.constant 0 : i32
    %dma_start3A_766 = tpu.memref_slice %arg13[%dma_start3A_764, %dma_start3A_765] : memref<512x128xf32, #tpu.memory_space<vmem_shared>> -> memref<512x128xf32, #tpu.memory_space<vmem_shared>>
    tpu.enqueue_indirect_dma source(%dma_start3A_760 : memref<104x128xf32, #tpu.memory_space<vmem>>) target(%dma_start3A_766 : memref<512x128xf32, #tpu.memory_space<vmem_shared>>) offsets(%dma_start3A_763 : memref<104xi32, #tpu.memory_space<vmem>>) semaphore(%arg20 : memref<!tpu.dma_semaphore, #tpu.memory_space<semaphore_mem>>) {add = true}
    %dma_start3A_767 = arith.constant 29 : i32
    %dma_start3A_768 = arith.constant 104 : i32
    %dma_start3A_769 = arith.constant 0 : i32
    %dma_start3A_770 = tpu.memref_slice %arg11[%dma_start3A_768, %dma_start3A_769] : memref<208x128xf32, #tpu.memory_space<vmem>> -> memref<104x128xf32, #tpu.memory_space<vmem>>
    %dma_start3A_771 = arith.constant 0 : i32
    %dma_start3A_772 = tpu.memref_slice %arg7[%dma_start3A_767, %dma_start3A_771] : memref<30x104xi32, #tpu.memory_space<vmem>> -> memref<1x104xi32, #tpu.memory_space<vmem>>
    %dma_start3A_773 = tpu.memref_squeeze %dma_start3A_772 : memref<1x104xi32, #tpu.memory_space<vmem>> -> memref<104xi32, #tpu.memory_space<vmem>>
    %dma_start3A_774 = arith.constant 0 : i32
    %dma_start3A_775 = arith.constant 0 : i32
    %dma_start3A_776 = tpu.memref_slice %arg13[%dma_start3A_774, %dma_start3A_775] : memref<512x128xf32, #tpu.memory_space<vmem_shared>> -> memref<512x128xf32, #tpu.memory_space<vmem_shared>>
    tpu.enqueue_indirect_dma source(%dma_start3A_770 : memref<104x128xf32, #tpu.memory_space<vmem>>) target(%dma_start3A_776 : memref<512x128xf32, #tpu.memory_space<vmem_shared>>) offsets(%dma_start3A_773 : memref<104xi32, #tpu.memory_space<vmem>>) semaphore(%arg20 : memref<!tpu.dma_semaphore, #tpu.memory_space<semaphore_mem>>) {add = true}
    %dma_wait3A_777 = arith.constant 0 : i32
    %dma_wait3A_778 = arith.constant 0 : i32
    %dma_wait3A_779 = tpu.memref_slice %arg12[%dma_wait3A_777, %dma_wait3A_778] : memref<208x128xf32, #tpu.memory_space<vmem>> -> memref<104x128xf32, #tpu.memory_space<vmem>>
    %dma_wait3A_780 = arith.constant 0 : i32
    %dma_wait3A_781 = arith.constant 0 : i32
    %dma_wait3A_782 = tpu.memref_slice %arg2[%dma_wait3A_780, %dma_wait3A_781] : memref<100000x128xf32, #tpu.memory_space<hbm>> -> memref<104x128xf32, #tpu.memory_space<hbm>>
    %dma_wait3A_783 = arith.constant 0 : i32
    %dma_wait3A_784 = arith.constant 0 : i32
    %dma_wait3A_785 = tpu.memref_slice %arg12[%dma_wait3A_783, %dma_wait3A_784] : memref<208x128xf32, #tpu.memory_space<vmem>> -> memref<104x128xf32, #tpu.memory_space<vmem>>
    %dma_wait3A_786 = arith.constant 0 : i32
    %dma_wait3A_787 = arith.constant 0 : i32
    %dma_wait3A_788 = tpu.memref_slice %arg2[%dma_wait3A_786, %dma_wait3A_787] : memref<100000x128xf32, #tpu.memory_space<hbm>> -> memref<104x128xf32, #tpu.memory_space<hbm>>
    tpu.wait_dma2 semaphore(%arg21 : memref<!tpu.dma_semaphore, #tpu.memory_space<semaphore_mem>>) src(%dma_wait3A_788 : memref<104x128xf32, #tpu.memory_space<hbm>>) dst(%dma_wait3A_785 : memref<104x128xf32, #tpu.memory_space<vmem>>)
    %dma_wait3A_789 = arith.constant 0 : i32
    %dma_wait3A_790 = arith.constant 0 : i32
    %dma_wait3A_791 = tpu.memref_slice %arg12[%dma_wait3A_789, %dma_wait3A_790] : memref<208x128xf32, #tpu.memory_space<vmem>> -> memref<104x128xf32, #tpu.memory_space<vmem>>
    %dma_wait3A_792 = arith.constant 0 : i32
    %dma_wait3A_793 = arith.constant 0 : i32
    %dma_wait3A_794 = tpu.memref_slice %arg2[%dma_wait3A_792, %dma_wait3A_793] : memref<100000x128xf32, #tpu.memory_space<hbm>> -> memref<104x128xf32, #tpu.memory_space<hbm>>
    %dma_wait3A_795 = arith.constant 0 : i32
    %dma_wait3A_796 = arith.constant 0 : i32
    %dma_wait3A_797 = tpu.memref_slice %arg12[%dma_wait3A_795, %dma_wait3A_796] : memref<208x128xf32, #tpu.memory_space<vmem>> -> memref<104x128xf32, #tpu.memory_space<vmem>>
    %dma_wait3A_798 = arith.constant 0 : i32
    %dma_wait3A_799 = arith.constant 0 : i32
    %dma_wait3A_800 = tpu.memref_slice %arg2[%dma_wait3A_798, %dma_wait3A_799] : memref<100000x128xf32, #tpu.memory_space<hbm>> -> memref<104x128xf32, #tpu.memory_space<hbm>>
    tpu.wait_dma2 semaphore(%arg21 : memref<!tpu.dma_semaphore, #tpu.memory_space<semaphore_mem>>) src(%dma_wait3A_800 : memref<104x128xf32, #tpu.memory_space<hbm>>) dst(%dma_wait3A_797 : memref<104x128xf32, #tpu.memory_space<vmem>>)
    %dma_wait3A_801 = arith.constant 0 : i32
    %dma_wait3A_802 = arith.constant 0 : i32
    %dma_wait3A_803 = tpu.memref_slice %arg9[%dma_wait3A_801, %dma_wait3A_802] : memref<208x128xf32, #tpu.memory_space<vmem>> -> memref<104x128xf32, #tpu.memory_space<vmem>>
    %dma_wait3A_804 = arith.constant 0 : i32
    %dma_wait3A_805 = arith.constant 0 : i32
    %dma_wait3A_806 = tpu.memref_slice %arg2[%dma_wait3A_804, %dma_wait3A_805] : memref<100000x128xf32, #tpu.memory_space<hbm>> -> memref<104x128xf32, #tpu.memory_space<hbm>>
    %dma_wait3A_807 = arith.constant 0 : i32
    %dma_wait3A_808 = arith.constant 0 : i32
    %dma_wait3A_809 = tpu.memref_slice %arg9[%dma_wait3A_807, %dma_wait3A_808] : memref<208x128xf32, #tpu.memory_space<vmem>> -> memref<104x128xf32, #tpu.memory_space<vmem>>
    %dma_wait3A_810 = arith.constant 0 : i32
    %dma_wait3A_811 = arith.constant 0 : i32
    %dma_wait3A_812 = tpu.memref_slice %arg2[%dma_wait3A_810, %dma_wait3A_811] : memref<100000x128xf32, #tpu.memory_space<hbm>> -> memref<104x128xf32, #tpu.memory_space<hbm>>
    tpu.wait_dma2 semaphore(%arg18 : memref<!tpu.dma_semaphore, #tpu.memory_space<semaphore_mem>>) src(%dma_wait3A_812 : memref<104x128xf32, #tpu.memory_space<hbm>>) dst(%dma_wait3A_809 : memref<104x128xf32, #tpu.memory_space<vmem>>)
    %dma_wait3A_813 = arith.constant 0 : i32
    %dma_wait3A_814 = arith.constant 0 : i32
    %dma_wait3A_815 = tpu.memref_slice %arg9[%dma_wait3A_813, %dma_wait3A_814] : memref<208x128xf32, #tpu.memory_space<vmem>> -> memref<104x128xf32, #tpu.memory_space<vmem>>
    %dma_wait3A_816 = arith.constant 0 : i32
    %dma_wait3A_817 = arith.constant 0 : i32
    %dma_wait3A_818 = tpu.memref_slice %arg2[%dma_wait3A_816, %dma_wait3A_817] : memref<100000x128xf32, #tpu.memory_space<hbm>> -> memref<104x128xf32, #tpu.memory_space<hbm>>
    %dma_wait3A_819 = arith.constant 0 : i32
    %dma_wait3A_820 = arith.constant 0 : i32
    %dma_wait3A_821 = tpu.memref_slice %arg9[%dma_wait3A_819, %dma_wait3A_820] : memref<208x128xf32, #tpu.memory_space<vmem>> -> memref<104x128xf32, #tpu.memory_space<vmem>>
    %dma_wait3A_822 = arith.constant 0 : i32
    %dma_wait3A_823 = arith.constant 0 : i32
    %dma_wait3A_824 = tpu.memref_slice %arg2[%dma_wait3A_822, %dma_wait3A_823] : memref<100000x128xf32, #tpu.memory_space<hbm>> -> memref<104x128xf32, #tpu.memory_space<hbm>>
    tpu.wait_dma2 semaphore(%arg18 : memref<!tpu.dma_semaphore, #tpu.memory_space<semaphore_mem>>) src(%dma_wait3A_824 : memref<104x128xf32, #tpu.memory_space<hbm>>) dst(%dma_wait3A_821 : memref<104x128xf32, #tpu.memory_space<vmem>>)
    %dma_wait3A_825 = arith.constant 0 : i32
    %dma_wait3A_826 = arith.constant 0 : i32
    %dma_wait3A_827 = tpu.memref_slice %arg10[%dma_wait3A_825, %dma_wait3A_826] : memref<208x128xf32, #tpu.memory_space<vmem>> -> memref<104x128xf32, #tpu.memory_space<vmem>>
    %dma_wait3A_828 = arith.constant 0 : i32
    %dma_wait3A_829 = arith.constant 0 : i32
    %dma_wait3A_830 = tpu.memref_slice %arg2[%dma_wait3A_828, %dma_wait3A_829] : memref<100000x128xf32, #tpu.memory_space<hbm>> -> memref<104x128xf32, #tpu.memory_space<hbm>>
    %dma_wait3A_831 = arith.constant 0 : i32
    %dma_wait3A_832 = arith.constant 0 : i32
    %dma_wait3A_833 = tpu.memref_slice %arg10[%dma_wait3A_831, %dma_wait3A_832] : memref<208x128xf32, #tpu.memory_space<vmem>> -> memref<104x128xf32, #tpu.memory_space<vmem>>
    %dma_wait3A_834 = arith.constant 0 : i32
    %dma_wait3A_835 = arith.constant 0 : i32
    %dma_wait3A_836 = tpu.memref_slice %arg2[%dma_wait3A_834, %dma_wait3A_835] : memref<100000x128xf32, #tpu.memory_space<hbm>> -> memref<104x128xf32, #tpu.memory_space<hbm>>
    tpu.wait_dma2 semaphore(%arg19 : memref<!tpu.dma_semaphore, #tpu.memory_space<semaphore_mem>>) src(%dma_wait3A_836 : memref<104x128xf32, #tpu.memory_space<hbm>>) dst(%dma_wait3A_833 : memref<104x128xf32, #tpu.memory_space<vmem>>)
    %dma_wait3A_837 = arith.constant 0 : i32
    %dma_wait3A_838 = arith.constant 0 : i32
    %dma_wait3A_839 = tpu.memref_slice %arg10[%dma_wait3A_837, %dma_wait3A_838] : memref<208x128xf32, #tpu.memory_space<vmem>> -> memref<104x128xf32, #tpu.memory_space<vmem>>
    %dma_wait3A_840 = arith.constant 0 : i32
    %dma_wait3A_841 = arith.constant 0 : i32
    %dma_wait3A_842 = tpu.memref_slice %arg2[%dma_wait3A_840, %dma_wait3A_841] : memref<100000x128xf32, #tpu.memory_space<hbm>> -> memref<104x128xf32, #tpu.memory_space<hbm>>
    %dma_wait3A_843 = arith.constant 0 : i32
    %dma_wait3A_844 = arith.constant 0 : i32
    %dma_wait3A_845 = tpu.memref_slice %arg10[%dma_wait3A_843, %dma_wait3A_844] : memref<208x128xf32, #tpu.memory_space<vmem>> -> memref<104x128xf32, #tpu.memory_space<vmem>>
    %dma_wait3A_846 = arith.constant 0 : i32
    %dma_wait3A_847 = arith.constant 0 : i32
    %dma_wait3A_848 = tpu.memref_slice %arg2[%dma_wait3A_846, %dma_wait3A_847] : memref<100000x128xf32, #tpu.memory_space<hbm>> -> memref<104x128xf32, #tpu.memory_space<hbm>>
    tpu.wait_dma2 semaphore(%arg19 : memref<!tpu.dma_semaphore, #tpu.memory_space<semaphore_mem>>) src(%dma_wait3A_848 : memref<104x128xf32, #tpu.memory_space<hbm>>) dst(%dma_wait3A_845 : memref<104x128xf32, #tpu.memory_space<vmem>>)
    %dma_wait3A_849 = arith.constant 0 : i32
    %dma_wait3A_850 = arith.constant 0 : i32
    %dma_wait3A_851 = tpu.memref_slice %arg11[%dma_wait3A_849, %dma_wait3A_850] : memref<208x128xf32, #tpu.memory_space<vmem>> -> memref<104x128xf32, #tpu.memory_space<vmem>>
    %dma_wait3A_852 = arith.constant 0 : i32
    %dma_wait3A_853 = arith.constant 0 : i32
    %dma_wait3A_854 = tpu.memref_slice %arg2[%dma_wait3A_852, %dma_wait3A_853] : memref<100000x128xf32, #tpu.memory_space<hbm>> -> memref<104x128xf32, #tpu.memory_space<hbm>>
    %dma_wait3A_855 = arith.constant 0 : i32
    %dma_wait3A_856 = arith.constant 0 : i32
    %dma_wait3A_857 = tpu.memref_slice %arg11[%dma_wait3A_855, %dma_wait3A_856] : memref<208x128xf32, #tpu.memory_space<vmem>> -> memref<104x128xf32, #tpu.memory_space<vmem>>
    %dma_wait3A_858 = arith.constant 0 : i32
    %dma_wait3A_859 = arith.constant 0 : i32
    %dma_wait3A_860 = tpu.memref_slice %arg2[%dma_wait3A_858, %dma_wait3A_859] : memref<100000x128xf32, #tpu.memory_space<hbm>> -> memref<104x128xf32, #tpu.memory_space<hbm>>
    tpu.wait_dma2 semaphore(%arg20 : memref<!tpu.dma_semaphore, #tpu.memory_space<semaphore_mem>>) src(%dma_wait3A_860 : memref<104x128xf32, #tpu.memory_space<hbm>>) dst(%dma_wait3A_857 : memref<104x128xf32, #tpu.memory_space<vmem>>)
    %dma_wait3A_861 = arith.constant 0 : i32
    %dma_wait3A_862 = arith.constant 0 : i32
    %dma_wait3A_863 = tpu.memref_slice %arg11[%dma_wait3A_861, %dma_wait3A_862] : memref<208x128xf32, #tpu.memory_space<vmem>> -> memref<104x128xf32, #tpu.memory_space<vmem>>
    %dma_wait3A_864 = arith.constant 0 : i32
    %dma_wait3A_865 = arith.constant 0 : i32
    %dma_wait3A_866 = tpu.memref_slice %arg2[%dma_wait3A_864, %dma_wait3A_865] : memref<100000x128xf32, #tpu.memory_space<hbm>> -> memref<104x128xf32, #tpu.memory_space<hbm>>
    %dma_wait3A_867 = arith.constant 0 : i32
    %dma_wait3A_868 = arith.constant 0 : i32
    %dma_wait3A_869 = tpu.memref_slice %arg11[%dma_wait3A_867, %dma_wait3A_868] : memref<208x128xf32, #tpu.memory_space<vmem>> -> memref<104x128xf32, #tpu.memory_space<vmem>>
    %dma_wait3A_870 = arith.constant 0 : i32
    %dma_wait3A_871 = arith.constant 0 : i32
    %dma_wait3A_872 = tpu.memref_slice %arg2[%dma_wait3A_870, %dma_wait3A_871] : memref<100000x128xf32, #tpu.memory_space<hbm>> -> memref<104x128xf32, #tpu.memory_space<hbm>>
    tpu.wait_dma2 semaphore(%arg20 : memref<!tpu.dma_semaphore, #tpu.memory_space<semaphore_mem>>) src(%dma_wait3A_872 : memref<104x128xf32, #tpu.memory_space<hbm>>) dst(%dma_wait3A_869 : memref<104x128xf32, #tpu.memory_space<vmem>>)
    %lt3A_873 = arith.constant 2 : i32
    %lt3A_874 = arith.cmpi slt, %add3A, %lt3A_873 : i32
    %convert_element_type3A_875 = arith.extui %lt3A_874 : i1 to i32
    %cond3A_876 = arith.constant 0 : i32
    %cond3A_877 = arith.cmpi ne, %convert_element_type3A_875, %cond3A_876 : i32
    scf.if %cond3A_877 {
      %mul3A_879 = arith.constant 80 : i32
      %mul3A_880 = arith.muli %add3A, %mul3A_879 : i32
      %add3A_881 = arith.constant 99840 : i32
      %add3A_882 = arith.addi %add3A_881, %mul3A_880 : i32
      "tpu.region"() ({
        %run_scoped3A_883 = tpu.sem_alloc : memref<!tpu.dma_semaphore, #tpu.memory_space<semaphore_mem>>
        %dma_start3A_884 = arith.constant 0 : i32
        %dma_start3A_885 = arith.constant 0 : i32
        %dma_start3A_886 = tpu.memref_slice %arg9[%dma_start3A_884, %dma_start3A_885] : memref<208x128xf32, #tpu.memory_space<vmem>> -> memref<80x128xf32, #tpu.memory_space<vmem>>
        %dma_start3A_887 = arith.constant 0 : i32
        %dma_start3A_888 = tpu.memref_slice %arg2[%add3A_882, %dma_start3A_887] : memref<100000x128xf32, #tpu.memory_space<hbm>> -> memref<80x128xf32, #tpu.memory_space<hbm>>
        %dma_start3A_889 = arith.constant 0 : i32
        %dma_start3A_890 = arith.constant 0 : i32
        %dma_start3A_891 = tpu.memref_slice %arg9[%dma_start3A_889, %dma_start3A_890] : memref<208x128xf32, #tpu.memory_space<vmem>> -> memref<80x128xf32, #tpu.memory_space<vmem>>
        %dma_start3A_892 = arith.constant 0 : i32
        %dma_start3A_893 = tpu.memref_slice %arg2[%add3A_882, %dma_start3A_892] : memref<100000x128xf32, #tpu.memory_space<hbm>> -> memref<80x128xf32, #tpu.memory_space<hbm>>
        tpu.enqueue_dma source(%dma_start3A_893 : memref<80x128xf32, #tpu.memory_space<hbm>>) target(%dma_start3A_891 : memref<80x128xf32, #tpu.memory_space<vmem>>) target_semaphore(%run_scoped3A_883 : memref<!tpu.dma_semaphore, #tpu.memory_space<semaphore_mem>>)
        %dma_wait3A_894 = arith.constant 0 : i32
        %dma_wait3A_895 = arith.constant 0 : i32
        %dma_wait3A_896 = tpu.memref_slice %arg9[%dma_wait3A_894, %dma_wait3A_895] : memref<208x128xf32, #tpu.memory_space<vmem>> -> memref<80x128xf32, #tpu.memory_space<vmem>>
        %dma_wait3A_897 = arith.constant 0 : i32
        %dma_wait3A_898 = tpu.memref_slice %arg2[%add3A_882, %dma_wait3A_897] : memref<100000x128xf32, #tpu.memory_space<hbm>> -> memref<80x128xf32, #tpu.memory_space<hbm>>
        %dma_wait3A_899 = arith.constant 0 : i32
        %dma_wait3A_900 = arith.constant 0 : i32
        %dma_wait3A_901 = tpu.memref_slice %arg9[%dma_wait3A_899, %dma_wait3A_900] : memref<208x128xf32, #tpu.memory_space<vmem>> -> memref<80x128xf32, #tpu.memory_space<vmem>>
        %dma_wait3A_902 = arith.constant 0 : i32
        %dma_wait3A_903 = tpu.memref_slice %arg2[%add3A_882, %dma_wait3A_902] : memref<100000x128xf32, #tpu.memory_space<hbm>> -> memref<80x128xf32, #tpu.memory_space<hbm>>
        tpu.wait_dma2 semaphore(%run_scoped3A_883 : memref<!tpu.dma_semaphore, #tpu.memory_space<semaphore_mem>>) src(%dma_wait3A_903 : memref<80x128xf32, #tpu.memory_space<hbm>>) dst(%dma_wait3A_901 : memref<80x128xf32, #tpu.memory_space<vmem>>)
        tpu.yield
      }) : () -> ()
      %run_scoped3A = arith.constant 0 : i32
      "tpu.region"() ({
        %run_scoped3A_883 = tpu.sem_alloc : memref<!tpu.dma_semaphore, #tpu.memory_space<semaphore_mem>>
        %dma_start3A_884 = arith.constant 0 : i32
        %dma_start3A_885 = arith.constant 0 : i32
        %dma_start3A_886 = tpu.memref_slice %arg9[%dma_start3A_884, %dma_start3A_885] : memref<208x128xf32, #tpu.memory_space<vmem>> -> memref<80x128xf32, #tpu.memory_space<vmem>>
        %dma_start3A_887 = arith.constant 0 : i32
        %dma_start3A_888 = tpu.memref_slice %arg8[%run_scoped3A, %dma_start3A_887] : memref<1x80xi32, #tpu.memory_space<vmem>> -> memref<1x80xi32, #tpu.memory_space<vmem>>
        %dma_start3A_889 = tpu.memref_squeeze %dma_start3A_888 : memref<1x80xi32, #tpu.memory_space<vmem>> -> memref<80xi32, #tpu.memory_space<vmem>>
        %dma_start3A_890 = arith.constant 0 : i32
        %dma_start3A_891 = arith.constant 0 : i32
        %dma_start3A_892 = tpu.memref_slice %arg13[%dma_start3A_890, %dma_start3A_891] : memref<512x128xf32, #tpu.memory_space<vmem_shared>> -> memref<512x128xf32, #tpu.memory_space<vmem_shared>>
        tpu.enqueue_indirect_dma source(%dma_start3A_886 : memref<80x128xf32, #tpu.memory_space<vmem>>) target(%dma_start3A_892 : memref<512x128xf32, #tpu.memory_space<vmem_shared>>) offsets(%dma_start3A_889 : memref<80xi32, #tpu.memory_space<vmem>>) semaphore(%run_scoped3A_883 : memref<!tpu.dma_semaphore, #tpu.memory_space<semaphore_mem>>) {add = true}
        %dma_wait3A_893 = arith.constant 0 : i32
        %dma_wait3A_894 = arith.constant 0 : i32
        %dma_wait3A_895 = tpu.memref_slice %arg9[%dma_wait3A_893, %dma_wait3A_894] : memref<208x128xf32, #tpu.memory_space<vmem>> -> memref<80x128xf32, #tpu.memory_space<vmem>>
        %dma_wait3A_896 = arith.constant 0 : i32
        %dma_wait3A_897 = tpu.memref_slice %arg8[%run_scoped3A, %dma_wait3A_896] : memref<1x80xi32, #tpu.memory_space<vmem>> -> memref<1x80xi32, #tpu.memory_space<vmem>>
        %dma_wait3A_898 = tpu.memref_squeeze %dma_wait3A_897 : memref<1x80xi32, #tpu.memory_space<vmem>> -> memref<80xi32, #tpu.memory_space<vmem>>
        %dma_wait3A_899 = arith.constant 0 : i32
        %dma_wait3A_900 = arith.constant 0 : i32
        %dma_wait3A_901 = tpu.memref_slice %arg13[%dma_wait3A_899, %dma_wait3A_900] : memref<512x128xf32, #tpu.memory_space<vmem_shared>> -> memref<512x128xf32, #tpu.memory_space<vmem_shared>>
        tpu.wait_indirect_dma semaphore(%run_scoped3A_883 : memref<!tpu.dma_semaphore, #tpu.memory_space<semaphore_mem>>) src(%dma_wait3A_895 : memref<80x128xf32, #tpu.memory_space<vmem>>) dst(%dma_wait3A_901 : memref<512x128xf32, #tpu.memory_space<vmem_shared>>)
        tpu.yield
      }) : () -> ()
    } else {
    }
    %barrier3A_878 = arith.constant 0 : index
    tpu.barrier barrier_id(%barrier3A_878)
    "tpu.region"() ({
      %run_scoped3A = tpu.sem_alloc : memref<!tpu.dma_semaphore, #tpu.memory_space<semaphore_mem>>
      %dma_start3A_879 = arith.constant 0 : i32
      %dma_start3A_880 = arith.constant 0 : i32
      %dma_start3A_881 = tpu.memref_slice %arg9[%dma_start3A_879, %dma_start3A_880] : memref<208x128xf32, #tpu.memory_space<vmem>> -> memref<32x128xf32, #tpu.memory_space<vmem>>
      %dma_start3A_882 = arith.constant 0 : i32
      %dma_start3A_883 = tpu.memref_slice %arg13[%mul3A_25, %dma_start3A_882] : memref<512x128xf32, #tpu.memory_space<vmem_shared>> -> memref<32x128xf32, #tpu.memory_space<vmem_shared>>
      %dma_start3A_884 = arith.constant 0 : i32
      %dma_start3A_885 = arith.constant 0 : i32
      %dma_start3A_886 = tpu.memref_slice %arg9[%dma_start3A_884, %dma_start3A_885] : memref<208x128xf32, #tpu.memory_space<vmem>> -> memref<32x128xf32, #tpu.memory_space<vmem>>
      %dma_start3A_887 = arith.constant 0 : i32
      %dma_start3A_888 = tpu.memref_slice %arg13[%mul3A_25, %dma_start3A_887] : memref<512x128xf32, #tpu.memory_space<vmem_shared>> -> memref<32x128xf32, #tpu.memory_space<vmem_shared>>
      tpu.enqueue_dma source(%dma_start3A_888 : memref<32x128xf32, #tpu.memory_space<vmem_shared>>) target(%dma_start3A_886 : memref<32x128xf32, #tpu.memory_space<vmem>>) target_semaphore(%run_scoped3A : memref<!tpu.dma_semaphore, #tpu.memory_space<semaphore_mem>>)
      %dma_wait3A_889 = arith.constant 0 : i32
      %dma_wait3A_890 = arith.constant 0 : i32
      %dma_wait3A_891 = tpu.memref_slice %arg9[%dma_wait3A_889, %dma_wait3A_890] : memref<208x128xf32, #tpu.memory_space<vmem>> -> memref<32x128xf32, #tpu.memory_space<vmem>>
      %dma_wait3A_892 = arith.constant 0 : i32
      %dma_wait3A_893 = tpu.memref_slice %arg13[%mul3A_25, %dma_wait3A_892] : memref<512x128xf32, #tpu.memory_space<vmem_shared>> -> memref<32x128xf32, #tpu.memory_space<vmem_shared>>
      %dma_wait3A_894 = arith.constant 0 : i32
      %dma_wait3A_895 = arith.constant 0 : i32
      %dma_wait3A_896 = tpu.memref_slice %arg9[%dma_wait3A_894, %dma_wait3A_895] : memref<208x128xf32, #tpu.memory_space<vmem>> -> memref<32x128xf32, #tpu.memory_space<vmem>>
      %dma_wait3A_897 = arith.constant 0 : i32
      %dma_wait3A_898 = tpu.memref_slice %arg13[%mul3A_25, %dma_wait3A_897] : memref<512x128xf32, #tpu.memory_space<vmem_shared>> -> memref<32x128xf32, #tpu.memory_space<vmem_shared>>
      tpu.wait_dma2 semaphore(%run_scoped3A : memref<!tpu.dma_semaphore, #tpu.memory_space<semaphore_mem>>) src(%dma_wait3A_898 : memref<32x128xf32, #tpu.memory_space<vmem_shared>>) dst(%dma_wait3A_896 : memref<32x128xf32, #tpu.memory_space<vmem>>)
      tpu.yield
    }) : () -> ()
    "tpu.region"() ({
      %run_scoped3A = tpu.sem_alloc : memref<!tpu.dma_semaphore, #tpu.memory_space<semaphore_mem>>
      %dma_start3A_879 = arith.constant 0 : i32
      %dma_start3A_880 = arith.constant 0 : i32
      %dma_start3A_881 = tpu.memref_slice %arg9[%dma_start3A_879, %dma_start3A_880] : memref<208x128xf32, #tpu.memory_space<vmem>> -> memref<32x128xf32, #tpu.memory_space<vmem>>
      %dma_start3A_882 = arith.constant 0 : i32
      %dma_start3A_883 = arith.constant 0 : i32
      %dma_start3A_884 = tpu.memref_slice %arg6[%arg0, %dma_start3A_882, %dma_start3A_883] : memref<2x512x128xf32, #tpu.memory_space<hbm>> -> memref<1x512x128xf32, #tpu.memory_space<hbm>>
      %dma_start3A_885 = tpu.memref_squeeze %dma_start3A_884 : memref<1x512x128xf32, #tpu.memory_space<hbm>> -> memref<512x128xf32, #tpu.memory_space<hbm>>
      %dma_start3A_886 = arith.constant 0 : i32
      %dma_start3A_887 = tpu.memref_slice %dma_start3A_885[%mul3A_25, %dma_start3A_886] : memref<512x128xf32, #tpu.memory_space<hbm>> -> memref<32x128xf32, #tpu.memory_space<hbm>>
      %dma_start3A_888 = arith.constant 0 : i32
      %dma_start3A_889 = arith.constant 0 : i32
      %dma_start3A_890 = tpu.memref_slice %arg6[%arg0, %dma_start3A_888, %dma_start3A_889] : memref<2x512x128xf32, #tpu.memory_space<hbm>> -> memref<1x512x128xf32, #tpu.memory_space<hbm>>
      %dma_start3A_891 = tpu.memref_squeeze %dma_start3A_890 : memref<1x512x128xf32, #tpu.memory_space<hbm>> -> memref<512x128xf32, #tpu.memory_space<hbm>>
      %dma_start3A_892 = arith.constant 0 : i32
      %dma_start3A_893 = tpu.memref_slice %dma_start3A_891[%mul3A_25, %dma_start3A_892] : memref<512x128xf32, #tpu.memory_space<hbm>> -> memref<32x128xf32, #tpu.memory_space<hbm>>
      %dma_start3A_894 = arith.constant 0 : i32
      %dma_start3A_895 = arith.constant 0 : i32
      %dma_start3A_896 = tpu.memref_slice %arg9[%dma_start3A_894, %dma_start3A_895] : memref<208x128xf32, #tpu.memory_space<vmem>> -> memref<32x128xf32, #tpu.memory_space<vmem>>
      tpu.enqueue_dma source(%dma_start3A_896 : memref<32x128xf32, #tpu.memory_space<vmem>>) target(%dma_start3A_893 : memref<32x128xf32, #tpu.memory_space<hbm>>) target_semaphore(%run_scoped3A : memref<!tpu.dma_semaphore, #tpu.memory_space<semaphore_mem>>)
      %dma_wait3A_897 = arith.constant 0 : i32
      %dma_wait3A_898 = arith.constant 0 : i32
      %dma_wait3A_899 = tpu.memref_slice %arg9[%dma_wait3A_897, %dma_wait3A_898] : memref<208x128xf32, #tpu.memory_space<vmem>> -> memref<32x128xf32, #tpu.memory_space<vmem>>
      %dma_wait3A_900 = arith.constant 0 : i32
      %dma_wait3A_901 = arith.constant 0 : i32
      %dma_wait3A_902 = tpu.memref_slice %arg6[%arg0, %dma_wait3A_900, %dma_wait3A_901] : memref<2x512x128xf32, #tpu.memory_space<hbm>> -> memref<1x512x128xf32, #tpu.memory_space<hbm>>
      %dma_wait3A_903 = tpu.memref_squeeze %dma_wait3A_902 : memref<1x512x128xf32, #tpu.memory_space<hbm>> -> memref<512x128xf32, #tpu.memory_space<hbm>>
      %dma_wait3A_904 = arith.constant 0 : i32
      %dma_wait3A_905 = tpu.memref_slice %dma_wait3A_903[%mul3A_25, %dma_wait3A_904] : memref<512x128xf32, #tpu.memory_space<hbm>> -> memref<32x128xf32, #tpu.memory_space<hbm>>
      %dma_wait3A_906 = arith.constant 0 : i32
      %dma_wait3A_907 = arith.constant 0 : i32
      %dma_wait3A_908 = tpu.memref_slice %arg6[%arg0, %dma_wait3A_906, %dma_wait3A_907] : memref<2x512x128xf32, #tpu.memory_space<hbm>> -> memref<1x512x128xf32, #tpu.memory_space<hbm>>
      %dma_wait3A_909 = tpu.memref_squeeze %dma_wait3A_908 : memref<1x512x128xf32, #tpu.memory_space<hbm>> -> memref<512x128xf32, #tpu.memory_space<hbm>>
      %dma_wait3A_910 = arith.constant 0 : i32
      %dma_wait3A_911 = tpu.memref_slice %dma_wait3A_909[%mul3A_25, %dma_wait3A_910] : memref<512x128xf32, #tpu.memory_space<hbm>> -> memref<32x128xf32, #tpu.memory_space<hbm>>
      %dma_wait3A_912 = arith.constant 0 : i32
      %dma_wait3A_913 = arith.constant 0 : i32
      %dma_wait3A_914 = tpu.memref_slice %arg9[%dma_wait3A_912, %dma_wait3A_913] : memref<208x128xf32, #tpu.memory_space<vmem>> -> memref<32x128xf32, #tpu.memory_space<vmem>>
      tpu.wait_dma2 semaphore(%run_scoped3A : memref<!tpu.dma_semaphore, #tpu.memory_space<semaphore_mem>>) src(%dma_wait3A_914 : memref<32x128xf32, #tpu.memory_space<vmem>>) dst(%dma_wait3A_911 : memref<32x128xf32, #tpu.memory_space<hbm>>)
      tpu.yield
    }) : () -> ()
    return
  }
}

module attributes {stable_mosaic.version = 14 : i64} {
  func.func @_combine_body(%arg0: memref<2x512x128xf32, #tpu.memory_space<vmem>>, %arg1: memref<512x128xf32, #tpu.memory_space<vmem>>) attributes {dimension_semantics = [], scalar_prefetch = 0 : i64, scratch_operands = 0 : i64, tpu.core_type = #tpu.core_type<tc>} {
    %get3A = arith.constant 0 : index
    %get3A_0 = arith.constant 0 : index
    %get3A_1 = arith.constant 0 : index
    %get3A_2 = vector.load %arg0[%get3A, %get3A_0, %get3A_1] : memref<2x512x128xf32, #tpu.memory_space<vmem>>, vector<1x512x128xf32>
    %get3A_3 = vector.shape_cast %get3A_2 : vector<1x512x128xf32> to vector<512x128xf32>
    %get3A_4 = arith.constant 1 : index
    %get3A_5 = arith.constant 0 : index
    %get3A_6 = arith.constant 0 : index
    %get3A_7 = vector.load %arg0[%get3A_4, %get3A_5, %get3A_6] : memref<2x512x128xf32, #tpu.memory_space<vmem>>, vector<1x512x128xf32>
    %get3A_8 = vector.shape_cast %get3A_7 : vector<1x512x128xf32> to vector<512x128xf32>
    %add3A = arith.addf %get3A_3, %get3A_8 : vector<512x128xf32>
    %swap3A = arith.constant 0 : index
    %swap3A_9 = arith.constant 0 : index
    %swap3A_10 = vector.load %arg1[%swap3A, %swap3A_9] : memref<512x128xf32, #tpu.memory_space<vmem>>, vector<512x128xf32>
    tpu.vector_store %arg1[%swap3A, %swap3A_9], %add3A {strides = array<i32>} : memref<512x128xf32, #tpu.memory_space<vmem>>, vector<512x128xf32>,
    return
  }
}

</mosaic_0001>

<sc_bundles>
// kernel: kernel.4.cloned.1.call-start
scs
__scs_entry_jumppad:
0x0: {  	(pc) =	sbr.rel $0x88, $3  }
0x1: {  	(tag) =	ssettag $0x0;
	lr =	simm.s32 $0x1  }
0x2: {  	[smem:$0x3F9F] =	sst lr;
	_ =	strace $0xD0000000  }
0x3: {  	_ = 	snop  }
0x4: {  	_ = 	snop  }
0x5: {  	_ = 	snop  }
0x6: {  	_ = 	snop  }
0x7: {  	_ = 	snop  }
__scs_overlays_trampoline_lowered:
0x8: {  	[smem:$0x3FAE] =	sst s0  }
0x9: {  	[smem:$0x3FAF] =	sst s1  }
0xa: {  	[smem:$0x3FB0] =	sst s2  }
0xb: {  	[smem:$0x3FB1] =	sst s3  }
0xc: {  	[smem:$0x3FB2] =	sst s4  }
0xd: {  	[smem:$0x3FB3] =	sst s5  }
0xe: {  	[smem:$0x3FB4] =	sst s6  }
0xf: {  	[smem:$0x3FB5] =	sst s7  }
0x10: {  	[smem:$0x3FB6] =	sst s8  }
0x11: {  	[smem:$0x3FB7] =	sst s9;
	s0 =	simm.s32 @!p0 $0x0  }
0x12: {  	s1 =	sld [smem:$0x3F9D];
	s0 =	simm.s32 @p0 $0x1  }
0x13: {  	[smem:$0x3FB8] =	sst s0;
	s0 =	simm.s32 @!p1 $0x0  }
0x14: {  	s2 =	sld [smem:$0x3F9C];
	s0 =	simm.s32 @p1 $0x1  }
0x15: {  	[smem:$0x3FB9] =	sst s0;
	s0 =	simm.s32 @!p2 $0x0  }
0x16: {  	s3 =	sld [smem:$0x3FDB];
	s0 =	simm.s32 @p2 $0x1  }
0x17: {  	s4 =	simm.s32 $0x1BF5;
	[smem:$0x3FBB] =	sst s0  }
0x18: {  	s0 =	sld [smem:$0x3F9E];
	_ =	swait.ge [sflag:s4], $0x0  }
0x19: {  	s7 =	sld [smem:$0x3F9F]  }
0x1a: {  	s8 =	sadd.s32 $0xFFFFE003, lr  }
0x1b: {  	s9 =	sadd.s32 $0xFFFFFEF7, lr;
	s5 =	simm.s32 $0xFFFFFFFF;
	p2 =	slt.u32 s8, $0xFFFFF086  }
0x1c: {  	p1 =	slt.u32 s9, $0xF7A;
	s5 =	simm.s32 @!p2 $0x0  }
0x1d: {  	s5 =	simm.s32 @p1 $0x1;
	p0 =	seq.s32 s7, s2  }
0x1e: {  	s7 =	smul.u32 @!p0 $0xF7A, s2;
	p2 =	seq.s32 @!p0 s5, $0x0  }
0x1f: {  	s9 =	smul.u32 $0xF7A, s1;
	s8 =	simm.s32 @!p0 $0x1BF5;
	p2 =	por !p2, p0  }
0x20: {  	[sflag:s8] =	ssyncset.s32 @!p0 $0xFFFFF086;
	s6 =	sadd.s32 @!p0 s3, s7;
	s7 =	simm.s32 @!p0 $0x108  }
0x21: {  	s3 =	sadd.s32 s3, s9;
	s6 =	sadd.s32 @!p0 $0x88, s6;
	s7 =	simm.s32 @p2 $0x1082  }
0x22: {  	[simem:s7], [sflag:s8] =	dma.local @!p0 [hbm:s6], $0xF7A  }
0x23: {  	s9 =	sor.u32 $0xD0000000, s2;
	s6 =	simm.s32 $0x108;
	_ =	swait.ge @!p0 [sflag:s8], $0x0  }
0x24: {  	s3 =	sadd.s32 $0x88, s3;
	s6 =	simm.s32 @!p1 $0x1082;
	[sflag:s4] =	ssyncset.s32 $0xFFFFF086  }
0x25: {  	[simem:s6], [sflag:s4] =	dma.local [hbm:s3], $0xF7A  }
0x26: {  	[smem:$0x3F9F] =	sst s1;
	(tag) =	ssettag s2;
	_ =	strace s9  }
0x27: {  	s1 =	sld [smem:$0x3FAF]  }
0x28: {  	s2 =	sld [smem:$0x3FB0]  }
0x29: {  	s4 =	sld [smem:$0x3FB2]  }
0x2a: {  	p0 =	seq.s32 s5, $0x0;
	s5 =	sld [smem:$0x3FB3]  }
0x2b: {  	s6 =	sld [smem:$0x3FB4]  }
0x2c: {  	s7 =	sld [smem:$0x3FB5]  }
0x2d: {  	s3 =	simm.s32 $0x108;
	s8 =	sld [smem:$0x3FB6]  }
0x2e: {  	s3 =	simm.s32 @!p0 $0x1082;
	s9 =	sld [smem:$0x3FB7]  }
0x2f: {  	lr =	sadd.s32 s0, s3;
	s0 =	sld [smem:$0x3FAE]  }
0x30: {  	s3 =	sld [smem:$0x3FB1]  }
0x31: {  	[smem:$0x3FBA] =	sst s10  }
0x32: {  	s10 =	sld [smem:$0x3FB8];
	_ =	sdelay $0x3  }
0x33: {  	p0 =	seq.s32 s10, $0x1;
	s10 =	sld [smem:$0x3FBA];
	_ =	sdelay $0x3  }
0x34: {  	[smem:$0x3FBA] =	sst s10  }
0x35: {  	s10 =	sld [smem:$0x3FB9];
	_ =	sdelay $0x3  }
0x36: {  	p1 =	seq.s32 s10, $0x1;
	s10 =	sld [smem:$0x3FBA];
	_ =	sdelay $0x3  }
0x37: {  	[smem:$0x3FBA] =	sst s10  }
0x38: {  	s10 =	sld [smem:$0x3FBB]  }
0x39: {  	_ = 	snop;
	(pc) =	sbr.ind lr, $3  }
0x3a: {  	_ = 	snop  }
0x3b: {  	_ = 	snop  }
0x3c: {  	p2 =	seq.s32 s10, $0x1;
	s10 =	sld [smem:$0x3FBA]  }
0x3d: {  	_ =	shalt  }
0x3e: {  	_ =	shalt  }
0x3f: {  	_ =	shalt  }
0x40: {  	_ =	shalt  }
0x41: {  	_ =	shalt  }
0x42: {  	_ =	shalt  }
0x43: {  	_ =	shalt  }
0x44: {  	_ =	shalt  }
0x45: {  	_ =	shalt  }
0x46: {  	_ =	shalt  }
0x47: {  	_ =	shalt  }
0x48: {  	_ =	shalt  }
0x49: {  	_ =	shalt  }
0x4a: {  	_ =	shalt  }
0x4b: {  	_ =	shalt  }
0x4c: {  	_ =	shalt  }
0x4d: {  	_ =	shalt  }
0x4e: {  	_ =	shalt  }
0x4f: {  	_ =	shalt  }
0x50: {  	_ =	shalt  }
0x51: {  	_ =	shalt  }
0x52: {  	_ =	shalt  }
0x53: {  	_ =	shalt  }
0x54: {  	_ =	shalt  }
0x55: {  	_ =	shalt  }
0x56: {  	_ =	shalt  }
0x57: {  	_ =	shalt  }
0x58: {  	_ =	shalt  }
0x59: {  	_ =	shalt  }
0x5a: {  	_ =	shalt  }
0x5b: {  	_ =	shalt  }
0x5c: {  	_ =	shalt  }
0x5d: {  	_ =	shalt  }
0x5e: {  	_ =	shalt  }
0x5f: {  	_ =	shalt  }
0x60: {  	_ =	shalt  }
0x61: {  	_ =	shalt  }
0x62: {  	_ =	shalt  }
0x63: {  	_ =	shalt  }
0x64: {  	_ =	shalt  }
0x65: {  	_ =	shalt  }
0x66: {  	_ =	shalt  }
0x67: {  	_ =	shalt  }
0x68: {  	_ =	shalt  }
0x69: {  	_ =	shalt  }
0x6a: {  	_ =	shalt  }
0x6b: {  	_ =	shalt  }
0x6c: {  	_ =	shalt  }
0x6d: {  	_ =	shalt  }
0x6e: {  	_ =	shalt  }
0x6f: {  	_ =	shalt  }
0x70: {  	_ =	shalt  }
0x71: {  	_ =	shalt  }
0x72: {  	_ =	shalt  }
0x73: {  	_ =	shalt  }
0x74: {  	_ =	shalt  }
0x75: {  	_ =	shalt  }
0x76: {  	_ =	shalt  }
0x77: {  	_ =	shalt  }
0x78: {  	_ =	shalt  }
0x79: {  	_ =	shalt  }
0x7a: {  	_ =	shalt  }
0x7b: {  	_ =	shalt  }
0x7c: {  	_ =	shalt  }
0x7d: {  	_ =	shalt  }
0x7e: {  	_ =	shalt  }
0x7f: {  	_ =	shalt  }
0x80: {  	_ =	shalt  }
0x81: {  	_ =	shalt  }
0x82: {  	_ =	shalt  }
0x83: {  	_ =	shalt  }
0x84: {  	_ =	shalt  }
0x85: {  	_ =	shalt  }
0x86: {  	_ =	shalt  }
0x87: {  	_ =	shalt  }
.Lfunc_end0:
.L_simem_size_0:
called_computation_lowered:
.L_overlay_start_0:
0x88: {  	s2 =	sld [smem:$0x3FD9]  }
0x89: {  	s3 =	sld [smem:$0x3FFE];
	_ =	sdelay $0x1  }
0x8a: {  	s1 =	srdreg.scid  }
0x8b: {  	s0 =	sand.u32 $0x1, s1  }
0x8c: {  	s17 =	sshll.u32 s0, $0xA;
	s2 =	sadd.s32 s3, s2  }
0x8d: {  	s2 =	sadd.s32 s2, s17  }
0x8e: {  	[smem:$0x3FC6] =	sst s2  }
0x8f: {  	_ = 	snop  }
0x90: {  	s2 =	sld [smem:$0x3FC9]  }
0x91: {  	s18 =	sld [smem:$0x3FD0];
	(tm) =	ssettm $0x1  }
0x92: {  	s4 =	sld [smem:$0x3FFB];
	_ =	sdelay $0x3  }
0x93: {  	_ =	strace s4  }
0x94: {  	s4 =	sld [smem:$0x3FFC];
	_ =	sdelay $0x3  }
0x95: {  	_ =	strace s4  }
0x96: {  	s4 =	sld [smem:$0x3FFD];
	_ =	sdelay $0x3  }
0x97: {  	_ =	strace s4  }
0x98: {  	_ =	strace $0x8FFFFFFF  }
0x99: {  	s19 =	sld [smem:$0x3FDB];
	_ =	sdelay $0x1  }
0x9a: {  	s5 =	simm.s32 $_scs_section_size  }
0x9b: {  	s6 =	simm.s32 $_size__tile_overlayer_lowered;
	s7 =	simm.s32 $_tile_overlayer_lowered  }
0x9c: {  	s22 =	simm.s32 $0x1BFF;
	s21 =	sshll.u32 s7, $0x1;
	s4 =	sadd.s32 s5, s19  }
0x9d: {  	s8 =	simm.s32 $0x0;
	s20 =	sshll.u32 s6, $0x1;
	s6 =	sadd.s32 s21, s4  }
0x9e: {  	[timem:s8], [sflag:s22] =	dma.local [hbm:s6], s20  }
0x9f: {  	_ =	swait.ge [sflag:s22], s20  }
0xa0: {  	s5 =	ssub.s32 $0x0, s20;
	[sflag:s22] =	ssyncset.done $0x0  }
0xa1: {  	[sflag:s22] =	ssyncadd.s32 s5;
	_ =	sdelay $0x1  }
0xa2: {  	s23 =	simm.s32 $0x1B8B  }
0xa3: {  	_ =	swait.ge [sflag:s23], $0x1  }
0xa4: {  	[sflag:s23] =	ssyncset.done $0x0  }
0xa5: {  	s25 =	simm.s32 $0x1B8E;
	s24 =	sld [smem:$0x3FFE];
	[sflag:s23] =	ssyncadd.s32 $0xFFFFFFFF  }
0xa6: {  	s26 =	simm.s32 $execute0_lowered;
	[smem:$0x3FD2] =	sst s25  }
0xa7: {  	s6 =	sshll.u32 s26, $0x1;
	_ =	strace $0x80000046;
	[dreg:$0x1] =	wrdreg $0xFFFFFFFF  }
0xa8: {  	s28 =	simm.s32 $_size_execute0_lowered;
	s4 =	sadd.s32 s4, s6;
	[dreg:$0x0] =	wrdreg $0x0  }
0xa9: {  	s6 =	sshll.u32 s28, $0x1;
	[dreg:$0x2] =	wrdreg s4  }
0xaa: {  	[dreg:$0x3] =	wrdreg s6  }
0xab: {  	[dreg:$0x4] =	wrdreg $0xC0  }
0xac: {  	_ =	task [dreg:s8], $0x5FFFF  }
0xad: {  	[dreg:$0x1] =	wrdreg $0xFFFFFFFF  }
0xae: {  	[dreg:$0x0] =	wrdreg $0x60  }
0xaf: {  	[dreg:$0x2] =	wrdreg s2  }
0xb0: {  	[dreg:$0x3] =	wrdreg s24  }
0xb1: {  	[dreg:$0x4] =	wrdreg s18  }
0xb2: {  	[dreg:$0x5] =	wrdreg $0x1B0800  }
0xb3: {  	[dreg:$0x6] =	wrdreg $0x9  }
0xb4: {  	_ =	task.clear_ibuf [dreg:s8], $0x7FFFF;
	_ =	strace $0x90000046  }
0xb5: {  	s29 =	simm.s32 $0x9;
	_ =	strace $0x80000048  }
0xb6: {  	_ =	swait.ge [sflag:s29], $0x1  }
0xb7: {  	[sflag:s29] =	ssyncadd.s32 $0xFFFFFFFF  }
0xb8: {  	_ =	strace $0x90000048  }
0xb9: {  	_ =	sfence  }
0xba: {  	s30 =	sld [smem:$0x0];
	_ =	sdelay $0x2  }
0xbb: {  	s31 =	sshll.u32 s1, $0xD;
	s1 =	sshrl.u32 s1, $0x2  }
0xbc: {  	s3 =	sand.u32 $0x4000, s31;
	s1 =	sadd.s32 s1, s30  }
0xbd: {  	s0 =	sor.u32 s3, s0;
	s1 =	sshll.u32 s1, $0x11  }
0xbe: {  	s0 =	sor.u32 s1, s0  }
0xbf: {  	s0 =	sadd.s32 $0x8F2B, s0  }
0xc0: {  	[sflag:s0] =	ssyncadd.remote.s32 $0x1  }
0xc1: {  	_ =	sfence.sel $0xFFFF  }
0xc2: {  	[dreg:$0x0] =	wrdreg $0xFFFFFFFF;
	(pc) =	sbr.abs _section_cstart, $3  }
0xc3: {  	[dreg:$0x1] =	wrdreg $0xFFFFFFFF  }
0xc4: {  	_ =	task.clear_ibuf [dreg:s8], $0x2FFFF;
	_ =	strace $0x9FFFFFFF  }
0xc5: {  	(tm) =	ssettm $0x7FFFFFFF  }
tec
execute0_lowered:
.L_overlay_start_1:
0x0: {  	(tag) =	ssettag $0x1  }
0x1: {  	s6 =	rddreg [dreg:$0x0]  }
0x2: {  	s5 =	rddreg [dreg:$0x1]  }
0x3: {  	s7 =	rddreg [dreg:$0x2]  }
0x4: {  	s0 =	srdreg.scid;
	s3 =	rddreg [dreg:$0x3]  }
0x5: {  	s29 =	stileid.u32;
	s30 =	rddreg [dreg:$0x4];
	s2 =	simm.s32 $0x0  }
0x6: {  	s17 =	simm.s32 $0x80;
	s4 =	sand.u32 $0x1, s0;
	[smem:$0x7FF] =	sst s2  }
0x7: {  	s11 =	sshll.u32 s29, $0x4;
	s0 =	sshll.u32 s4, $0x4;
	_ =	strace $0x80000047  }
0x8: {  	s20 =	sadd.s32 s11, s5;
	s18 =	sshll.u32 s4, $0xD;
	[dreg:$0x18] =	wrdreg s17  }
0x9: {  	s17 =	simm.s32 $0x900;
	s1 =	sor.u32 s29, s0;
	s22 =	sadd.s32 $0x600, s20  }
0xa: {  	s20 =	simm.s32 $0x180;
	[smem:$0x7F5] =	sst s17;
	s0 =	smul.u32 $0x61800, s1  }
0xb: {  	s8 =	smul.u32 $0xC300, s1;
	s9 =	sshll.u32 s1, $0x9;
	[dreg:$0xa] =	wrdreg s22  }
0xc: {  	[dreg:$0x1a] =	wrdreg s20;
	s20 =	simm.s32 $0xA00;
	s9 =	sadd.s32 s9, s5  }
0xd: {  	s5 =	sadd.s32 s18, s5;
	s18 =	simm.s32 $0x980;
	[smem:$0x7F7] =	sst s20  }
0xe: {  	s14 =	smul.u32 $0x500, s29;
	s8 =	sadd.s32 s6, s8;
	[smem:$0x7F6] =	sst s18  }
0xf: {  	s0 =	sshrl.u32 s0, $0x3;
	s21 =	sadd.s32 $0x800, s9;
	[dreg:$0x5] =	wrdreg s8  }
0x10: {  	s10 =	sadd.s32 s6, s0;
	[dreg:$0x9] =	wrdreg s21;
	s21 =	simm.s32 $0x200  }
0x11: {  	s6 =	sadd.s32 s14, s6;
	s14 =	simm.s32 $0x780;
	[dreg:$0x1b] =	wrdreg s21  }
0x12: {  	s0 =	sadd.s32 $0xD00, s10;
	[smem:$0x7F2] =	sst s14  }
0x13: {  	s19 =	sadd.s32 $0x1A00, s10;
	[dreg:$0x6] =	wrdreg s0  }
0x14: {  	s23 =	sadd.s32 $0x2700, s10;
	[dreg:$0x7] =	wrdreg s19  }
0x15: {  	s24 =	sadd.s32 $0x3400, s10;
	[dreg:$0xb] =	wrdreg s23  }
0x16: {  	s25 =	sadd.s32 $0x4100, s10;
	[dreg:$0xc] =	wrdreg s24  }
0x17: {  	s26 =	sadd.s32 $0x4E00, s10;
	[dreg:$0xd] =	wrdreg s25  }
0x18: {  	s28 =	sadd.s32 $0x5B00, s10;
	[dreg:$0xe] =	wrdreg s26  }
0x19: {  	s8 =	sadd.s32 $0x6800, s10;
	[dreg:$0xf] =	wrdreg s28  }
0x1a: {  	s9 =	sadd.s32 $0x7500, s10;
	[dreg:$0x10] =	wrdreg s8  }
0x1b: {  	s11 =	sadd.s32 $0x8200, s10;
	[dreg:$0x11] =	wrdreg s9  }
0x1c: {  	p1 =	por $0x0, $0x0;
	s12 =	sadd.s32 $0x8F00, s10;
	[dreg:$0x12] =	wrdreg s11  }
0x1d: {  	s31 =	simm.s32 $0xE80;
	s13 =	sadd.s32 $0x9C00, s10;
	[dreg:$0x13] =	wrdreg s12  }
0x1e: {  	s4 =	ssub.s32 $0x2, s4;
	s15 =	sadd.s32 $0xA900, s10;
	[dreg:$0x14] =	wrdreg s13  }
0x1f: {  	s17 =	simm.s32 $0xAC80;
	s16 =	sadd.s32 $0xB600, s10;
	[dreg:$0x15] =	wrdreg s15  }
0x20: {  	s22 =	sshrl.u32 s4, $0x1;
	s6 =	sadd.s32 $0x186000, s6;
	[dreg:$0x16] =	wrdreg s16  }
0x21: {  	p0 =	sgt.u32 s1, $0x1;
	s10 =	simm.s32 $0x580;
	[dreg:$0x17] =	wrdreg s6  }
0x22: {  	s20 =	simm.s32 $0x11480;
	s21 =	simm.s32 $0xA80;
	[smem:$0x7EE] =	sst s10  }
0x23: {  	s18 =	simm.s32 $0x3;
	s19 =	simm.s32 $0x100;
	[smem:$0x7F8] =	sst s21  }
0x24: {  	s14 =	simm.s32 $0x1;
	s23 =	simm.s32 $0x280;
	[dreg:$0x19] =	wrdreg s19  }
0x25: {  	s0 =	sshll.u32 s29, $0x9;
	s24 =	simm.s32 $0x300;
	[dreg:$0x1c] =	wrdreg s23  }
0x26: {  	s25 =	sshll.u32 s29, $0xC;
	s26 =	simm.s32 $0x380;
	[dreg:$0x1d] =	wrdreg s24  }
0x27: {  	s28 =	simm.s32 $0x400;
	s8 =	sadd.s32 $0x4800, s5;
	[dreg:$0x1e] =	wrdreg s26  }
0x28: {  	s6 =	simm.s32 $0x480;
	s9 =	simm.s32 $0x500;
	[dreg:$0x1f] =	wrdreg s28  }
0x29: {  	s5 =	simm.s32 $0x1080;
	s11 =	simm.s32 $0x600;
	[smem:$0x7EC] =	sst s6  }
0x2a: {  	s12 =	simm.s32 $0x680;
	s13 =	simm.s32 $0x700;
	[smem:$0x7ED] =	sst s9  }
0x2b: {  	s15 =	simm.s32 $0x800;
	s16 =	simm.s32 $0x880;
	[smem:$0x7EF] =	sst s11  }
0x2c: {  	s10 =	simm.s32 $0x68;
	s21 =	simm.s32 $0x8;
	[smem:$0x7F0] =	sst s12  }
0x2d: {  	s7 =	sadd.s32 s7, s0;
	s9 =	simm.s32 $0x7880;
	[smem:$0x7F1] =	sst s13  }
0x2e: {  	s19 =	simm.s32 $0x14880;
	s6 =	simm.s32 $0x9;
	[smem:$0x7F3] =	sst s15  }
0x2f: {  	[smem:$0x7F4] =	sst s16;
	s16 =	simm.s32 $0x4480;
	s15 =	simm.s32 $0x2  }
0x30: {  	s11 =	simm.s32 $0x5;
	[dreg:$0x8] =	wrdreg s7;
	s7 =	ssub.s32 s4, s22  }
0x31: {  	s23 =	simm.s32 $0xB00;
	s24 =	simm.s32 $0xB80;
	s22 =	smax.u32 s7, $0x1  }
0x32: {  	s12 =	simm.s32 $0x6;
	s8 =	sadd.s32 s0, s8;
	s0 =	sadd.s32 $0xFFFFFFFF, s22  }
0x33: {  	s26 =	simm.s32 $0xC80;
	[smem:$0x7F9] =	sst s23;
	p2 =	sne.s32 s0, $0x0  }
.Ltmp0:
0x34: {  	s28 =	simm.s32 $0xD00;
	[smem:$0x7FA] =	sst s24;
	(pc) =	sbr.rel @!p2 .LBB2_1-.Ltmp0, $4  }
0x35: {  	s13 =	simm.s32 $0x7;
	s4 =	sadd.s32 s25, s3;
	[smem:$0x7FC] =	sst s26  }
0x36: {  	s25 =	simm.s32 $0xC00;
	s26 =	simm.s32 $0x17C80;
	[smem:$0x7FD] =	sst s28  }
0x37: {  	s23 =	simm.s32 $0xD80;
	s24 =	simm.s32 $0xE00;
	[smem:$0x7FB] =	sst s25  }
0x38: {  	s7 =	simm.s32 $0xE080;
	s25 =	simm.s32 $0x4;
	s22 =	rddreg [dreg:$0x5]  }
0x39: {  	[tilespmem:s5], [sflag:$0x1] =	stream.linear.gather [hbm4b:s22+s2], $0x6800, $0x38;
	[tilespmem:$0x1C080] =	vst v63  }
0x3a: {  	s1 =	rddreg [dreg:$0x6]  }
0x3b: {  	[tilespmem:s9], [sflag:$0x2] =	stream.linear.gather [hbm4b:s1+s2], $0x6800, $0x38;
	[tilespmem:$0x1C080] =	vst v63  }
0x3c: {  	s22 =	rddreg [dreg:$0x7]  }
0x3d: {  	[tilespmem:s7], [sflag:$0x3] =	stream.linear.gather [hbm4b:s22+s2], $0x6800, $0x38;
	[tilespmem:$0x1C080] =	vst v63  }
0x3e: {  	s1 =	rddreg [dreg:$0x8]  }
0x3f: {  	[tilespmem:s19], [sflag:$0x9] =	stream.linear.gather [hbm4b:s1+s2], $0x1000, $0x38;
	[tilespmem:$0x1C080] =	vst v63  }
0x40: {  	_ =	swait.ge [sflag:s6], $0x1000  }
0x41: {  	[sflag:s6] =	ssyncset.done $0x0  }
0x42: {  	[sflag:s6] =	ssyncadd.s32 $0xFFFFF000  }
0x43: {  	[spmem:s4] =	stream.linear.scatter [tilespmem:s19], [sflag:$0x9], $0x1000, $0x38;
	[tilespmem:$0x1C080] =	vst v63  }
0x44: {  	_ =	swait.ge [sflag:s6], $0x1000  }
0x45: {  	[sflag:s6] =	ssyncset.done $0x0  }
0x46: {  	s22 =	rddreg [dreg:$0x9];
	[sflag:s6] =	ssyncadd.s32 $0xFFFFF000  }
0x47: {  	[tilespmem:s2], [sflag:$0x9] =	stream.linear.gather [hbm4b:s22+s2], $0xF00, $0x38;
	[tilespmem:$0x1C080] =	vst v63  }
0x48: {  	_ =	swait.ge [sflag:s6], $0xF00  }
0x49: {  	s28 =	simm.s32 @!p0 $0x9;
	s29 =	simm.s32 @!p0 $0x0;
	[sflag:s6] =	ssyncset.done $0x0  }
0x4a: {  	s30 =	simm.s32 @!p0 $0x1000;
	s1 =	rddreg [dreg:$0xa];
	[sflag:s6] =	ssyncadd.s32 $0xFFFFF100  }
0x4b: {  	[tilespmem:s30], [sflag:$0x9] =	stream.linear.gather @!p0 [hbm4b:s1+s29], $0x80, $0x38;
	[tilespmem:$0x1C080] =	vst v63  }
0x4c: {  	_ =	swait.ge @!p0 [sflag:s28], $0x80  }
0x4d: {  	[sflag:s28] =	ssyncset.done @!p0 $0x0  }
0x4e: {  	[sflag:s28] =	ssyncadd.s32 @!p0 $0xFFFFFF80  }
0x4f: {  	[bflag:$0x0] =	sbarrier.arrive $0xFFFF  }
0x50: {  	_ =	swait.ge [sflag:s14], $0x6800  }
0x51: {  	[sflag:s14] =	ssyncset.done $0x0  }
0x52: {  	[sflag:s14] =	ssyncadd.s32 $0xFFFF9800  }
0x53: {  	[spmem:s3] =	stream.indirect.scatter.add.f32 [tilespmem:s5], [sflag:$0x5], $0x80, s2, s10, $0xb8;
	[tilespmem:$0x1C080] =	vst v63  }
0x54: {  	s1 =	rddreg [dreg:$0x18]  }
0x55: {  	[spmem:s3] =	stream.indirect.scatter.add.f32 [tilespmem:s16], [sflag:$0x5], $0x80, s1, s10, $0xb8;
	[tilespmem:$0x1C080] =	vst v63  }
0x56: {  	s22 =	rddreg [dreg:$0xb]  }
0x57: {  	[tilespmem:s19], [sflag:$0x4] =	stream.linear.gather [hbm4b:s22+s2], $0x6800, $0x38;
	[tilespmem:$0x1C080] =	vst v63  }
0x58: {  	_ =	swait.ge [sflag:s15], $0x6800  }
0x59: {  	[sflag:s15] =	ssyncset.done $0x0  }
0x5a: {  	s1 =	rddreg [dreg:$0x19];
	[sflag:s15] =	ssyncadd.s32 $0xFFFF9800  }
0x5b: {  	[spmem:s3] =	stream.indirect.scatter.add.f32 [tilespmem:s9], [sflag:$0x6], $0x80, s1, s10, $0xb8;
	[tilespmem:$0x1C080] =	vst v63  }
0x5c: {  	s22 =	rddreg [dreg:$0x1a]  }
0x5d: {  	[spmem:s3] =	stream.indirect.scatter.add.f32 [tilespmem:s17], [sflag:$0x6], $0x80, s22, s10, $0xb8;
	[tilespmem:$0x1C080] =	vst v63  }
0x5e: {  	_ =	swait.ge [sflag:s11], $0x3400  }
0x5f: {  	[sflag:s11] =	ssyncset.done $0x0  }
0x60: {  	[sflag:s11] =	ssyncadd.s32 $0xFFFFCC00  }
0x61: {  	_ =	swait.ge [sflag:s11], $0x3400  }
0x62: {  	[sflag:s11] =	ssyncset.done $0x0  }
0x63: {  	s22 =	rddreg [dreg:$0xc];
	[sflag:s11] =	ssyncadd.s32 $0xFFFFCC00  }
0x64: {  	[tilespmem:s5], [sflag:$0x1] =	stream.linear.gather [hbm4b:s22+s2], $0x6800, $0x38;
	[tilespmem:$0x1C080] =	vst v63  }
0x65: {  	_ =	swait.ge [sflag:s18], $0x6800  }
0x66: {  	[sflag:s18] =	ssyncset.done $0x0  }
0x67: {  	s1 =	rddreg [dreg:$0x1b];
	[sflag:s18] =	ssyncadd.s32 $0xFFFF9800  }
0x68: {  	[spmem:s3] =	stream.indirect.scatter.add.f32 [tilespmem:s7], [sflag:$0x7], $0x80, s1, s10, $0xb8;
	[tilespmem:$0x1C080] =	vst v63  }
0x69: {  	s22 =	rddreg [dreg:$0x1c]  }
0x6a: {  	[spmem:s3] =	stream.indirect.scatter.add.f32 [tilespmem:s20], [sflag:$0x7], $0x80, s22, s10, $0xb8;
	[tilespmem:$0x1C080] =	vst v63  }
0x6b: {  	_ =	swait.ge [sflag:s12], $0x3400  }
0x6c: {  	[sflag:s12] =	ssyncset.done $0x0  }
0x6d: {  	[sflag:s12] =	ssyncadd.s32 $0xFFFFCC00  }
0x6e: {  	_ =	swait.ge [sflag:s12], $0x3400  }
0x6f: {  	[sflag:s12] =	ssyncset.done $0x0  }
0x70: {  	s22 =	rddreg [dreg:$0xd];
	[sflag:s12] =	ssyncadd.s32 $0xFFFFCC00  }
0x71: {  	[tilespmem:s9], [sflag:$0x2] =	stream.linear.gather [hbm4b:s22+s2], $0x6800, $0x38;
	[tilespmem:$0x1C080] =	vst v63  }
0x72: {  	_ =	swait.ge [sflag:s25], $0x6800  }
0x73: {  	[sflag:s25] =	ssyncset.done $0x0  }
0x74: {  	s1 =	rddreg [dreg:$0x1d];
	[sflag:s25] =	ssyncadd.s32 $0xFFFF9800  }
0x75: {  	[spmem:s3] =	stream.indirect.scatter.add.f32 [tilespmem:s19], [sflag:$0x8], $0x80, s1, s10, $0xb8;
	[tilespmem:$0x1C080] =	vst v63  }
0x76: {  	s22 =	rddreg [dreg:$0x1e]  }
0x77: {  	[spmem:s3] =	stream.indirect.scatter.add.f32 [tilespmem:s26], [sflag:$0x8], $0x80, s22, s10, $0xb8;
	[tilespmem:$0x1C080] =	vst v63  }
0x78: {  	_ =	swait.ge [sflag:s13], $0x3400  }
0x79: {  	[sflag:s13] =	ssyncset.done $0x0  }
0x7a: {  	[sflag:s13] =	ssyncadd.s32 $0xFFFFCC00  }
0x7b: {  	_ =	swait.ge [sflag:s13], $0x3400  }
0x7c: {  	[sflag:s13] =	ssyncset.done $0x0  }
0x7d: {  	s22 =	rddreg [dreg:$0xe];
	[sflag:s13] =	ssyncadd.s32 $0xFFFFCC00  }
0x7e: {  	[tilespmem:s7], [sflag:$0x3] =	stream.linear.gather [hbm4b:s22+s2], $0x6800, $0x38;
	[tilespmem:$0x1C080] =	vst v63  }
0x7f: {  	_ =	swait.ge [sflag:s14], $0x6800  }
0x80: {  	s1 =	rddreg [dreg:$0x1f];
	[sflag:s14] =	ssyncset.done $0x0  }
0x81: {  	s22 =	sld [smem:$0x7EC];
	[sflag:s14] =	ssyncadd.s32 $0xFFFF9800  }
0x82: {  	[spmem:s3] =	stream.indirect.scatter.add.f32 [tilespmem:s5], [sflag:$0x5], $0x80, s1, s10, $0xb8;
	[tilespmem:$0x1C080] =	vst v63  }
0x83: {  	_ = 	snop  }
0x84: {  	[spmem:s3] =	stream.indirect.scatter.add.f32 [tilespmem:s16], [sflag:$0x5], $0x80, s22, s10, $0xb8;
	[tilespmem:$0x1C080] =	vst v63  }
0x85: {  	_ =	swait.ge [sflag:s21], $0x3400  }
0x86: {  	[sflag:s21] =	ssyncset.done $0x0  }
0x87: {  	[sflag:s21] =	ssyncadd.s32 $0xFFFFCC00  }
0x88: {  	_ =	swait.ge [sflag:s21], $0x3400  }
0x89: {  	[sflag:s21] =	ssyncset.done $0x0  }
0x8a: {  	s22 =	rddreg [dreg:$0xf];
	[sflag:s21] =	ssyncadd.s32 $0xFFFFCC00  }
0x8b: {  	[tilespmem:s19], [sflag:$0x4] =	stream.linear.gather [hbm4b:s22+s2], $0x6800, $0x38;
	[tilespmem:$0x1C080] =	vst v63  }
0x8c: {  	_ =	swait.ge [sflag:s15], $0x6800  }
0x8d: {  	s1 =	sld [smem:$0x7ED]  }
0x8e: {  	[sflag:s15] =	ssyncset.done $0x0  }
0x8f: {  	s22 =	sld [smem:$0x7EE];
	[sflag:s15] =	ssyncadd.s32 $0xFFFF9800  }
0x90: {  	[spmem:s3] =	stream.indirect.scatter.add.f32 [tilespmem:s9], [sflag:$0x6], $0x80, s1, s10, $0xb8;
	[tilespmem:$0x1C080] =	vst v63  }
0x91: {  	_ = 	snop  }
0x92: {  	[spmem:s3] =	stream.indirect.scatter.add.f32 [tilespmem:s17], [sflag:$0x6], $0x80, s22, s10, $0xb8;
	[tilespmem:$0x1C080] =	vst v63  }
0x93: {  	_ =	swait.ge [sflag:s11], $0x3400  }
0x94: {  	[sflag:s11] =	ssyncset.done $0x0  }
0x95: {  	[sflag:s11] =	ssyncadd.s32 $0xFFFFCC00  }
0x96: {  	_ =	swait.ge [sflag:s11], $0x3400  }
0x97: {  	[sflag:s11] =	ssyncset.done $0x0  }
0x98: {  	s22 =	rddreg [dreg:$0x10];
	[sflag:s11] =	ssyncadd.s32 $0xFFFFCC00  }
0x99: {  	[tilespmem:s5], [sflag:$0x1] =	stream.linear.gather [hbm4b:s22+s2], $0x6800, $0x38;
	[tilespmem:$0x1C080] =	vst v63  }
0x9a: {  	_ =	swait.ge [sflag:s18], $0x6800  }
0x9b: {  	s1 =	sld [smem:$0x7EF]  }
0x9c: {  	[sflag:s18] =	ssyncset.done $0x0  }
0x9d: {  	s22 =	sld [smem:$0x7F0];
	[sflag:s18] =	ssyncadd.s32 $0xFFFF9800  }
0x9e: {  	[spmem:s3] =	stream.indirect.scatter.add.f32 [tilespmem:s7], [sflag:$0x7], $0x80, s1, s10, $0xb8;
	[tilespmem:$0x1C080] =	vst v63  }
0x9f: {  	_ = 	snop  }
0xa0: {  	[spmem:s3] =	stream.indirect.scatter.add.f32 [tilespmem:s20], [sflag:$0x7], $0x80, s22, s10, $0xb8;
	[tilespmem:$0x1C080] =	vst v63  }
0xa1: {  	_ =	swait.ge [sflag:s12], $0x3400  }
0xa2: {  	[sflag:s12] =	ssyncset.done $0x0  }
0xa3: {  	[sflag:s12] =	ssyncadd.s32 $0xFFFFCC00  }
0xa4: {  	_ =	swait.ge [sflag:s12], $0x3400  }
0xa5: {  	[sflag:s12] =	ssyncset.done $0x0  }
0xa6: {  	s22 =	rddreg [dreg:$0x11];
	[sflag:s12] =	ssyncadd.s32 $0xFFFFCC00  }
0xa7: {  	[tilespmem:s9], [sflag:$0x2] =	stream.linear.gather [hbm4b:s22+s2], $0x6800, $0x38;
	[tilespmem:$0x1C080] =	vst v63  }
0xa8: {  	_ =	swait.ge [sflag:s25], $0x6800  }
0xa9: {  	s1 =	sld [smem:$0x7F1]  }
0xaa: {  	[sflag:s25] =	ssyncset.done $0x0  }
0xab: {  	s22 =	sld [smem:$0x7F2];
	[sflag:s25] =	ssyncadd.s32 $0xFFFF9800  }
0xac: {  	[spmem:s3] =	stream.indirect.scatter.add.f32 [tilespmem:s19], [sflag:$0x8], $0x80, s1, s10, $0xb8;
	[tilespmem:$0x1C080] =	vst v63  }
0xad: {  	_ = 	snop  }
0xae: {  	[spmem:s3] =	stream.indirect.scatter.add.f32 [tilespmem:s26], [sflag:$0x8], $0x80, s22, s10, $0xb8;
	[tilespmem:$0x1C080] =	vst v63  }
0xaf: {  	_ =	swait.ge [sflag:s13], $0x3400  }
0xb0: {  	[sflag:s13] =	ssyncset.done $0x0  }
0xb1: {  	[sflag:s13] =	ssyncadd.s32 $0xFFFFCC00  }
0xb2: {  	_ =	swait.ge [sflag:s13], $0x3400  }
0xb3: {  	[sflag:s13] =	ssyncset.done $0x0  }
0xb4: {  	s22 =	rddreg [dreg:$0x12];
	[sflag:s13] =	ssyncadd.s32 $0xFFFFCC00  }
0xb5: {  	[tilespmem:s7], [sflag:$0x3] =	stream.linear.gather [hbm4b:s22+s2], $0x6800, $0x38;
	[tilespmem:$0x1C080] =	vst v63  }
0xb6: {  	_ =	swait.ge [sflag:s14], $0x6800  }
0xb7: {  	s1 =	sld [smem:$0x7F3]  }
0xb8: {  	[sflag:s14] =	ssyncset.done $0x0  }
0xb9: {  	s22 =	sld [smem:$0x7F4];
	[sflag:s14] =	ssyncadd.s32 $0xFFFF9800  }
0xba: {  	[spmem:s3] =	stream.indirect.scatter.add.f32 [tilespmem:s5], [sflag:$0x5], $0x80, s1, s10, $0xb8;
	[tilespmem:$0x1C080] =	vst v63  }
0xbb: {  	_ = 	snop  }
0xbc: {  	[spmem:s3] =	stream.indirect.scatter.add.f32 [tilespmem:s16], [sflag:$0x5], $0x80, s22, s10, $0xb8;
	[tilespmem:$0x1C080] =	vst v63  }
0xbd: {  	_ =	swait.ge [sflag:s21], $0x3400  }
0xbe: {  	[sflag:s21] =	ssyncset.done $0x0  }
0xbf: {  	[sflag:s21] =	ssyncadd.s32 $0xFFFFCC00  }
0xc0: {  	_ =	swait.ge [sflag:s21], $0x3400  }
0xc1: {  	[sflag:s21] =	ssyncset.done $0x0  }
0xc2: {  	s22 =	rddreg [dreg:$0x13];
	[sflag:s21] =	ssyncadd.s32 $0xFFFFCC00  }
0xc3: {  	[tilespmem:s19], [sflag:$0x4] =	stream.linear.gather [hbm4b:s22+s2], $0x6800, $0x38;
	[tilespmem:$0x1C080] =	vst v63  }
0xc4: {  	_ =	swait.ge [sflag:s15], $0x6800  }
0xc5: {  	s1 =	sld [smem:$0x7F5]  }
0xc6: {  	[sflag:s15] =	ssyncset.done $0x0  }
0xc7: {  	s22 =	sld [smem:$0x7F6];
	[sflag:s15] =	ssyncadd.s32 $0xFFFF9800  }
0xc8: {  	[spmem:s3] =	stream.indirect.scatter.add.f32 [tilespmem:s9], [sflag:$0x6], $0x80, s1, s10, $0xb8;
	[tilespmem:$0x1C080] =	vst v63  }
0xc9: {  	_ = 	snop  }
0xca: {  	[spmem:s3] =	stream.indirect.scatter.add.f32 [tilespmem:s17], [sflag:$0x6], $0x80, s22, s10, $0xb8;
	[tilespmem:$0x1C080] =	vst v63  }
0xcb: {  	_ =	swait.ge [sflag:s11], $0x3400  }
0xcc: {  	[sflag:s11] =	ssyncset.done $0x0  }
0xcd: {  	[sflag:s11] =	ssyncadd.s32 $0xFFFFCC00  }
0xce: {  	_ =	swait.ge [sflag:s11], $0x3400  }
0xcf: {  	[sflag:s11] =	ssyncset.done $0x0  }
0xd0: {  	s22 =	rddreg [dreg:$0x14];
	[sflag:s11] =	ssyncadd.s32 $0xFFFFCC00  }
0xd1: {  	[tilespmem:s5], [sflag:$0x1] =	stream.linear.gather [hbm4b:s22+s2], $0x6800, $0x38;
	[tilespmem:$0x1C080] =	vst v63  }
0xd2: {  	_ =	swait.ge [sflag:s18], $0x6800  }
0xd3: {  	s1 =	sld [smem:$0x7F7]  }
0xd4: {  	[sflag:s18] =	ssyncset.done $0x0  }
0xd5: {  	s22 =	sld [smem:$0x7F8];
	[sflag:s18] =	ssyncadd.s32 $0xFFFF9800  }
0xd6: {  	[spmem:s3] =	stream.indirect.scatter.add.f32 [tilespmem:s7], [sflag:$0x7], $0x80, s1, s10, $0xb8;
	[tilespmem:$0x1C080] =	vst v63  }
0xd7: {  	_ = 	snop  }
0xd8: {  	[spmem:s3] =	stream.indirect.scatter.add.f32 [tilespmem:s20], [sflag:$0x7], $0x80, s22, s10, $0xb8;
	[tilespmem:$0x1C080] =	vst v63  }
0xd9: {  	_ =	swait.ge [sflag:s12], $0x3400  }
0xda: {  	[sflag:s12] =	ssyncset.done $0x0  }
0xdb: {  	[sflag:s12] =	ssyncadd.s32 $0xFFFFCC00  }
0xdc: {  	_ =	swait.ge [sflag:s12], $0x3400  }
0xdd: {  	[sflag:s12] =	ssyncset.done $0x0  }
0xde: {  	s22 =	rddreg [dreg:$0x15];
	[sflag:s12] =	ssyncadd.s32 $0xFFFFCC00  }
0xdf: {  	[tilespmem:s9], [sflag:$0x2] =	stream.linear.gather [hbm4b:s22+s2], $0x6800, $0x38;
	[tilespmem:$0x1C080] =	vst v63  }
0xe0: {  	_ =	swait.ge [sflag:s25], $0x6800  }
0xe1: {  	s1 =	sld [smem:$0x7F9]  }
0xe2: {  	[sflag:s25] =	ssyncset.done $0x0  }
0xe3: {  	s22 =	sld [smem:$0x7FA];
	[sflag:s25] =	ssyncadd.s32 $0xFFFF9800  }
0xe4: {  	[spmem:s3] =	stream.indirect.scatter.add.f32 [tilespmem:s19], [sflag:$0x8], $0x80, s1, s10, $0xb8;
	[tilespmem:$0x1C080] =	vst v63  }
0xe5: {  	_ = 	snop  }
0xe6: {  	[spmem:s3] =	stream.indirect.scatter.add.f32 [tilespmem:s26], [sflag:$0x8], $0x80, s22, s10, $0xb8;
	[tilespmem:$0x1C080] =	vst v63  }
0xe7: {  	_ =	swait.ge [sflag:s13], $0x3400  }
0xe8: {  	[sflag:s13] =	ssyncset.done $0x0  }
0xe9: {  	[sflag:s13] =	ssyncadd.s32 $0xFFFFCC00  }
0xea: {  	_ =	swait.ge [sflag:s13], $0x3400  }
0xeb: {  	[sflag:s13] =	ssyncset.done $0x0  }
0xec: {  	s22 =	rddreg [dreg:$0x16];
	[sflag:s13] =	ssyncadd.s32 $0xFFFFCC00  }
0xed: {  	[tilespmem:s7], [sflag:$0x3] =	stream.linear.gather [hbm4b:s22+s2], $0x6800, $0x38;
	[tilespmem:$0x1C080] =	vst v63  }
0xee: {  	_ =	swait.ge [sflag:s14], $0x6800  }
0xef: {  	s1 =	sld [smem:$0x7FB]  }
0xf0: {  	[sflag:s14] =	ssyncset.done $0x0  }
0xf1: {  	s22 =	sld [smem:$0x7FC];
	[sflag:s14] =	ssyncadd.s32 $0xFFFF9800  }
0xf2: {  	[spmem:s3] =	stream.indirect.scatter.add.f32 [tilespmem:s5], [sflag:$0x5], $0x80, s1, s10, $0xb8;
	[tilespmem:$0x1C080] =	vst v63  }
0xf3: {  	_ = 	snop  }
0xf4: {  	[spmem:s3] =	stream.indirect.scatter.add.f32 [tilespmem:s16], [sflag:$0x5], $0x80, s22, s10, $0xb8;
	[tilespmem:$0x1C080] =	vst v63  }
0xf5: {  	_ =	swait.ge [sflag:s15], $0x6800  }
0xf6: {  	s22 =	sld [smem:$0x7FD]  }
0xf7: {  	[sflag:s15] =	ssyncset.done $0x0  }
0xf8: {  	[sflag:s15] =	ssyncadd.s32 $0xFFFF9800  }
0xf9: {  	[spmem:s3] =	stream.indirect.scatter.add.f32 [tilespmem:s9], [sflag:$0x6], $0x80, s22, s10, $0xb8;
	[tilespmem:$0x1C080] =	vst v63  }
0xfa: {  	_ = 	snop  }
0xfb: {  	[spmem:s3] =	stream.indirect.scatter.add.f32 [tilespmem:s17], [sflag:$0x6], $0x80, s23, s10, $0xb8;
	[tilespmem:$0x1C080] =	vst v63  }
0xfc: {  	_ =	swait.ge [sflag:s18], $0x6800  }
0xfd: {  	[sflag:s18] =	ssyncset.done $0x0  }
0xfe: {  	[sflag:s18] =	ssyncadd.s32 $0xFFFF9800  }
0xff: {  	[spmem:s3] =	stream.indirect.scatter.add.f32 [tilespmem:s7], [sflag:$0x7], $0x80, s24, s10, $0xb8;
	[tilespmem:$0x1C080] =	vst v63  }
0x100: {  	_ = 	snop  }
0x101: {  	[spmem:s3] =	stream.indirect.scatter.add.f32 [tilespmem:s20], [sflag:$0x7], $0x80, s31, s10, $0xb8;
	[tilespmem:$0x1C080] =	vst v63  }
0x102: {  	_ =	swait.ge [sflag:s21], $0x3400  }
0x103: {  	[sflag:s21] =	ssyncset.done $0x0  }
0x104: {  	[sflag:s21] =	ssyncadd.s32 $0xFFFFCC00  }
0x105: {  	_ =	swait.ge [sflag:s21], $0x3400  }
0x106: {  	[sflag:s21] =	ssyncset.done $0x0  }
0x107: {  	[sflag:s21] =	ssyncadd.s32 $0xFFFFCC00  }
0x108: {  	_ =	swait.ge [sflag:s11], $0x3400  }
0x109: {  	[sflag:s11] =	ssyncset.done $0x0  }
0x10a: {  	[sflag:s11] =	ssyncadd.s32 $0xFFFFCC00  }
0x10b: {  	_ =	swait.ge [sflag:s11], $0x3400  }
0x10c: {  	[sflag:s11] =	ssyncset.done $0x0  }
0x10d: {  	[sflag:s11] =	ssyncadd.s32 $0xFFFFCC00  }
0x10e: {  	_ =	swait.ge [sflag:s12], $0x3400  }
0x10f: {  	[sflag:s12] =	ssyncset.done $0x0  }
0x110: {  	[sflag:s12] =	ssyncadd.s32 $0xFFFFCC00  }
0x111: {  	_ =	swait.ge [sflag:s12], $0x3400  }
0x112: {  	[sflag:s12] =	ssyncset.done $0x0  }
0x113: {  	[sflag:s12] =	ssyncadd.s32 $0xFFFFCC00  }
0x114: {  	_ =	swait.ge [sflag:s13], $0x3400  }
0x115: {  	[sflag:s13] =	ssyncset.done $0x0  }
0x116: {  	[sflag:s13] =	ssyncadd.s32 $0xFFFFCC00  }
0x117: {  	_ =	swait.ge [sflag:s13], $0x3400  }
0x118: {  	[sflag:s13] =	ssyncset.done $0x0  }
0x119: {  	s31 =	simm.s32 @!p0 $0x1080;
	s1 =	rddreg [dreg:$0x17];
	[sflag:s13] =	ssyncadd.s32 $0xFFFFCC00  }
0x11a: {  	[tilespmem:s31], [sflag:$0x9] =	stream.linear.gather @!p0 [hbm4b:s1+s29], $0x2800, $0x38;
	[tilespmem:$0x1C080] =	vst v63  }
0x11b: {  	_ =	swait.ge @!p0 [sflag:s28], $0x2800  }
0x11c: {  	[sflag:s28] =	ssyncset.done @!p0 $0x0  }
0x11d: {  	s1 =	simm.s32 @!p0 $0x50;
	[sflag:s28] =	ssyncadd.s32 @!p0 $0xFFFFD800  }
0x11e: {  	[spmem:s3] =	stream.indirect.scatter.add.f32 @!p0 [tilespmem:s31], [sflag:$0x9], $0x80, s30, s1, $0xb8;
	[tilespmem:$0x1C080] =	vst v63  }
0x11f: {  	_ =	swait.ge @!p0 [sflag:s28], $0x2800  }
0x120: {  	[sflag:s28] =	ssyncset.done @!p0 $0x0  }
0x121: {  	[sflag:s28] =	ssyncadd.s32 @!p0 $0xFFFFD800  }
0x122: {  	s0 =	sadd.s32 $0xFFFFFFFF, s0;
	[bflag:$0x0] =	sbarrier.arrive $0xFFFF  }
0x123: {  	[tilespmem:s5], [sflag:$0x9] =	stream.linear.gather [spmem:s4], $0x1000, $0x38;
	[tilespmem:$0x1C080] =	vst v63  }
0x124: {  	p2 =	sne.s32 s0, $0x0;
	_ =	swait.ge [sflag:s6], $0x1000  }
.Ltmp1:
0x125: {  	[sflag:s6] =	ssyncset.done $0x0;
	(pc) =	sbr.rel @!p2 .LBB2_3-.Ltmp1, $4  }
0x126: {  	[sflag:s6] =	ssyncadd.s32 $0xFFFFF000  }
0x127: {  	[hbm4b:s8+s2] =	stream.linear.scatter [tilespmem:s5], [sflag:$0x9], $0x1000, $0x38;
	[tilespmem:$0x1C080] =	vst v63  }
0x128: {  	p1 =	por $0x1, $0x1;
	_ =	swait.ge [sflag:s6], $0x1000  }
0x129: {  	s24 =	simm.s32 $0xE80;
	s22 =	rddreg [dreg:$0x5];
	[sflag:s6] =	ssyncset.done $0x0  }
.LBB2_4:
0x12a: {  	[sflag:s6] =	ssyncadd.s32 $0xFFFFF000  }
0x12b: {  	[tilespmem:s5], [sflag:$0x1] =	stream.linear.gather [hbm4b:s22+s2], $0x6800, $0x38;
	[tilespmem:$0x1C080] =	vst v63  }
0x12c: {  	s23 =	rddreg [dreg:$0x6]  }
0x12d: {  	[tilespmem:s9], [sflag:$0x2] =	stream.linear.gather [hbm4b:s23+s2], $0x6800, $0x38;
	[tilespmem:$0x1C080] =	vst v63  }
0x12e: {  	s22 =	rddreg [dreg:$0x7]  }
0x12f: {  	[tilespmem:s7], [sflag:$0x3] =	stream.linear.gather [hbm4b:s22+s2], $0x6800, $0x38;
	[tilespmem:$0x1C080] =	vst v63  }
0x130: {  	s23 =	rddreg [dreg:$0x8]  }
0x131: {  	[tilespmem:s19], [sflag:$0x9] =	stream.linear.gather [hbm4b:s23+s2], $0x1000, $0x38;
	[tilespmem:$0x1C080] =	vst v63  }
0x132: {  	_ =	swait.ge [sflag:s6], $0x1000  }
0x133: {  	[sflag:s6] =	ssyncset.done $0x0  }
0x134: {  	[sflag:s6] =	ssyncadd.s32 $0xFFFFF000  }
0x135: {  	[spmem:s4] =	stream.linear.scatter [tilespmem:s19], [sflag:$0x9], $0x1000, $0x38;
	[tilespmem:$0x1C080] =	vst v63  }
0x136: {  	_ =	swait.ge [sflag:s6], $0x1000  }
0x137: {  	[sflag:s6] =	ssyncset.done $0x0  }
0x138: {  	s23 =	rddreg [dreg:$0x9];
	[sflag:s6] =	ssyncadd.s32 $0xFFFFF000  }
0x139: {  	[tilespmem:s2], [sflag:$0x9] =	stream.linear.gather [hbm4b:s23+s2], $0xF00, $0x38;
	[tilespmem:$0x1C080] =	vst v63  }
0x13a: {  	_ =	swait.ge [sflag:s6], $0xF00  }
0x13b: {  	[sflag:s6] =	ssyncset.done $0x0  }
0x13c: {  	s22 =	rddreg [dreg:$0xa];
	[sflag:s6] =	ssyncadd.s32 $0xFFFFF100  }
0x13d: {  	[tilespmem:s30], [sflag:$0x9] =	stream.linear.gather @!p0 [hbm4b:s22+s29], $0x80, $0x38;
	[tilespmem:$0x1C080] =	vst v63  }
0x13e: {  	_ =	swait.ge @!p0 [sflag:s28], $0x80  }
0x13f: {  	[sflag:s28] =	ssyncset.done @!p0 $0x0  }
0x140: {  	[sflag:s28] =	ssyncadd.s32 @!p0 $0xFFFFFF80  }
0x141: {  	[bflag:$0x0] =	sbarrier.arrive $0xFFFF  }
0x142: {  	_ =	swait.ge [sflag:s14], $0x6800  }
0x143: {  	[sflag:s14] =	ssyncset.done $0x0  }
0x144: {  	[sflag:s14] =	ssyncadd.s32 $0xFFFF9800  }
0x145: {  	[spmem:s3] =	stream.indirect.scatter.add.f32 [tilespmem:s5], [sflag:$0x5], $0x80, s2, s10, $0xb8;
	[tilespmem:$0x1C080] =	vst v63  }
0x146: {  	s22 =	rddreg [dreg:$0x18]  }
0x147: {  	[spmem:s3] =	stream.indirect.scatter.add.f32 [tilespmem:s16], [sflag:$0x5], $0x80, s22, s10, $0xb8;
	[tilespmem:$0x1C080] =	vst v63  }
0x148: {  	s23 =	rddreg [dreg:$0xb]  }
0x149: {  	[tilespmem:s19], [sflag:$0x4] =	stream.linear.gather [hbm4b:s23+s2], $0x6800, $0x38;
	[tilespmem:$0x1C080] =	vst v63  }
0x14a: {  	_ =	swait.ge [sflag:s15], $0x6800  }
0x14b: {  	[sflag:s15] =	ssyncset.done $0x0  }
0x14c: {  	s22 =	rddreg [dreg:$0x19];
	[sflag:s15] =	ssyncadd.s32 $0xFFFF9800  }
0x14d: {  	[spmem:s3] =	stream.indirect.scatter.add.f32 [tilespmem:s9], [sflag:$0x6], $0x80, s22, s10, $0xb8;
	[tilespmem:$0x1C080] =	vst v63  }
0x14e: {  	s23 =	rddreg [dreg:$0x1a]  }
0x14f: {  	[spmem:s3] =	stream.indirect.scatter.add.f32 [tilespmem:s17], [sflag:$0x6], $0x80, s23, s10, $0xb8;
	[tilespmem:$0x1C080] =	vst v63  }
0x150: {  	_ =	swait.ge [sflag:s11], $0x3400  }
0x151: {  	[sflag:s11] =	ssyncset.done $0x0  }
0x152: {  	[sflag:s11] =	ssyncadd.s32 $0xFFFFCC00  }
0x153: {  	_ =	swait.ge [sflag:s11], $0x3400  }
0x154: {  	[sflag:s11] =	ssyncset.done $0x0  }
0x155: {  	s23 =	rddreg [dreg:$0xc];
	[sflag:s11] =	ssyncadd.s32 $0xFFFFCC00  }
0x156: {  	[tilespmem:s5], [sflag:$0x1] =	stream.linear.gather [hbm4b:s23+s2], $0x6800, $0x38;
	[tilespmem:$0x1C080] =	vst v63  }
0x157: {  	_ =	swait.ge [sflag:s18], $0x6800  }
0x158: {  	[sflag:s18] =	ssyncset.done $0x0  }
0x159: {  	s22 =	rddreg [dreg:$0x1b];
	[sflag:s18] =	ssyncadd.s32 $0xFFFF9800  }
0x15a: {  	[spmem:s3] =	stream.indirect.scatter.add.f32 [tilespmem:s7], [sflag:$0x7], $0x80, s22, s10, $0xb8;
	[tilespmem:$0x1C080] =	vst v63  }
0x15b: {  	s23 =	rddreg [dreg:$0x1c]  }
0x15c: {  	[spmem:s3] =	stream.indirect.scatter.add.f32 [tilespmem:s20], [sflag:$0x7], $0x80, s23, s10, $0xb8;
	[tilespmem:$0x1C080] =	vst v63  }
0x15d: {  	_ =	swait.ge [sflag:s12], $0x3400  }
0x15e: {  	[sflag:s12] =	ssyncset.done $0x0  }
0x15f: {  	[sflag:s12] =	ssyncadd.s32 $0xFFFFCC00  }
0x160: {  	_ =	swait.ge [sflag:s12], $0x3400  }
0x161: {  	[sflag:s12] =	ssyncset.done $0x0  }
0x162: {  	s23 =	rddreg [dreg:$0xd];
	[sflag:s12] =	ssyncadd.s32 $0xFFFFCC00  }
0x163: {  	[tilespmem:s9], [sflag:$0x2] =	stream.linear.gather [hbm4b:s23+s2], $0x6800, $0x38;
	[tilespmem:$0x1C080] =	vst v63  }
0x164: {  	_ =	swait.ge [sflag:s25], $0x6800  }
0x165: {  	[sflag:s25] =	ssyncset.done $0x0  }
0x166: {  	s22 =	rddreg [dreg:$0x1d];
	[sflag:s25] =	ssyncadd.s32 $0xFFFF9800  }
0x167: {  	[spmem:s3] =	stream.indirect.scatter.add.f32 [tilespmem:s19], [sflag:$0x8], $0x80, s22, s10, $0xb8;
	[tilespmem:$0x1C080] =	vst v63  }
0x168: {  	s23 =	rddreg [dreg:$0x1e]  }
0x169: {  	[spmem:s3] =	stream.indirect.scatter.add.f32 [tilespmem:s26], [sflag:$0x8], $0x80, s23, s10, $0xb8;
	[tilespmem:$0x1C080] =	vst v63  }
0x16a: {  	_ =	swait.ge [sflag:s13], $0x3400  }
0x16b: {  	[sflag:s13] =	ssyncset.done $0x0  }
0x16c: {  	[sflag:s13] =	ssyncadd.s32 $0xFFFFCC00  }
0x16d: {  	_ =	swait.ge [sflag:s13], $0x3400  }
0x16e: {  	[sflag:s13] =	ssyncset.done $0x0  }
0x16f: {  	s23 =	rddreg [dreg:$0xe];
	[sflag:s13] =	ssyncadd.s32 $0xFFFFCC00  }
0x170: {  	[tilespmem:s7], [sflag:$0x3] =	stream.linear.gather [hbm4b:s23+s2], $0x6800, $0x38;
	[tilespmem:$0x1C080] =	vst v63  }
0x171: {  	_ =	swait.ge [sflag:s14], $0x6800  }
0x172: {  	s22 =	rddreg [dreg:$0x1f];
	[sflag:s14] =	ssyncset.done $0x0  }
0x173: {  	s23 =	sld [smem:$0x7EC];
	[sflag:s14] =	ssyncadd.s32 $0xFFFF9800  }
0x174: {  	[spmem:s3] =	stream.indirect.scatter.add.f32 [tilespmem:s5], [sflag:$0x5], $0x80, s22, s10, $0xb8;
	[tilespmem:$0x1C080] =	vst v63  }
0x175: {  	_ = 	snop  }
0x176: {  	[spmem:s3] =	stream.indirect.scatter.add.f32 [tilespmem:s16], [sflag:$0x5], $0x80, s23, s10, $0xb8;
	[tilespmem:$0x1C080] =	vst v63  }
0x177: {  	_ =	swait.ge [sflag:s21], $0x3400  }
0x178: {  	[sflag:s21] =	ssyncset.done $0x0  }
0x179: {  	[sflag:s21] =	ssyncadd.s32 $0xFFFFCC00  }
0x17a: {  	_ =	swait.ge [sflag:s21], $0x3400  }
0x17b: {  	[sflag:s21] =	ssyncset.done $0x0  }
0x17c: {  	s23 =	rddreg [dreg:$0xf];
	[sflag:s21] =	ssyncadd.s32 $0xFFFFCC00  }
0x17d: {  	[tilespmem:s19], [sflag:$0x4] =	stream.linear.gather [hbm4b:s23+s2], $0x6800, $0x38;
	[tilespmem:$0x1C080] =	vst v63  }
0x17e: {  	_ =	swait.ge [sflag:s15], $0x6800  }
0x17f: {  	s22 =	sld [smem:$0x7ED]  }
0x180: {  	[sflag:s15] =	ssyncset.done $0x0  }
0x181: {  	s23 =	sld [smem:$0x7EE];
	[sflag:s15] =	ssyncadd.s32 $0xFFFF9800  }
0x182: {  	[spmem:s3] =	stream.indirect.scatter.add.f32 [tilespmem:s9], [sflag:$0x6], $0x80, s22, s10, $0xb8;
	[tilespmem:$0x1C080] =	vst v63  }
0x183: {  	_ = 	snop  }
0x184: {  	[spmem:s3] =	stream.indirect.scatter.add.f32 [tilespmem:s17], [sflag:$0x6], $0x80, s23, s10, $0xb8;
	[tilespmem:$0x1C080] =	vst v63  }
0x185: {  	_ =	swait.ge [sflag:s11], $0x3400  }
0x186: {  	[sflag:s11] =	ssyncset.done $0x0  }
0x187: {  	[sflag:s11] =	ssyncadd.s32 $0xFFFFCC00  }
0x188: {  	_ =	swait.ge [sflag:s11], $0x3400  }
0x189: {  	[sflag:s11] =	ssyncset.done $0x0  }
0x18a: {  	s23 =	rddreg [dreg:$0x10];
	[sflag:s11] =	ssyncadd.s32 $0xFFFFCC00  }
0x18b: {  	[tilespmem:s5], [sflag:$0x1] =	stream.linear.gather [hbm4b:s23+s2], $0x6800, $0x38;
	[tilespmem:$0x1C080] =	vst v63  }
0x18c: {  	_ =	swait.ge [sflag:s18], $0x6800  }
0x18d: {  	s22 =	sld [smem:$0x7EF]  }
0x18e: {  	[sflag:s18] =	ssyncset.done $0x0  }
0x18f: {  	s23 =	sld [smem:$0x7F0];
	[sflag:s18] =	ssyncadd.s32 $0xFFFF9800  }
0x190: {  	[spmem:s3] =	stream.indirect.scatter.add.f32 [tilespmem:s7], [sflag:$0x7], $0x80, s22, s10, $0xb8;
	[tilespmem:$0x1C080] =	vst v63  }
0x191: {  	_ = 	snop  }
0x192: {  	[spmem:s3] =	stream.indirect.scatter.add.f32 [tilespmem:s20], [sflag:$0x7], $0x80, s23, s10, $0xb8;
	[tilespmem:$0x1C080] =	vst v63  }
0x193: {  	_ =	swait.ge [sflag:s12], $0x3400  }
0x194: {  	[sflag:s12] =	ssyncset.done $0x0  }
0x195: {  	[sflag:s12] =	ssyncadd.s32 $0xFFFFCC00  }
0x196: {  	_ =	swait.ge [sflag:s12], $0x3400  }
0x197: {  	[sflag:s12] =	ssyncset.done $0x0  }
0x198: {  	s23 =	rddreg [dreg:$0x11];
	[sflag:s12] =	ssyncadd.s32 $0xFFFFCC00  }
0x199: {  	[tilespmem:s9], [sflag:$0x2] =	stream.linear.gather [hbm4b:s23+s2], $0x6800, $0x38;
	[tilespmem:$0x1C080] =	vst v63  }
0x19a: {  	_ =	swait.ge [sflag:s25], $0x6800  }
0x19b: {  	s22 =	sld [smem:$0x7F1]  }
0x19c: {  	[sflag:s25] =	ssyncset.done $0x0  }
0x19d: {  	s23 =	sld [smem:$0x7F2];
	[sflag:s25] =	ssyncadd.s32 $0xFFFF9800  }
0x19e: {  	[spmem:s3] =	stream.indirect.scatter.add.f32 [tilespmem:s19], [sflag:$0x8], $0x80, s22, s10, $0xb8;
	[tilespmem:$0x1C080] =	vst v63  }
0x19f: {  	_ = 	snop  }
0x1a0: {  	[spmem:s3] =	stream.indirect.scatter.add.f32 [tilespmem:s26], [sflag:$0x8], $0x80, s23, s10, $0xb8;
	[tilespmem:$0x1C080] =	vst v63  }
0x1a1: {  	_ =	swait.ge [sflag:s13], $0x3400  }
0x1a2: {  	[sflag:s13] =	ssyncset.done $0x0  }
0x1a3: {  	[sflag:s13] =	ssyncadd.s32 $0xFFFFCC00  }
0x1a4: {  	_ =	swait.ge [sflag:s13], $0x3400  }
0x1a5: {  	[sflag:s13] =	ssyncset.done $0x0  }
0x1a6: {  	s23 =	rddreg [dreg:$0x12];
	[sflag:s13] =	ssyncadd.s32 $0xFFFFCC00  }
0x1a7: {  	[tilespmem:s7], [sflag:$0x3] =	stream.linear.gather [hbm4b:s23+s2], $0x6800, $0x38;
	[tilespmem:$0x1C080] =	vst v63  }
0x1a8: {  	_ =	swait.ge [sflag:s14], $0x6800  }
0x1a9: {  	s22 =	sld [smem:$0x7F3]  }
0x1aa: {  	[sflag:s14] =	ssyncset.done $0x0  }
0x1ab: {  	s23 =	sld [smem:$0x7F4];
	[sflag:s14] =	ssyncadd.s32 $0xFFFF9800  }
0x1ac: {  	[spmem:s3] =	stream.indirect.scatter.add.f32 [tilespmem:s5], [sflag:$0x5], $0x80, s22, s10, $0xb8;
	[tilespmem:$0x1C080] =	vst v63  }
0x1ad: {  	_ = 	snop  }
0x1ae: {  	[spmem:s3] =	stream.indirect.scatter.add.f32 [tilespmem:s16], [sflag:$0x5], $0x80, s23, s10, $0xb8;
	[tilespmem:$0x1C080] =	vst v63  }
0x1af: {  	_ =	swait.ge [sflag:s21], $0x3400  }
0x1b0: {  	[sflag:s21] =	ssyncset.done $0x0  }
0x1b1: {  	[sflag:s21] =	ssyncadd.s32 $0xFFFFCC00  }
0x1b2: {  	_ =	swait.ge [sflag:s21], $0x3400  }
0x1b3: {  	[sflag:s21] =	ssyncset.done $0x0  }
0x1b4: {  	s23 =	rddreg [dreg:$0x13];
	[sflag:s21] =	ssyncadd.s32 $0xFFFFCC00  }
0x1b5: {  	[tilespmem:s19], [sflag:$0x4] =	stream.linear.gather [hbm4b:s23+s2], $0x6800, $0x38;
	[tilespmem:$0x1C080] =	vst v63  }
0x1b6: {  	_ =	swait.ge [sflag:s15], $0x6800  }
0x1b7: {  	s22 =	sld [smem:$0x7F5]  }
0x1b8: {  	[sflag:s15] =	ssyncset.done $0x0  }
0x1b9: {  	s23 =	sld [smem:$0x7F6];
	[sflag:s15] =	ssyncadd.s32 $0xFFFF9800  }
0x1ba: {  	[spmem:s3] =	stream.indirect.scatter.add.f32 [tilespmem:s9], [sflag:$0x6], $0x80, s22, s10, $0xb8;
	[tilespmem:$0x1C080] =	vst v63  }
0x1bb: {  	_ = 	snop  }
0x1bc: {  	[spmem:s3] =	stream.indirect.scatter.add.f32 [tilespmem:s17], [sflag:$0x6], $0x80, s23, s10, $0xb8;
	[tilespmem:$0x1C080] =	vst v63  }
0x1bd: {  	_ =	swait.ge [sflag:s11], $0x3400  }
0x1be: {  	[sflag:s11] =	ssyncset.done $0x0  }
0x1bf: {  	[sflag:s11] =	ssyncadd.s32 $0xFFFFCC00  }
0x1c0: {  	_ =	swait.ge [sflag:s11], $0x3400  }
0x1c1: {  	[sflag:s11] =	ssyncset.done $0x0  }
0x1c2: {  	s23 =	rddreg [dreg:$0x14];
	[sflag:s11] =	ssyncadd.s32 $0xFFFFCC00  }
0x1c3: {  	[tilespmem:s5], [sflag:$0x1] =	stream.linear.gather [hbm4b:s23+s2], $0x6800, $0x38;
	[tilespmem:$0x1C080] =	vst v63  }
0x1c4: {  	_ =	swait.ge [sflag:s18], $0x6800  }
0x1c5: {  	s22 =	sld [smem:$0x7F7]  }
0x1c6: {  	[sflag:s18] =	ssyncset.done $0x0  }
0x1c7: {  	s23 =	sld [smem:$0x7F8];
	[sflag:s18] =	ssyncadd.s32 $0xFFFF9800  }
0x1c8: {  	[spmem:s3] =	stream.indirect.scatter.add.f32 [tilespmem:s7], [sflag:$0x7], $0x80, s22, s10, $0xb8;
	[tilespmem:$0x1C080] =	vst v63  }
0x1c9: {  	_ = 	snop  }
0x1ca: {  	[spmem:s3] =	stream.indirect.scatter.add.f32 [tilespmem:s20], [sflag:$0x7], $0x80, s23, s10, $0xb8;
	[tilespmem:$0x1C080] =	vst v63  }
0x1cb: {  	_ =	swait.ge [sflag:s12], $0x3400  }
0x1cc: {  	[sflag:s12] =	ssyncset.done $0x0  }
0x1cd: {  	[sflag:s12] =	ssyncadd.s32 $0xFFFFCC00  }
0x1ce: {  	_ =	swait.ge [sflag:s12], $0x3400  }
0x1cf: {  	[sflag:s12] =	ssyncset.done $0x0  }
0x1d0: {  	s23 =	rddreg [dreg:$0x15];
	[sflag:s12] =	ssyncadd.s32 $0xFFFFCC00  }
0x1d1: {  	[tilespmem:s9], [sflag:$0x2] =	stream.linear.gather [hbm4b:s23+s2], $0x6800, $0x38;
	[tilespmem:$0x1C080] =	vst v63  }
0x1d2: {  	_ =	swait.ge [sflag:s25], $0x6800  }
0x1d3: {  	s22 =	sld [smem:$0x7F9]  }
0x1d4: {  	[sflag:s25] =	ssyncset.done $0x0  }
0x1d5: {  	s23 =	sld [smem:$0x7FA];
	[sflag:s25] =	ssyncadd.s32 $0xFFFF9800  }
0x1d6: {  	[spmem:s3] =	stream.indirect.scatter.add.f32 [tilespmem:s19], [sflag:$0x8], $0x80, s22, s10, $0xb8;
	[tilespmem:$0x1C080] =	vst v63  }
0x1d7: {  	_ = 	snop  }
0x1d8: {  	[spmem:s3] =	stream.indirect.scatter.add.f32 [tilespmem:s26], [sflag:$0x8], $0x80, s23, s10, $0xb8;
	[tilespmem:$0x1C080] =	vst v63  }
0x1d9: {  	_ =	swait.ge [sflag:s13], $0x3400  }
0x1da: {  	[sflag:s13] =	ssyncset.done $0x0  }
0x1db: {  	[sflag:s13] =	ssyncadd.s32 $0xFFFFCC00  }
0x1dc: {  	_ =	swait.ge [sflag:s13], $0x3400  }
0x1dd: {  	[sflag:s13] =	ssyncset.done $0x0  }
0x1de: {  	s23 =	rddreg [dreg:$0x16];
	[sflag:s13] =	ssyncadd.s32 $0xFFFFCC00  }
0x1df: {  	[tilespmem:s7], [sflag:$0x3] =	stream.linear.gather [hbm4b:s23+s2], $0x6800, $0x38;
	[tilespmem:$0x1C080] =	vst v63  }
0x1e0: {  	_ =	swait.ge [sflag:s14], $0x6800  }
0x1e1: {  	s22 =	sld [smem:$0x7FB]  }
0x1e2: {  	[sflag:s14] =	ssyncset.done $0x0  }
0x1e3: {  	s23 =	sld [smem:$0x7FC];
	[sflag:s14] =	ssyncadd.s32 $0xFFFF9800  }
0x1e4: {  	[spmem:s3] =	stream.indirect.scatter.add.f32 [tilespmem:s5], [sflag:$0x5], $0x80, s22, s10, $0xb8;
	[tilespmem:$0x1C080] =	vst v63  }
0x1e5: {  	_ = 	snop  }
0x1e6: {  	[spmem:s3] =	stream.indirect.scatter.add.f32 [tilespmem:s16], [sflag:$0x5], $0x80, s23, s10, $0xb8;
	[tilespmem:$0x1C080] =	vst v63  }
0x1e7: {  	_ =	swait.ge [sflag:s15], $0x6800  }
0x1e8: {  	s22 =	sld [smem:$0x7FD]  }
0x1e9: {  	[sflag:s15] =	ssyncset.done $0x0  }
0x1ea: {  	[sflag:s15] =	ssyncadd.s32 $0xFFFF9800  }
0x1eb: {  	[spmem:s3] =	stream.indirect.scatter.add.f32 [tilespmem:s9], [sflag:$0x6], $0x80, s22, s10, $0xb8;
	[tilespmem:$0x1C080] =	vst v63  }
0x1ec: {  	s23 =	simm.s32 $0xD80  }
0x1ed: {  	[spmem:s3] =	stream.indirect.scatter.add.f32 [tilespmem:s17], [sflag:$0x6], $0x80, s23, s10, $0xb8;
	[tilespmem:$0x1C080] =	vst v63  }
0x1ee: {  	_ =	swait.ge [sflag:s18], $0x6800  }
0x1ef: {  	[sflag:s18] =	ssyncset.done $0x0  }
0x1f0: {  	s23 =	simm.s32 $0xE00;
	[sflag:s18] =	ssyncadd.s32 $0xFFFF9800  }
0x1f1: {  	[spmem:s3] =	stream.indirect.scatter.add.f32 [tilespmem:s7], [sflag:$0x7], $0x80, s23, s10, $0xb8;
	[tilespmem:$0x1C080] =	vst v63  }
0x1f2: {  	_ = 	snop  }
0x1f3: {  	[spmem:s3] =	stream.indirect.scatter.add.f32 [tilespmem:s20], [sflag:$0x7], $0x80, s24, s10, $0xb8;
	[tilespmem:$0x1C080] =	vst v63  }
0x1f4: {  	_ =	swait.ge [sflag:s21], $0x3400  }
0x1f5: {  	[sflag:s21] =	ssyncset.done $0x0  }
0x1f6: {  	[sflag:s21] =	ssyncadd.s32 $0xFFFFCC00  }
0x1f7: {  	_ =	swait.ge [sflag:s21], $0x3400  }
0x1f8: {  	[sflag:s21] =	ssyncset.done $0x0  }
0x1f9: {  	[sflag:s21] =	ssyncadd.s32 $0xFFFFCC00  }
0x1fa: {  	_ =	swait.ge [sflag:s11], $0x3400  }
0x1fb: {  	[sflag:s11] =	ssyncset.done $0x0  }
0x1fc: {  	[sflag:s11] =	ssyncadd.s32 $0xFFFFCC00  }
0x1fd: {  	_ =	swait.ge [sflag:s11], $0x3400  }
0x1fe: {  	[sflag:s11] =	ssyncset.done $0x0  }
0x1ff: {  	[sflag:s11] =	ssyncadd.s32 $0xFFFFCC00  }
0x200: {  	_ =	swait.ge [sflag:s12], $0x3400  }
0x201: {  	[sflag:s12] =	ssyncset.done $0x0  }
0x202: {  	[sflag:s12] =	ssyncadd.s32 $0xFFFFCC00  }
0x203: {  	_ =	swait.ge [sflag:s12], $0x3400  }
0x204: {  	[sflag:s12] =	ssyncset.done $0x0  }
0x205: {  	[sflag:s12] =	ssyncadd.s32 $0xFFFFCC00  }
0x206: {  	_ =	swait.ge [sflag:s13], $0x3400  }
0x207: {  	[sflag:s13] =	ssyncset.done $0x0  }
0x208: {  	[sflag:s13] =	ssyncadd.s32 $0xFFFFCC00  }
0x209: {  	_ =	swait.ge [sflag:s13], $0x3400  }
0x20a: {  	[sflag:s13] =	ssyncset.done $0x0  }
0x20b: {  	s22 =	rddreg [dreg:$0x17];
	[sflag:s13] =	ssyncadd.s32 $0xFFFFCC00  }
0x20c: {  	[tilespmem:s31], [sflag:$0x9] =	stream.linear.gather @!p0 [hbm4b:s22+s29], $0x2800, $0x38;
	[tilespmem:$0x1C080] =	vst v63  }
0x20d: {  	_ =	swait.ge @!p0 [sflag:s28], $0x2800  }
0x20e: {  	[sflag:s28] =	ssyncset.done @!p0 $0x0  }
0x20f: {  	[sflag:s28] =	ssyncadd.s32 @!p0 $0xFFFFD800  }
0x210: {  	[spmem:s3] =	stream.indirect.scatter.add.f32 @!p0 [tilespmem:s31], [sflag:$0x9], $0x80, s30, s1, $0xb8;
	[tilespmem:$0x1C080] =	vst v63  }
0x211: {  	_ =	swait.ge @!p0 [sflag:s28], $0x2800  }
0x212: {  	[sflag:s28] =	ssyncset.done @!p0 $0x0  }
0x213: {  	[sflag:s28] =	ssyncadd.s32 @!p0 $0xFFFFD800  }
0x214: {  	s0 =	sadd.s32 $0xFFFFFFFF, s0;
	[bflag:$0x0] =	sbarrier.arrive $0xFFFF  }
0x215: {  	[tilespmem:s5], [sflag:$0x9] =	stream.linear.gather [spmem:s4], $0x1000, $0x38;
	[tilespmem:$0x1C080] =	vst v63  }
0x216: {  	p2 =	sne.s32 s0, $0x0;
	_ =	swait.ge [sflag:s6], $0x1000  }
.Ltmp2:
0x217: {  	[sflag:s6] =	ssyncset.done $0x0;
	(pc) =	sbr.rel @p2 .LBB2_4-.Ltmp2, $4  }
0x218: {  	[sflag:s6] =	ssyncadd.s32 $0xFFFFF000  }
0x219: {  	[hbm4b:s8+s2] =	stream.linear.scatter [tilespmem:s5], [sflag:$0x9], $0x1000, $0x38;
	[tilespmem:$0x1C080] =	vst v63  }
0x21a: {  	_ =	swait.ge [sflag:s6], $0x1000  }
0x21b: {  	s22 =	rddreg [dreg:$0x5];
	[sflag:s6] =	ssyncset.done $0x0  }
0x21c: {  	s28 =	simm.s32 $0xD80;
	s29 =	stileid.u32  }
0x21d: {  	s30 =	rddreg [dreg:$0x4];
	s24 =	simm.s32 $0xE00;
	s31 =	simm.s32 $0xE80  }
.LBB2_6:
0x21e: {  	[sflag:s6] =	ssyncadd.s32 @p1 $0xFFFFF000  }
0x21f: {  	[tilespmem:s5], [sflag:$0x1] =	stream.linear.gather [hbm4b:s22+s2], $0x6800, $0x38;
	[tilespmem:$0x1C080] =	vst v63  }
0x220: {  	s0 =	rddreg [dreg:$0x6]  }
0x221: {  	[tilespmem:s9], [sflag:$0x2] =	stream.linear.gather [hbm4b:s0+s2], $0x6800, $0x38;
	[tilespmem:$0x1C080] =	vst v63  }
0x222: {  	s1 =	rddreg [dreg:$0x7]  }
0x223: {  	[tilespmem:s7], [sflag:$0x3] =	stream.linear.gather [hbm4b:s1+s2], $0x6800, $0x38;
	[tilespmem:$0x1C080] =	vst v63  }
0x224: {  	s23 =	rddreg [dreg:$0x8]  }
0x225: {  	[tilespmem:s19], [sflag:$0x9] =	stream.linear.gather [hbm4b:s23+s2], $0x1000, $0x38;
	[tilespmem:$0x1C080] =	vst v63  }
0x226: {  	_ =	swait.ge [sflag:s6], $0x1000  }
0x227: {  	[sflag:s6] =	ssyncset.done $0x0  }
0x228: {  	[sflag:s6] =	ssyncadd.s32 $0xFFFFF000  }
0x229: {  	[spmem:s4] =	stream.linear.scatter [tilespmem:s19], [sflag:$0x9], $0x1000, $0x38;
	[tilespmem:$0x1C080] =	vst v63  }
0x22a: {  	_ =	swait.ge [sflag:s6], $0x1000  }
0x22b: {  	[sflag:s6] =	ssyncset.done $0x0  }
0x22c: {  	s22 =	rddreg [dreg:$0x9];
	[sflag:s6] =	ssyncadd.s32 $0xFFFFF000  }
0x22d: {  	[tilespmem:s2], [sflag:$0x9] =	stream.linear.gather [hbm4b:s22+s2], $0xF00, $0x38;
	[tilespmem:$0x1C080] =	vst v63  }
0x22e: {  	_ =	swait.ge [sflag:s6], $0xF00  }
0x22f: {  	s1 =	simm.s32 @!p0 $0x0;
	[sflag:s6] =	ssyncset.done $0x0  }
0x230: {  	s22 =	simm.s32 @!p0 $0x1000;
	s0 =	rddreg [dreg:$0xa];
	[sflag:s6] =	ssyncadd.s32 $0xFFFFF100  }
0x231: {  	[tilespmem:s22], [sflag:$0x9] =	stream.linear.gather @!p0 [hbm4b:s0+s1], $0x80, $0x38;
	[tilespmem:$0x1C080] =	vst v63  }
0x232: {  	s0 =	simm.s32 @!p0 $0x9  }
0x233: {  	_ =	swait.ge @!p0 [sflag:s0], $0x80  }
0x234: {  	[sflag:s0] =	ssyncset.done @!p0 $0x0  }
0x235: {  	[sflag:s0] =	ssyncadd.s32 @!p0 $0xFFFFFF80  }
0x236: {  	[bflag:$0x0] =	sbarrier.arrive $0xFFFF  }
0x237: {  	_ =	swait.ge [sflag:s14], $0x6800  }
0x238: {  	[sflag:s14] =	ssyncset.done $0x0  }
0x239: {  	[sflag:s14] =	ssyncadd.s32 $0xFFFF9800  }
0x23a: {  	[spmem:s3] =	stream.indirect.scatter.add.f32 [tilespmem:s5], [sflag:$0x5], $0x80, s2, s10, $0xb8;
	[tilespmem:$0x1C080] =	vst v63  }
0x23b: {  	s22 =	rddreg [dreg:$0x18]  }
0x23c: {  	[spmem:s3] =	stream.indirect.scatter.add.f32 [tilespmem:s16], [sflag:$0x5], $0x80, s22, s10, $0xb8;
	[tilespmem:$0x1C080] =	vst v63  }
0x23d: {  	s23 =	rddreg [dreg:$0xb]  }
0x23e: {  	[tilespmem:s19], [sflag:$0x4] =	stream.linear.gather [hbm4b:s23+s2], $0x6800, $0x38;
	[tilespmem:$0x1C080] =	vst v63  }
0x23f: {  	_ =	swait.ge [sflag:s15], $0x6800  }
0x240: {  	[sflag:s15] =	ssyncset.done $0x0  }
0x241: {  	s22 =	rddreg [dreg:$0x19];
	[sflag:s15] =	ssyncadd.s32 $0xFFFF9800  }
0x242: {  	[spmem:s3] =	stream.indirect.scatter.add.f32 [tilespmem:s9], [sflag:$0x6], $0x80, s22, s10, $0xb8;
	[tilespmem:$0x1C080] =	vst v63  }
0x243: {  	s23 =	rddreg [dreg:$0x1a]  }
0x244: {  	[spmem:s3] =	stream.indirect.scatter.add.f32 [tilespmem:s17], [sflag:$0x6], $0x80, s23, s10, $0xb8;
	[tilespmem:$0x1C080] =	vst v63  }
0x245: {  	_ =	swait.ge [sflag:s11], $0x3400  }
0x246: {  	[sflag:s11] =	ssyncset.done $0x0  }
0x247: {  	[sflag:s11] =	ssyncadd.s32 $0xFFFFCC00  }
0x248: {  	_ =	swait.ge [sflag:s11], $0x3400  }
0x249: {  	[sflag:s11] =	ssyncset.done $0x0  }
0x24a: {  	s23 =	rddreg [dreg:$0xc];
	[sflag:s11] =	ssyncadd.s32 $0xFFFFCC00  }
0x24b: {  	[tilespmem:s5], [sflag:$0x1] =	stream.linear.gather [hbm4b:s23+s2], $0x6800, $0x38;
	[tilespmem:$0x1C080] =	vst v63  }
0x24c: {  	_ =	swait.ge [sflag:s18], $0x6800  }
0x24d: {  	[sflag:s18] =	ssyncset.done $0x0  }
0x24e: {  	s22 =	rddreg [dreg:$0x1b];
	[sflag:s18] =	ssyncadd.s32 $0xFFFF9800  }
0x24f: {  	[spmem:s3] =	stream.indirect.scatter.add.f32 [tilespmem:s7], [sflag:$0x7], $0x80, s22, s10, $0xb8;
	[tilespmem:$0x1C080] =	vst v63  }
0x250: {  	s23 =	rddreg [dreg:$0x1c]  }
0x251: {  	[spmem:s3] =	stream.indirect.scatter.add.f32 [tilespmem:s20], [sflag:$0x7], $0x80, s23, s10, $0xb8;
	[tilespmem:$0x1C080] =	vst v63  }
0x252: {  	_ =	swait.ge [sflag:s12], $0x3400  }
0x253: {  	[sflag:s12] =	ssyncset.done $0x0  }
0x254: {  	[sflag:s12] =	ssyncadd.s32 $0xFFFFCC00  }
0x255: {  	_ =	swait.ge [sflag:s12], $0x3400  }
0x256: {  	[sflag:s12] =	ssyncset.done $0x0  }
0x257: {  	s23 =	rddreg [dreg:$0xd];
	[sflag:s12] =	ssyncadd.s32 $0xFFFFCC00  }
0x258: {  	[tilespmem:s9], [sflag:$0x2] =	stream.linear.gather [hbm4b:s23+s2], $0x6800, $0x38;
	[tilespmem:$0x1C080] =	vst v63  }
0x259: {  	_ =	swait.ge [sflag:s25], $0x6800  }
0x25a: {  	[sflag:s25] =	ssyncset.done $0x0  }
0x25b: {  	s22 =	rddreg [dreg:$0x1d];
	[sflag:s25] =	ssyncadd.s32 $0xFFFF9800  }
0x25c: {  	[spmem:s3] =	stream.indirect.scatter.add.f32 [tilespmem:s19], [sflag:$0x8], $0x80, s22, s10, $0xb8;
	[tilespmem:$0x1C080] =	vst v63  }
0x25d: {  	s23 =	rddreg [dreg:$0x1e]  }
0x25e: {  	[spmem:s3] =	stream.indirect.scatter.add.f32 [tilespmem:s26], [sflag:$0x8], $0x80, s23, s10, $0xb8;
	[tilespmem:$0x1C080] =	vst v63  }
0x25f: {  	_ =	swait.ge [sflag:s13], $0x3400  }
0x260: {  	[sflag:s13] =	ssyncset.done $0x0  }
0x261: {  	[sflag:s13] =	ssyncadd.s32 $0xFFFFCC00  }
0x262: {  	_ =	swait.ge [sflag:s13], $0x3400  }
0x263: {  	[sflag:s13] =	ssyncset.done $0x0  }
0x264: {  	s23 =	rddreg [dreg:$0xe];
	[sflag:s13] =	ssyncadd.s32 $0xFFFFCC00  }
0x265: {  	[tilespmem:s7], [sflag:$0x3] =	stream.linear.gather [hbm4b:s23+s2], $0x6800, $0x38;
	[tilespmem:$0x1C080] =	vst v63  }
0x266: {  	_ =	swait.ge [sflag:s14], $0x6800  }
0x267: {  	s22 =	rddreg [dreg:$0x1f];
	[sflag:s14] =	ssyncset.done $0x0  }
0x268: {  	s23 =	sld [smem:$0x7EC];
	[sflag:s14] =	ssyncadd.s32 $0xFFFF9800  }
0x269: {  	[spmem:s3] =	stream.indirect.scatter.add.f32 [tilespmem:s5], [sflag:$0x5], $0x80, s22, s10, $0xb8;
	[tilespmem:$0x1C080] =	vst v63  }
0x26a: {  	_ = 	snop  }
0x26b: {  	[spmem:s3] =	stream.indirect.scatter.add.f32 [tilespmem:s16], [sflag:$0x5], $0x80, s23, s10, $0xb8;
	[tilespmem:$0x1C080] =	vst v63  }
0x26c: {  	_ =	swait.ge [sflag:s21], $0x3400  }
0x26d: {  	[sflag:s21] =	ssyncset.done $0x0  }
0x26e: {  	[sflag:s21] =	ssyncadd.s32 $0xFFFFCC00  }
0x26f: {  	_ =	swait.ge [sflag:s21], $0x3400  }
0x270: {  	[sflag:s21] =	ssyncset.done $0x0  }
0x271: {  	s23 =	rddreg [dreg:$0xf];
	[sflag:s21] =	ssyncadd.s32 $0xFFFFCC00  }
0x272: {  	[tilespmem:s19], [sflag:$0x4] =	stream.linear.gather [hbm4b:s23+s2], $0x6800, $0x38;
	[tilespmem:$0x1C080] =	vst v63  }
0x273: {  	_ =	swait.ge [sflag:s15], $0x6800  }
0x274: {  	s22 =	sld [smem:$0x7ED]  }
0x275: {  	[sflag:s15] =	ssyncset.done $0x0  }
0x276: {  	s23 =	sld [smem:$0x7EE];
	[sflag:s15] =	ssyncadd.s32 $0xFFFF9800  }
0x277: {  	[spmem:s3] =	stream.indirect.scatter.add.f32 [tilespmem:s9], [sflag:$0x6], $0x80, s22, s10, $0xb8;
	[tilespmem:$0x1C080] =	vst v63  }
0x278: {  	_ = 	snop  }
0x279: {  	[spmem:s3] =	stream.indirect.scatter.add.f32 [tilespmem:s17], [sflag:$0x6], $0x80, s23, s10, $0xb8;
	[tilespmem:$0x1C080] =	vst v63  }
0x27a: {  	_ =	swait.ge [sflag:s11], $0x3400  }
0x27b: {  	[sflag:s11] =	ssyncset.done $0x0  }
0x27c: {  	[sflag:s11] =	ssyncadd.s32 $0xFFFFCC00  }
0x27d: {  	_ =	swait.ge [sflag:s11], $0x3400  }
0x27e: {  	[sflag:s11] =	ssyncset.done $0x0  }
0x27f: {  	s23 =	rddreg [dreg:$0x10];
	[sflag:s11] =	ssyncadd.s32 $0xFFFFCC00  }
0x280: {  	[tilespmem:s5], [sflag:$0x1] =	stream.linear.gather [hbm4b:s23+s2], $0x6800, $0x38;
	[tilespmem:$0x1C080] =	vst v63  }
0x281: {  	_ =	swait.ge [sflag:s18], $0x6800  }
0x282: {  	s22 =	sld [smem:$0x7EF]  }
0x283: {  	[sflag:s18] =	ssyncset.done $0x0  }
0x284: {  	s23 =	sld [smem:$0x7F0];
	[sflag:s18] =	ssyncadd.s32 $0xFFFF9800  }
0x285: {  	[spmem:s3] =	stream.indirect.scatter.add.f32 [tilespmem:s7], [sflag:$0x7], $0x80, s22, s10, $0xb8;
	[tilespmem:$0x1C080] =	vst v63  }
0x286: {  	_ = 	snop  }
0x287: {  	[spmem:s3] =	stream.indirect.scatter.add.f32 [tilespmem:s20], [sflag:$0x7], $0x80, s23, s10, $0xb8;
	[tilespmem:$0x1C080] =	vst v63  }
0x288: {  	_ =	swait.ge [sflag:s12], $0x3400  }
0x289: {  	[sflag:s12] =	ssyncset.done $0x0  }
0x28a: {  	[sflag:s12] =	ssyncadd.s32 $0xFFFFCC00  }
0x28b: {  	_ =	swait.ge [sflag:s12], $0x3400  }
0x28c: {  	[sflag:s12] =	ssyncset.done $0x0  }
0x28d: {  	s23 =	rddreg [dreg:$0x11];
	[sflag:s12] =	ssyncadd.s32 $0xFFFFCC00  }
0x28e: {  	[tilespmem:s9], [sflag:$0x2] =	stream.linear.gather [hbm4b:s23+s2], $0x6800, $0x38;
	[tilespmem:$0x1C080] =	vst v63  }
0x28f: {  	_ =	swait.ge [sflag:s25], $0x6800  }
0x290: {  	s22 =	sld [smem:$0x7F1]  }
0x291: {  	[sflag:s25] =	ssyncset.done $0x0  }
0x292: {  	s23 =	sld [smem:$0x7F2];
	[sflag:s25] =	ssyncadd.s32 $0xFFFF9800  }
0x293: {  	[spmem:s3] =	stream.indirect.scatter.add.f32 [tilespmem:s19], [sflag:$0x8], $0x80, s22, s10, $0xb8;
	[tilespmem:$0x1C080] =	vst v63  }
0x294: {  	_ = 	snop  }
0x295: {  	[spmem:s3] =	stream.indirect.scatter.add.f32 [tilespmem:s26], [sflag:$0x8], $0x80, s23, s10, $0xb8;
	[tilespmem:$0x1C080] =	vst v63  }
0x296: {  	_ =	swait.ge [sflag:s13], $0x3400  }
0x297: {  	[sflag:s13] =	ssyncset.done $0x0  }
0x298: {  	[sflag:s13] =	ssyncadd.s32 $0xFFFFCC00  }
0x299: {  	_ =	swait.ge [sflag:s13], $0x3400  }
0x29a: {  	[sflag:s13] =	ssyncset.done $0x0  }
0x29b: {  	s23 =	rddreg [dreg:$0x12];
	[sflag:s13] =	ssyncadd.s32 $0xFFFFCC00  }
0x29c: {  	[tilespmem:s7], [sflag:$0x3] =	stream.linear.gather [hbm4b:s23+s2], $0x6800, $0x38;
	[tilespmem:$0x1C080] =	vst v63  }
0x29d: {  	_ =	swait.ge [sflag:s14], $0x6800  }
0x29e: {  	s22 =	sld [smem:$0x7F3]  }
0x29f: {  	[sflag:s14] =	ssyncset.done $0x0  }
0x2a0: {  	s23 =	sld [smem:$0x7F4];
	[sflag:s14] =	ssyncadd.s32 $0xFFFF9800  }
0x2a1: {  	[spmem:s3] =	stream.indirect.scatter.add.f32 [tilespmem:s5], [sflag:$0x5], $0x80, s22, s10, $0xb8;
	[tilespmem:$0x1C080] =	vst v63  }
0x2a2: {  	_ = 	snop  }
0x2a3: {  	[spmem:s3] =	stream.indirect.scatter.add.f32 [tilespmem:s16], [sflag:$0x5], $0x80, s23, s10, $0xb8;
	[tilespmem:$0x1C080] =	vst v63  }
0x2a4: {  	_ =	swait.ge [sflag:s21], $0x3400  }
0x2a5: {  	[sflag:s21] =	ssyncset.done $0x0  }
0x2a6: {  	[sflag:s21] =	ssyncadd.s32 $0xFFFFCC00  }
0x2a7: {  	_ =	swait.ge [sflag:s21], $0x3400  }
0x2a8: {  	[sflag:s21] =	ssyncset.done $0x0  }
0x2a9: {  	s23 =	rddreg [dreg:$0x13];
	[sflag:s21] =	ssyncadd.s32 $0xFFFFCC00  }
0x2aa: {  	[tilespmem:s19], [sflag:$0x4] =	stream.linear.gather [hbm4b:s23+s2], $0x6800, $0x38;
	[tilespmem:$0x1C080] =	vst v63  }
0x2ab: {  	_ =	swait.ge [sflag:s15], $0x6800  }
0x2ac: {  	s22 =	sld [smem:$0x7F5]  }
0x2ad: {  	[sflag:s15] =	ssyncset.done $0x0  }
0x2ae: {  	s23 =	sld [smem:$0x7F6];
	[sflag:s15] =	ssyncadd.s32 $0xFFFF9800  }
0x2af: {  	[spmem:s3] =	stream.indirect.scatter.add.f32 [tilespmem:s9], [sflag:$0x6], $0x80, s22, s10, $0xb8;
	[tilespmem:$0x1C080] =	vst v63  }
0x2b0: {  	_ = 	snop  }
0x2b1: {  	[spmem:s3] =	stream.indirect.scatter.add.f32 [tilespmem:s17], [sflag:$0x6], $0x80, s23, s10, $0xb8;
	[tilespmem:$0x1C080] =	vst v63  }
0x2b2: {  	_ =	swait.ge [sflag:s11], $0x3400  }
0x2b3: {  	[sflag:s11] =	ssyncset.done $0x0  }
0x2b4: {  	[sflag:s11] =	ssyncadd.s32 $0xFFFFCC00  }
0x2b5: {  	_ =	swait.ge [sflag:s11], $0x3400  }
0x2b6: {  	[sflag:s11] =	ssyncset.done $0x0  }
0x2b7: {  	s23 =	rddreg [dreg:$0x14];
	[sflag:s11] =	ssyncadd.s32 $0xFFFFCC00  }
0x2b8: {  	[tilespmem:s5], [sflag:$0x1] =	stream.linear.gather [hbm4b:s23+s2], $0x6800, $0x38;
	[tilespmem:$0x1C080] =	vst v63  }
0x2b9: {  	_ =	swait.ge [sflag:s18], $0x6800  }
0x2ba: {  	s22 =	sld [smem:$0x7F7]  }
0x2bb: {  	[sflag:s18] =	ssyncset.done $0x0  }
0x2bc: {  	s23 =	sld [smem:$0x7F8];
	[sflag:s18] =	ssyncadd.s32 $0xFFFF9800  }
0x2bd: {  	[spmem:s3] =	stream.indirect.scatter.add.f32 [tilespmem:s7], [sflag:$0x7], $0x80, s22, s10, $0xb8;
	[tilespmem:$0x1C080] =	vst v63  }
0x2be: {  	_ = 	snop  }
0x2bf: {  	[spmem:s3] =	stream.indirect.scatter.add.f32 [tilespmem:s20], [sflag:$0x7], $0x80, s23, s10, $0xb8;
	[tilespmem:$0x1C080] =	vst v63  }
0x2c0: {  	_ =	swait.ge [sflag:s12], $0x3400  }
0x2c1: {  	[sflag:s12] =	ssyncset.done $0x0  }
0x2c2: {  	[sflag:s12] =	ssyncadd.s32 $0xFFFFCC00  }
0x2c3: {  	_ =	swait.ge [sflag:s12], $0x3400  }
0x2c4: {  	[sflag:s12] =	ssyncset.done $0x0  }
0x2c5: {  	s23 =	rddreg [dreg:$0x15];
	[sflag:s12] =	ssyncadd.s32 $0xFFFFCC00  }
0x2c6: {  	[tilespmem:s9], [sflag:$0x2] =	stream.linear.gather [hbm4b:s23+s2], $0x6800, $0x38;
	[tilespmem:$0x1C080] =	vst v63  }
0x2c7: {  	_ =	swait.ge [sflag:s25], $0x6800  }
0x2c8: {  	s23 =	sld [smem:$0x7F9]  }
0x2c9: {  	[sflag:s25] =	ssyncset.done $0x0  }
0x2ca: {  	[sflag:s25] =	ssyncadd.s32 $0xFFFF9800;
	s25 =	sld [smem:$0x7FA]  }
0x2cb: {  	[spmem:s3] =	stream.indirect.scatter.add.f32 [tilespmem:s19], [sflag:$0x8], $0x80, s23, s10, $0xb8;
	[tilespmem:$0x1C080] =	vst v63  }
0x2cc: {  	_ = 	snop  }
0x2cd: {  	[spmem:s3] =	stream.indirect.scatter.add.f32 [tilespmem:s26], [sflag:$0x8], $0x80, s25, s10, $0xb8;
	[tilespmem:$0x1C080] =	vst v63  }
0x2ce: {  	_ =	swait.ge [sflag:s13], $0x3400  }
0x2cf: {  	[sflag:s13] =	ssyncset.done $0x0  }
0x2d0: {  	[sflag:s13] =	ssyncadd.s32 $0xFFFFCC00  }
0x2d1: {  	_ =	swait.ge [sflag:s13], $0x3400  }
0x2d2: {  	[sflag:s13] =	ssyncset.done $0x0  }
0x2d3: {  	s22 =	rddreg [dreg:$0x16];
	[sflag:s13] =	ssyncadd.s32 $0xFFFFCC00  }
0x2d4: {  	[tilespmem:s7], [sflag:$0x3] =	stream.linear.gather [hbm4b:s22+s2], $0x6800, $0x38;
	[tilespmem:$0x1C080] =	vst v63  }
0x2d5: {  	_ =	swait.ge [sflag:s14], $0x6800  }
0x2d6: {  	s23 =	sld [smem:$0x7FB]  }
0x2d7: {  	[sflag:s14] =	ssyncset.done $0x0  }
0x2d8: {  	s25 =	sld [smem:$0x7FC];
	[sflag:s14] =	ssyncadd.s32 $0xFFFF9800  }
0x2d9: {  	[spmem:s3] =	stream.indirect.scatter.add.f32 [tilespmem:s5], [sflag:$0x5], $0x80, s23, s10, $0xb8;
	[tilespmem:$0x1C080] =	vst v63  }
0x2da: {  	_ = 	snop  }
0x2db: {  	[spmem:s3] =	stream.indirect.scatter.add.f32 [tilespmem:s16], [sflag:$0x5], $0x80, s25, s10, $0xb8;
	[tilespmem:$0x1C080] =	vst v63  }
0x2dc: {  	_ =	swait.ge [sflag:s15], $0x6800  }
0x2dd: {  	s26 =	sld [smem:$0x7FD]  }
0x2de: {  	[sflag:s15] =	ssyncset.done $0x0  }
0x2df: {  	[sflag:s15] =	ssyncadd.s32 $0xFFFF9800  }
0x2e0: {  	[spmem:s3] =	stream.indirect.scatter.add.f32 [tilespmem:s9], [sflag:$0x6], $0x80, s26, s10, $0xb8;
	[tilespmem:$0x1C080] =	vst v63  }
0x2e1: {  	_ = 	snop  }
0x2e2: {  	[spmem:s3] =	stream.indirect.scatter.add.f32 [tilespmem:s17], [sflag:$0x6], $0x80, s28, s10, $0xb8;
	[tilespmem:$0x1C080] =	vst v63  }
0x2e3: {  	_ =	swait.ge [sflag:s18], $0x6800  }
0x2e4: {  	[sflag:s18] =	ssyncset.done $0x0  }
0x2e5: {  	[sflag:s18] =	ssyncadd.s32 $0xFFFF9800  }
0x2e6: {  	[spmem:s3] =	stream.indirect.scatter.add.f32 [tilespmem:s7], [sflag:$0x7], $0x80, s24, s10, $0xb8;
	[tilespmem:$0x1C080] =	vst v63  }
0x2e7: {  	_ = 	snop  }
0x2e8: {  	[spmem:s3] =	stream.indirect.scatter.add.f32 [tilespmem:s20], [sflag:$0x7], $0x80, s31, s10, $0xb8;
	[tilespmem:$0x1C080] =	vst v63  }
0x2e9: {  	_ =	swait.ge [sflag:s21], $0x3400  }
0x2ea: {  	[sflag:s21] =	ssyncset.done $0x0  }
0x2eb: {  	[sflag:s21] =	ssyncadd.s32 $0xFFFFCC00  }
0x2ec: {  	_ =	swait.ge [sflag:s21], $0x3400  }
0x2ed: {  	[sflag:s21] =	ssyncset.done $0x0  }
0x2ee: {  	[sflag:s21] =	ssyncadd.s32 $0xFFFFCC00  }
0x2ef: {  	_ =	swait.ge [sflag:s11], $0x3400  }
0x2f0: {  	[sflag:s11] =	ssyncset.done $0x0  }
0x2f1: {  	[sflag:s11] =	ssyncadd.s32 $0xFFFFCC00  }
0x2f2: {  	_ =	swait.ge [sflag:s11], $0x3400  }
0x2f3: {  	[sflag:s11] =	ssyncset.done $0x0  }
0x2f4: {  	[sflag:s11] =	ssyncadd.s32 $0xFFFFCC00  }
0x2f5: {  	_ =	swait.ge [sflag:s12], $0x3400  }
0x2f6: {  	[sflag:s12] =	ssyncset.done $0x0  }
0x2f7: {  	[sflag:s12] =	ssyncadd.s32 $0xFFFFCC00  }
0x2f8: {  	_ =	swait.ge [sflag:s12], $0x3400  }
0x2f9: {  	[sflag:s12] =	ssyncset.done $0x0  }
0x2fa: {  	[sflag:s12] =	ssyncadd.s32 $0xFFFFCC00  }
0x2fb: {  	_ =	swait.ge [sflag:s13], $0x3400  }
0x2fc: {  	[sflag:s13] =	ssyncset.done $0x0  }
0x2fd: {  	[sflag:s13] =	ssyncadd.s32 $0xFFFFCC00  }
0x2fe: {  	_ =	swait.ge [sflag:s13], $0x3400  }
0x2ff: {  	[sflag:s13] =	ssyncset.done $0x0  }
0x300: {  	s9 =	simm.s32 @!p0 $0x1080;
	s7 =	rddreg [dreg:$0x17];
	[sflag:s13] =	ssyncadd.s32 $0xFFFFCC00  }
0x301: {  	[tilespmem:s9], [sflag:$0x9] =	stream.linear.gather @!p0 [hbm4b:s7+s1], $0x2800, $0x38;
	[tilespmem:$0x1C080] =	vst v63  }
0x302: {  	_ =	swait.ge @!p0 [sflag:s0], $0x2800  }
0x303: {  	[sflag:s0] =	ssyncset.done @!p0 $0x0  }
0x304: {  	s7 =	simm.s32 @!p0 $0x50;
	s1 =	simm.s32 @!p0 $0x1000;
	[sflag:s0] =	ssyncadd.s32 @!p0 $0xFFFFD800  }
0x305: {  	[spmem:s3] =	stream.indirect.scatter.add.f32 @!p0 [tilespmem:s9], [sflag:$0x9], $0x80, s1, s7, $0xb8;
	[tilespmem:$0x1C080] =	vst v63  }
0x306: {  	_ =	swait.ge @!p0 [sflag:s0], $0x2800  }
0x307: {  	[sflag:s0] =	ssyncset.done @!p0 $0x0  }
0x308: {  	[sflag:s0] =	ssyncadd.s32 @!p0 $0xFFFFD800  }
0x309: {  	[bflag:$0x0] =	sbarrier.arrive $0xFFFF  }
0x30a: {  	[tilespmem:s5], [sflag:$0x9] =	stream.linear.gather [spmem:s4], $0x1000, $0x38;
	[tilespmem:$0x1C080] =	vst v63  }
0x30b: {  	_ =	swait.ge [sflag:s6], $0x1000  }
0x30c: {  	[sflag:s6] =	ssyncset.done $0x0  }
0x30d: {  	[sflag:s6] =	ssyncadd.s32 $0xFFFFF000  }
0x30e: {  	[hbm4b:s8+s2] =	stream.linear.scatter [tilespmem:s5], [sflag:$0x9], $0x1000, $0x38;
	[tilespmem:$0x1C080] =	vst v63  }
0x30f: {  	_ =	swait.ge [sflag:s6], $0x1000  }
0x310: {  	[sflag:s6] =	ssyncset.done $0x0  }
0x311: {  	[sflag:s6] =	ssyncadd.s32 $0xFFFFF000  }
0x312: {  	_ =	sfence.sel $0x180000  }
0x313: {  	[bflag:$0x0] =	sbarrier.arrive $0xFFFF  }
0x314: {  	p0 =	sne.s32 s29, $0x0;
	_ =	strace $0x90000047  }
0x315: {  	s0 =	sadd.s32 @!p0 $0x100000, s30;
	[bflag:$0x2] =	sbarrier.arrive $0xFFFF  }
0x316: {  	[sflag:s0] =	ssyncadd.tile.s32 @!p0 $0x1;
	_ =	shalt  }
.LBB2_1:
.Ltmp3:
0x317: {  	(pc) =	sbr.rel .LBB2_6-.Ltmp3, $2  }
0x318: {  	_ =	sdelay $0x2  }
0x319: {  	s28 =	simm.s32 $0xD80  }
.LBB2_3:
.Ltmp4:
0x31a: {  	(pc) =	sbr.rel .LBB2_6-.Ltmp4, $3  }
0x31b: {  	_ =	sdelay $0x1  }
0x31c: {  	s28 =	simm.s32 $0xD80;
	s29 =	stileid.u32  }
0x31d: {  	s30 =	rddreg [dreg:$0x4];
	s24 =	simm.s32 $0xE00;
	s31 =	simm.s32 $0xE80  }
.Lfunc_end2:
_tile_overlayer_lowered:
.L_overlay_start_2:
0x31e: {  	(tag) =	ssettag $0x2  }
0x31f: {  	s0 =	rddreg [dreg:$0x0];
	s2 =	stileid.u32  }
0x320: {  	s1 =	rddreg [dreg:$0x1];
	p0 =	sne.s32 s2, $0x0  }
0x321: {  	s3 =	rddreg [dreg:$0x2];
	[bflag:$0x3] =	sbarrier.arrive $0xFFFF;
	s2 =	simm.s32 @!p0 $0x1C09  }
0x322: {  	[timem:s3], [sflag:s2] =	dma.local @!p0 [hbm:s0], s1  }
0x323: {  	s0 =	simm.s32 @!p0 $0x9  }
0x324: {  	_ =	swait.ge @!p0 [sflag:s0], s1  }
0x325: {  	s1 =	ssub.s32 @!p0 $0x0, s1;
	[sflag:s0] =	ssyncset.done @!p0 $0x0  }
0x326: {  	[sflag:s0] =	ssyncadd.s32 @!p0 s1  }
0x327: {  	[bflag:$0x3] =	sbarrier.arrive $0xFFFF  }
0x328: {  	_ =	shalt  }

</sc_bundles>
